<compile_context>
chip_gen: v7x
topology: tpu7x:2x2x1
jax: 0.10.2.dev20260603
libtpu: 0.0.44.dev20260713+nightly
codegen_flags: <defaults>
</compile_context>

<pallas_src>
import functools

import jax
import jax.numpy as jnp
from jax import lax
from jax.experimental import pallas as pl
from jax.experimental.pallas import tpu as pltpu
from jax.experimental.pallas import tpu_sc as plsc

_E = 16
_ROWS = 8192
_COLS = 2048
_INV_N = 1.0 / float(_ROWS * _COLS)
_ALPHA = 1.0 / 1000.0
_Z = 0.001

_SC_ROWS = 1536
_TC_ROWS = _ROWS - _SC_ROWS
_NTILES = 32
_TROWS = _SC_ROWS // _NTILES
_CHR = 8
_NCHUNK = _TROWS // _CHR
_STRIPS = _COLS // _E

_BLK = 256
_GRID = _TC_ROWS // (2 * _BLK)


def _tc_sum_body(a_ref, b_ref, out_ref, acc_ref):
    i = pl.program_id(0)

    @pl.when(i == 0)
    def _init():
        acc_ref[0] = 0.0

    acc_ref[0] += jnp.sum(a_ref[...]) + jnp.sum(b_ref[...])

    @pl.when(i == _GRID - 1)
    def _fin():
        ids = lax.broadcasted_iota(jnp.int32, (1, _E), 1)
        out_ref[...] = jnp.where(ids == 0, acc_ref[0], 0.0)


def _tc_partial_sum(wm_state):
    wm3d = wm_state.reshape(_ROWS // _BLK, _BLK, _COLS)
    return pl.pallas_call(
        _tc_sum_body,
        grid=(_GRID,),
        in_specs=[
            pl.BlockSpec((_BLK, _COLS), lambda i: (2 * i, 0)),
            pl.BlockSpec((1, _BLK, _COLS), lambda i: (2 * i + 1, 0, 0)),
        ],
        out_specs=pl.BlockSpec((1, _E), lambda i: (0, 0)),
        out_shape=jax.ShapeDtypeStruct((1, _E), jnp.float32),
        scratch_shapes=[pltpu.SMEM((1,), jnp.float32)],
    )(wm_state, wm3d)


_SC_MESH = plsc.VectorSubcoreMesh(core_axis_name="c", subcore_axis_name="s")


@functools.partial(
    pl.kernel,
    out_type=jax.ShapeDtypeStruct((_NTILES, _E), jnp.float32),
    mesh=_SC_MESH,
    compiler_params=pltpu.CompilerParams(
        needs_layout_passes=False, use_tc_tiling_on_sc=True),
    scratch_types=[
        pltpu.VMEM((_CHR, _COLS), jnp.float32),
        pltpu.VMEM((_CHR, _COLS), jnp.float32),
        pltpu.VMEM((_E,), jnp.float32),
        pltpu.SemaphoreType.DMA,
        pltpu.SemaphoreType.DMA,
    ],
)
def _sc_partial_sums(wm_hbm, parts_hbm, b0, b1, v_out, s0, s1):
    cid = lax.axis_index("c")
    sid = lax.axis_index("s")
    wid = sid * 2 + cid
    row0 = _TC_ROWS + wid * _TROWS

    bufs = (b0, b1)
    sems = (s0, s1)

    accs = (jnp.zeros((_E,), jnp.float32),) * 4
    pending = pltpu.async_copy(wm_hbm.at[pl.ds(row0, _CHR)], b0, s0)
    for k in range(_NCHUNK):
        nxt = None
        if k + 1 < _NCHUNK:
            nxt = pltpu.async_copy(
                wm_hbm.at[pl.ds(row0 + (k + 1) * _CHR, _CHR)],
                bufs[(k + 1) % 2], sems[(k + 1) % 2])
        pending.wait()
        buf = bufs[k % 2]

        for r in range(_CHR):
            def _body(j, accs, buf=buf, r=r):
                a0, a1, a2, a3 = accs
                off = j * (4 * _E)
                return (a0 + buf[r, pl.ds(off, _E)],
                        a1 + buf[r, pl.ds(off + _E, _E)],
                        a2 + buf[r, pl.ds(off + 2 * _E, _E)],
                        a3 + buf[r, pl.ds(off + 3 * _E, _E)])

            accs = lax.fori_loop(0, _STRIPS // 4, _body, accs)
        pending = nxt

    v_out[...] = (accs[0] + accs[1]) + (accs[2] + accs[3])
    pltpu.sync_copy(v_out, parts_hbm.at[wid])


def _combine_body(tc_ref, parts_ref, proto_ref, ema_ref,
                  mask_ref, probs_ref, loss_ref, idx_ref, usage_ref):
    total = jnp.sum(parts_ref[...]) + jnp.sum(tc_ref[...])
    x = total * _INV_N
    ids = lax.broadcasted_iota(jnp.int32, (1, _E), 1)
    p = proto_ref[...]
    sim = -((p - x) ** 2)
    m = jnp.max(sim)
    e = jnp.exp(sim - m)
    probs = e / jnp.sum(e)
    m1 = jnp.max(probs)
    i1 = jnp.min(jnp.where(probs == m1, ids, _E))
    hit1 = ids == i1
    probs2 = jnp.where(hit1, -jnp.inf, probs)
    m2 = jnp.max(probs2)
    i2 = jnp.min(jnp.where(probs2 == m2, ids, _E))
    mask = (hit1 | (ids == i2)).astype(jnp.float32)
    usage = (1.0 - _ALPHA) * ema_ref[...] + _ALPHA * mask
    d = usage - (1.0 / _E)
    loss = jnp.sum(d * d) * (1.0 / _E) * _Z
    mask_ref[...] = mask
    probs_ref[...] = probs
    loss_ref[...] = jnp.full((1, _E), loss, jnp.float32)
    idx_ref[...] = jnp.where(ids == 0, i1, jnp.where(ids == 1, i2, 0))
    usage_ref[...] = usage


def _combine(tc16, sc_parts, proto2d, ema2d):
    full = pl.BlockSpec((1, _E), lambda: (0, 0))
    return pl.pallas_call(
        _combine_body,
        in_specs=[full, pl.BlockSpec((_NTILES, _E), lambda: (0, 0)),
                  full, full],
        out_specs=[full, full, full, full, full],
        out_shape=[
            jax.ShapeDtypeStruct((1, _E), jnp.float32),
            jax.ShapeDtypeStruct((1, _E), jnp.float32),
            jax.ShapeDtypeStruct((1, _E), jnp.float32),
            jax.ShapeDtypeStruct((1, _E), jnp.int32),
            jax.ShapeDtypeStruct((1, _E), jnp.float32),
        ],
    )(tc16, sc_parts, proto2d, ema2d)


@jax.jit
def kernel(wm_state, prototypes, usage_ema):
    sc_parts = _sc_partial_sums(wm_state)
    tc16 = _tc_partial_sum(wm_state)
    mask2d, probs2d, loss2d, idx2d, usage2d = _combine(
        tc16, sc_parts, prototypes.reshape(1, _E), usage_ema.reshape(1, _E))
    return (mask2d[0], probs2d[0], loss2d[0, 0], idx2d[0, :2], usage2d[0])

# --- scband reference (transcript-rebuilt; emitter-appended) ---
"""Pipeline reference for scband-gwrouter-87806311400112 (READ-ONLY COPY).

The authoritative reference and input builder live on the scoring server;
editing this copy changes nothing except your own understanding.
"""

import jax, jax.numpy as jnp
import numpy as np

NUM_EXPERTS = 16
TOP_K = 2
Z_LOSS = 0.001
USAGE_EMA_TAU = 1000.0


def setup_inputs(seed: int = 0) -> dict:
    key = jax.random.key(seed)
    k1, k2 = jax.random.split(key)
    wm_state = jax.random.normal(k1, (8192, 2048), dtype=jnp.float32)
    prototypes = jax.random.normal(k2, (NUM_EXPERTS, 1), dtype=jnp.float32)
    usage_ema = jnp.zeros((NUM_EXPERTS,), dtype=jnp.float32)
    return {"wm_state": wm_state, "prototypes": prototypes, "usage_ema": usage_ema}


def reference(wm_state, prototypes, usage_ema):
    # x = wm_state.mean().unsqueeze(0)
    x = wm_state.mean()[None]
    # sim = -(prototypes - x)^2, squeeze last dim -> [E]
    sim = -jnp.squeeze((prototypes - x) ** 2, axis=-1)
    probs = jax.nn.softmax(sim, axis=-1)
    topk_vals, topk_idx = jax.lax.top_k(probs, TOP_K)
    # mask[topk_idx] = 1.0 (scatter-overwrite)
    mask = jnp.zeros_like(probs).at[topk_idx].set(1.0)
    alpha = 1.0 / max(float(USAGE_EMA_TAU), 1.0)
    new_usage_ema = (1.0 - alpha) * usage_ema + alpha * jax.lax.stop_gradient(mask)
    target = jnp.full_like(new_usage_ema, 1.0 / NUM_EXPERTS)
    usage_balance = ((new_usage_ema - target) ** 2).mean()
    balance_loss = usage_balance * Z_LOSS
    return (mask, probs, balance_loss, topk_idx, new_usage_ema)

if __name__ == "__main__":
    import jax
    _d = setup_inputs()
    print(jax.jit(kernel)(*tuple(_d.values())))

</pallas_src>

<mosaic_0001>
#map = affine_map<(d0, d1) -> (0, 0)>
module attributes {stable_mosaic.version = 14 : i64} {
  func.func @_sc_partial_sums(%arg0: i32, %arg1: i32, %arg2: memref<8192x2048xf32, #tpu.memory_space<hbm>>, %arg3: memref<32x16xf32, #tpu.memory_space<hbm>>, %arg4: memref<8x2048xf32, #tpu.memory_space<vmem>>, %arg5: memref<8x2048xf32, #tpu.memory_space<vmem>>, %arg6: memref<16xf32, #tpu.memory_space<vmem>>, %arg7: memref<!tpu.dma_semaphore, #tpu.memory_space<semaphore_mem>>, %arg8: memref<!tpu.dma_semaphore, #tpu.memory_space<semaphore_mem>>) attributes {dimension_semantics = [#tpu.dimension_semantics<core_parallel>, #tpu.dimension_semantics<subcore_parallel>], iteration_bounds = array<i64: 2, 16>, scalar_prefetch = 0 : i64, scratch_operands = 5 : i64, tpu.core_type = #tpu.core_type<sc_vector_subcore>, window_params = [{transform_indices = #map}, {transform_indices = #map}]} {
    %mul3A = arith.constant 2 : i32
    %mul3A_0 = arith.muli %arg1, %mul3A : i32
    %add3A = arith.addi %mul3A_0, %arg0 : i32
    %mul3A_1 = arith.constant 48 : i32
    %mul3A_2 = arith.muli %add3A, %mul3A_1 : i32
    %add3A_3 = arith.constant 6656 : i32
    %add3A_4 = arith.addi %add3A_3, %mul3A_2 : i32
    %broadcast_in_dim3A = arith.constant 0.000000e+00 : f32
    %broadcast_in_dim3A_5 = vector.broadcast %broadcast_in_dim3A : f32 to vector<16xf32>
    %dma_start3A = arith.constant 0 : i32
    %dma_start3A_6 = tpu.memref_slice %arg2[%add3A_4, %dma_start3A] : memref<8192x2048xf32, #tpu.memory_space<hbm>> -> memref<8x2048xf32, #tpu.memory_space<hbm>>
    %dma_start3A_7 = arith.constant 0 : i32
    %dma_start3A_8 = tpu.memref_slice %arg2[%add3A_4, %dma_start3A_7] : memref<8192x2048xf32, #tpu.memory_space<hbm>> -> memref<8x2048xf32, #tpu.memory_space<hbm>>
    tpu.enqueue_dma source(%dma_start3A_8 : memref<8x2048xf32, #tpu.memory_space<hbm>>) target(%arg4 : memref<8x2048xf32, #tpu.memory_space<vmem>>) target_semaphore(%arg7 : memref<!tpu.dma_semaphore, #tpu.memory_space<semaphore_mem>>)
    %add3A_9 = arith.constant 8 : i32
    %add3A_10 = arith.addi %add3A_4, %add3A_9 : i32
    %dma_start3A_11 = arith.constant 0 : i32
    %dma_start3A_12 = tpu.memref_slice %arg2[%add3A_10, %dma_start3A_11] : memref<8192x2048xf32, #tpu.memory_space<hbm>> -> memref<8x2048xf32, #tpu.memory_space<hbm>>
    %dma_start3A_13 = arith.constant 0 : i32
    %dma_start3A_14 = tpu.memref_slice %arg2[%add3A_10, %dma_start3A_13] : memref<8192x2048xf32, #tpu.memory_space<hbm>> -> memref<8x2048xf32, #tpu.memory_space<hbm>>
    tpu.enqueue_dma source(%dma_start3A_14 : memref<8x2048xf32, #tpu.memory_space<hbm>>) target(%arg5 : memref<8x2048xf32, #tpu.memory_space<vmem>>) target_semaphore(%arg8 : memref<!tpu.dma_semaphore, #tpu.memory_space<semaphore_mem>>)
    %dma_wait3A = arith.constant 0 : i32
    %dma_wait3A_15 = tpu.memref_slice %arg2[%add3A_4, %dma_wait3A] : memref<8192x2048xf32, #tpu.memory_space<hbm>> -> memref<8x2048xf32, #tpu.memory_space<hbm>>
    %dma_wait3A_16 = arith.constant 0 : i32
    %dma_wait3A_17 = tpu.memref_slice %arg2[%add3A_4, %dma_wait3A_16] : memref<8192x2048xf32, #tpu.memory_space<hbm>> -> memref<8x2048xf32, #tpu.memory_space<hbm>>
    tpu.wait_dma2 semaphore(%arg7 : memref<!tpu.dma_semaphore, #tpu.memory_space<semaphore_mem>>) src(%dma_wait3A_17 : memref<8x2048xf32, #tpu.memory_space<hbm>>) dst(%arg4 : memref<8x2048xf32, #tpu.memory_space<vmem>>)
    %scan3A = arith.constant 0 : i32
    %scan3A_18 = arith.constant 32 : i32
    %scan3A_19 = arith.addi %scan3A, %scan3A_18 : i32
    %scan3A_20 = arith.constant 1 : i32
    %scan3A_21:4 = scf.for %scan3A_353 = %scan3A to %scan3A_19 step %scan3A_20 iter_args(%scan3A_354 = %broadcast_in_dim3A_5, %scan3A_355 = %broadcast_in_dim3A_5, %scan3A_356 = %broadcast_in_dim3A_5, %scan3A_357 = %broadcast_in_dim3A_5) -> (vector<16xf32>, vector<16xf32>, vector<16xf32>, vector<16xf32>)  : i32 {
      %mul3A_358 = arith.constant 64 : i32
      %mul3A_359 = arith.muli %scan3A_353, %mul3A_358 : i32
      %get3A = arith.constant 0 : i32
      %get3A_360 = arith.index_cast %get3A : i32 to index
      %get3A_361 = arith.index_cast %mul3A_359 : i32 to index
      %get3A_362 = tpu.vector_load %arg4[%get3A_360, %get3A_361] {strides = array<i32>} : memref<8x2048xf32, #tpu.memory_space<vmem>>, vector<16xf32>,
      %add3A_363 = arith.addf %scan3A_354, %get3A_362 : vector<16xf32>
      %add3A_364 = arith.constant 16 : i32
      %add3A_365 = arith.addi %mul3A_359, %add3A_364 : i32
      %get3A_366 = arith.constant 0 : i32
      %get3A_367 = arith.index_cast %get3A_366 : i32 to index
      %get3A_368 = arith.index_cast %add3A_365 : i32 to index
      %get3A_369 = tpu.vector_load %arg4[%get3A_367, %get3A_368] {strides = array<i32>} : memref<8x2048xf32, #tpu.memory_space<vmem>>, vector<16xf32>,
      %add3A_370 = arith.addf %scan3A_355, %get3A_369 : vector<16xf32>
      %add3A_371 = arith.constant 32 : i32
      %add3A_372 = arith.addi %mul3A_359, %add3A_371 : i32
      %get3A_373 = arith.constant 0 : i32
      %get3A_374 = arith.index_cast %get3A_373 : i32 to index
      %get3A_375 = arith.index_cast %add3A_372 : i32 to index
      %get3A_376 = tpu.vector_load %arg4[%get3A_374, %get3A_375] {strides = array<i32>} : memref<8x2048xf32, #tpu.memory_space<vmem>>, vector<16xf32>,
      %add3A_377 = arith.addf %scan3A_356, %get3A_376 : vector<16xf32>
      %add3A_378 = arith.constant 48 : i32
      %add3A_379 = arith.addi %mul3A_359, %add3A_378 : i32
      %get3A_380 = arith.constant 0 : i32
      %get3A_381 = arith.index_cast %get3A_380 : i32 to index
      %get3A_382 = arith.index_cast %add3A_379 : i32 to index
      %get3A_383 = tpu.vector_load %arg4[%get3A_381, %get3A_382] {strides = array<i32>} : memref<8x2048xf32, #tpu.memory_space<vmem>>, vector<16xf32>,
      %add3A_384 = arith.addf %scan3A_357, %get3A_383 : vector<16xf32>
      scf.yield %add3A_363, %add3A_370, %add3A_377, %add3A_384 : vector<16xf32>, vector<16xf32>, vector<16xf32>, vector<16xf32>
    }
    %scan3A_22 = arith.constant 32 : i32
    %scan3A_23 = arith.constant 0 : i32
    %scan3A_24 = arith.constant 32 : i32
    %scan3A_25 = arith.addi %scan3A_23, %scan3A_24 : i32
    %scan3A_26 = arith.constant 1 : i32
    %scan3A_27:4 = scf.for %scan3A_353 = %scan3A_23 to %scan3A_25 step %scan3A_26 iter_args(%scan3A_354 = %scan3A_21#0, %scan3A_355 = %scan3A_21#1, %scan3A_356 = %scan3A_21#2, %scan3A_357 = %scan3A_21#3) -> (vector<16xf32>, vector<16xf32>, vector<16xf32>, vector<16xf32>)  : i32 {
      %mul3A_358 = arith.constant 64 : i32
      %mul3A_359 = arith.muli %scan3A_353, %mul3A_358 : i32
      %get3A = arith.constant 1 : i32
      %get3A_360 = arith.index_cast %get3A : i32 to index
      %get3A_361 = arith.index_cast %mul3A_359 : i32 to index
      %get3A_362 = tpu.vector_load %arg4[%get3A_360, %get3A_361] {strides = array<i32>} : memref<8x2048xf32, #tpu.memory_space<vmem>>, vector<16xf32>,
      %add3A_363 = arith.addf %scan3A_354, %get3A_362 : vector<16xf32>
      %add3A_364 = arith.constant 16 : i32
      %add3A_365 = arith.addi %mul3A_359, %add3A_364 : i32
      %get3A_366 = arith.constant 1 : i32
      %get3A_367 = arith.index_cast %get3A_366 : i32 to index
      %get3A_368 = arith.index_cast %add3A_365 : i32 to index
      %get3A_369 = tpu.vector_load %arg4[%get3A_367, %get3A_368] {strides = array<i32>} : memref<8x2048xf32, #tpu.memory_space<vmem>>, vector<16xf32>,
      %add3A_370 = arith.addf %scan3A_355, %get3A_369 : vector<16xf32>
      %add3A_371 = arith.constant 32 : i32
      %add3A_372 = arith.addi %mul3A_359, %add3A_371 : i32
      %get3A_373 = arith.constant 1 : i32
      %get3A_374 = arith.index_cast %get3A_373 : i32 to index
      %get3A_375 = arith.index_cast %add3A_372 : i32 to index
      %get3A_376 = tpu.vector_load %arg4[%get3A_374, %get3A_375] {strides = array<i32>} : memref<8x2048xf32, #tpu.memory_space<vmem>>, vector<16xf32>,
      %add3A_377 = arith.addf %scan3A_356, %get3A_376 : vector<16xf32>
      %add3A_378 = arith.constant 48 : i32
      %add3A_379 = arith.addi %mul3A_359, %add3A_378 : i32
      %get3A_380 = arith.constant 1 : i32
      %get3A_381 = arith.index_cast %get3A_380 : i32 to index
      %get3A_382 = arith.index_cast %add3A_379 : i32 to index
      %get3A_383 = tpu.vector_load %arg4[%get3A_381, %get3A_382] {strides = array<i32>} : memref<8x2048xf32, #tpu.memory_space<vmem>>, vector<16xf32>,
      %add3A_384 = arith.addf %scan3A_357, %get3A_383 : vector<16xf32>
      scf.yield %add3A_363, %add3A_370, %add3A_377, %add3A_384 : vector<16xf32>, vector<16xf32>, vector<16xf32>, vector<16xf32>
    }
    %scan3A_28 = arith.constant 32 : i32
    %scan3A_29 = arith.constant 0 : i32
    %scan3A_30 = arith.constant 32 : i32
    %scan3A_31 = arith.addi %scan3A_29, %scan3A_30 : i32
    %scan3A_32 = arith.constant 1 : i32
    %scan3A_33:4 = scf.for %scan3A_353 = %scan3A_29 to %scan3A_31 step %scan3A_32 iter_args(%scan3A_354 = %scan3A_27#0, %scan3A_355 = %scan3A_27#1, %scan3A_356 = %scan3A_27#2, %scan3A_357 = %scan3A_27#3) -> (vector<16xf32>, vector<16xf32>, vector<16xf32>, vector<16xf32>)  : i32 {
      %mul3A_358 = arith.constant 64 : i32
      %mul3A_359 = arith.muli %scan3A_353, %mul3A_358 : i32
      %get3A = arith.constant 2 : i32
      %get3A_360 = arith.index_cast %get3A : i32 to index
      %get3A_361 = arith.index_cast %mul3A_359 : i32 to index
      %get3A_362 = tpu.vector_load %arg4[%get3A_360, %get3A_361] {strides = array<i32>} : memref<8x2048xf32, #tpu.memory_space<vmem>>, vector<16xf32>,
      %add3A_363 = arith.addf %scan3A_354, %get3A_362 : vector<16xf32>
      %add3A_364 = arith.constant 16 : i32
      %add3A_365 = arith.addi %mul3A_359, %add3A_364 : i32
      %get3A_366 = arith.constant 2 : i32
      %get3A_367 = arith.index_cast %get3A_366 : i32 to index
      %get3A_368 = arith.index_cast %add3A_365 : i32 to index
      %get3A_369 = tpu.vector_load %arg4[%get3A_367, %get3A_368] {strides = array<i32>} : memref<8x2048xf32, #tpu.memory_space<vmem>>, vector<16xf32>,
      %add3A_370 = arith.addf %scan3A_355, %get3A_369 : vector<16xf32>
      %add3A_371 = arith.constant 32 : i32
      %add3A_372 = arith.addi %mul3A_359, %add3A_371 : i32
      %get3A_373 = arith.constant 2 : i32
      %get3A_374 = arith.index_cast %get3A_373 : i32 to index
      %get3A_375 = arith.index_cast %add3A_372 : i32 to index
      %get3A_376 = tpu.vector_load %arg4[%get3A_374, %get3A_375] {strides = array<i32>} : memref<8x2048xf32, #tpu.memory_space<vmem>>, vector<16xf32>,
      %add3A_377 = arith.addf %scan3A_356, %get3A_376 : vector<16xf32>
      %add3A_378 = arith.constant 48 : i32
      %add3A_379 = arith.addi %mul3A_359, %add3A_378 : i32
      %get3A_380 = arith.constant 2 : i32
      %get3A_381 = arith.index_cast %get3A_380 : i32 to index
      %get3A_382 = arith.index_cast %add3A_379 : i32 to index
      %get3A_383 = tpu.vector_load %arg4[%get3A_381, %get3A_382] {strides = array<i32>} : memref<8x2048xf32, #tpu.memory_space<vmem>>, vector<16xf32>,
      %add3A_384 = arith.addf %scan3A_357, %get3A_383 : vector<16xf32>
      scf.yield %add3A_363, %add3A_370, %add3A_377, %add3A_384 : vector<16xf32>, vector<16xf32>, vector<16xf32>, vector<16xf32>
    }
    %scan3A_34 = arith.constant 32 : i32
    %scan3A_35 = arith.constant 0 : i32
    %scan3A_36 = arith.constant 32 : i32
    %scan3A_37 = arith.addi %scan3A_35, %scan3A_36 : i32
    %scan3A_38 = arith.constant 1 : i32
    %scan3A_39:4 = scf.for %scan3A_353 = %scan3A_35 to %scan3A_37 step %scan3A_38 iter_args(%scan3A_354 = %scan3A_33#0, %scan3A_355 = %scan3A_33#1, %scan3A_356 = %scan3A_33#2, %scan3A_357 = %scan3A_33#3) -> (vector<16xf32>, vector<16xf32>, vector<16xf32>, vector<16xf32>)  : i32 {
      %mul3A_358 = arith.constant 64 : i32
      %mul3A_359 = arith.muli %scan3A_353, %mul3A_358 : i32
      %get3A = arith.constant 3 : i32
      %get3A_360 = arith.index_cast %get3A : i32 to index
      %get3A_361 = arith.index_cast %mul3A_359 : i32 to index
      %get3A_362 = tpu.vector_load %arg4[%get3A_360, %get3A_361] {strides = array<i32>} : memref<8x2048xf32, #tpu.memory_space<vmem>>, vector<16xf32>,
      %add3A_363 = arith.addf %scan3A_354, %get3A_362 : vector<16xf32>
      %add3A_364 = arith.constant 16 : i32
      %add3A_365 = arith.addi %mul3A_359, %add3A_364 : i32
      %get3A_366 = arith.constant 3 : i32
      %get3A_367 = arith.index_cast %get3A_366 : i32 to index
      %get3A_368 = arith.index_cast %add3A_365 : i32 to index
      %get3A_369 = tpu.vector_load %arg4[%get3A_367, %get3A_368] {strides = array<i32>} : memref<8x2048xf32, #tpu.memory_space<vmem>>, vector<16xf32>,
      %add3A_370 = arith.addf %scan3A_355, %get3A_369 : vector<16xf32>
      %add3A_371 = arith.constant 32 : i32
      %add3A_372 = arith.addi %mul3A_359, %add3A_371 : i32
      %get3A_373 = arith.constant 3 : i32
      %get3A_374 = arith.index_cast %get3A_373 : i32 to index
      %get3A_375 = arith.index_cast %add3A_372 : i32 to index
      %get3A_376 = tpu.vector_load %arg4[%get3A_374, %get3A_375] {strides = array<i32>} : memref<8x2048xf32, #tpu.memory_space<vmem>>, vector<16xf32>,
      %add3A_377 = arith.addf %scan3A_356, %get3A_376 : vector<16xf32>
      %add3A_378 = arith.constant 48 : i32
      %add3A_379 = arith.addi %mul3A_359, %add3A_378 : i32
      %get3A_380 = arith.constant 3 : i32
      %get3A_381 = arith.index_cast %get3A_380 : i32 to index
      %get3A_382 = arith.index_cast %add3A_379 : i32 to index
      %get3A_383 = tpu.vector_load %arg4[%get3A_381, %get3A_382] {strides = array<i32>} : memref<8x2048xf32, #tpu.memory_space<vmem>>, vector<16xf32>,
      %add3A_384 = arith.addf %scan3A_357, %get3A_383 : vector<16xf32>
      scf.yield %add3A_363, %add3A_370, %add3A_377, %add3A_384 : vector<16xf32>, vector<16xf32>, vector<16xf32>, vector<16xf32>
    }
    %scan3A_40 = arith.constant 32 : i32
    %scan3A_41 = arith.constant 0 : i32
    %scan3A_42 = arith.constant 32 : i32
    %scan3A_43 = arith.addi %scan3A_41, %scan3A_42 : i32
    %scan3A_44 = arith.constant 1 : i32
    %scan3A_45:4 = scf.for %scan3A_353 = %scan3A_41 to %scan3A_43 step %scan3A_44 iter_args(%scan3A_354 = %scan3A_39#0, %scan3A_355 = %scan3A_39#1, %scan3A_356 = %scan3A_39#2, %scan3A_357 = %scan3A_39#3) -> (vector<16xf32>, vector<16xf32>, vector<16xf32>, vector<16xf32>)  : i32 {
      %mul3A_358 = arith.constant 64 : i32
      %mul3A_359 = arith.muli %scan3A_353, %mul3A_358 : i32
      %get3A = arith.constant 4 : i32
      %get3A_360 = arith.index_cast %get3A : i32 to index
      %get3A_361 = arith.index_cast %mul3A_359 : i32 to index
      %get3A_362 = tpu.vector_load %arg4[%get3A_360, %get3A_361] {strides = array<i32>} : memref<8x2048xf32, #tpu.memory_space<vmem>>, vector<16xf32>,
      %add3A_363 = arith.addf %scan3A_354, %get3A_362 : vector<16xf32>
      %add3A_364 = arith.constant 16 : i32
      %add3A_365 = arith.addi %mul3A_359, %add3A_364 : i32
      %get3A_366 = arith.constant 4 : i32
      %get3A_367 = arith.index_cast %get3A_366 : i32 to index
      %get3A_368 = arith.index_cast %add3A_365 : i32 to index
      %get3A_369 = tpu.vector_load %arg4[%get3A_367, %get3A_368] {strides = array<i32>} : memref<8x2048xf32, #tpu.memory_space<vmem>>, vector<16xf32>,
      %add3A_370 = arith.addf %scan3A_355, %get3A_369 : vector<16xf32>
      %add3A_371 = arith.constant 32 : i32
      %add3A_372 = arith.addi %mul3A_359, %add3A_371 : i32
      %get3A_373 = arith.constant 4 : i32
      %get3A_374 = arith.index_cast %get3A_373 : i32 to index
      %get3A_375 = arith.index_cast %add3A_372 : i32 to index
      %get3A_376 = tpu.vector_load %arg4[%get3A_374, %get3A_375] {strides = array<i32>} : memref<8x2048xf32, #tpu.memory_space<vmem>>, vector<16xf32>,
      %add3A_377 = arith.addf %scan3A_356, %get3A_376 : vector<16xf32>
      %add3A_378 = arith.constant 48 : i32
      %add3A_379 = arith.addi %mul3A_359, %add3A_378 : i32
      %get3A_380 = arith.constant 4 : i32
      %get3A_381 = arith.index_cast %get3A_380 : i32 to index
      %get3A_382 = arith.index_cast %add3A_379 : i32 to index
      %get3A_383 = tpu.vector_load %arg4[%get3A_381, %get3A_382] {strides = array<i32>} : memref<8x2048xf32, #tpu.memory_space<vmem>>, vector<16xf32>,
      %add3A_384 = arith.addf %scan3A_357, %get3A_383 : vector<16xf32>
      scf.yield %add3A_363, %add3A_370, %add3A_377, %add3A_384 : vector<16xf32>, vector<16xf32>, vector<16xf32>, vector<16xf32>
    }
    %scan3A_46 = arith.constant 32 : i32
    %scan3A_47 = arith.constant 0 : i32
    %scan3A_48 = arith.constant 32 : i32
    %scan3A_49 = arith.addi %scan3A_47, %scan3A_48 : i32
    %scan3A_50 = arith.constant 1 : i32
    %scan3A_51:4 = scf.for %scan3A_353 = %scan3A_47 to %scan3A_49 step %scan3A_50 iter_args(%scan3A_354 = %scan3A_45#0, %scan3A_355 = %scan3A_45#1, %scan3A_356 = %scan3A_45#2, %scan3A_357 = %scan3A_45#3) -> (vector<16xf32>, vector<16xf32>, vector<16xf32>, vector<16xf32>)  : i32 {
      %mul3A_358 = arith.constant 64 : i32
      %mul3A_359 = arith.muli %scan3A_353, %mul3A_358 : i32
      %get3A = arith.constant 5 : i32
      %get3A_360 = arith.index_cast %get3A : i32 to index
      %get3A_361 = arith.index_cast %mul3A_359 : i32 to index
      %get3A_362 = tpu.vector_load %arg4[%get3A_360, %get3A_361] {strides = array<i32>} : memref<8x2048xf32, #tpu.memory_space<vmem>>, vector<16xf32>,
      %add3A_363 = arith.addf %scan3A_354, %get3A_362 : vector<16xf32>
      %add3A_364 = arith.constant 16 : i32
      %add3A_365 = arith.addi %mul3A_359, %add3A_364 : i32
      %get3A_366 = arith.constant 5 : i32
      %get3A_367 = arith.index_cast %get3A_366 : i32 to index
      %get3A_368 = arith.index_cast %add3A_365 : i32 to index
      %get3A_369 = tpu.vector_load %arg4[%get3A_367, %get3A_368] {strides = array<i32>} : memref<8x2048xf32, #tpu.memory_space<vmem>>, vector<16xf32>,
      %add3A_370 = arith.addf %scan3A_355, %get3A_369 : vector<16xf32>
      %add3A_371 = arith.constant 32 : i32
      %add3A_372 = arith.addi %mul3A_359, %add3A_371 : i32
      %get3A_373 = arith.constant 5 : i32
      %get3A_374 = arith.index_cast %get3A_373 : i32 to index
      %get3A_375 = arith.index_cast %add3A_372 : i32 to index
      %get3A_376 = tpu.vector_load %arg4[%get3A_374, %get3A_375] {strides = array<i32>} : memref<8x2048xf32, #tpu.memory_space<vmem>>, vector<16xf32>,
      %add3A_377 = arith.addf %scan3A_356, %get3A_376 : vector<16xf32>
      %add3A_378 = arith.constant 48 : i32
      %add3A_379 = arith.addi %mul3A_359, %add3A_378 : i32
      %get3A_380 = arith.constant 5 : i32
      %get3A_381 = arith.index_cast %get3A_380 : i32 to index
      %get3A_382 = arith.index_cast %add3A_379 : i32 to index
      %get3A_383 = tpu.vector_load %arg4[%get3A_381, %get3A_382] {strides = array<i32>} : memref<8x2048xf32, #tpu.memory_space<vmem>>, vector<16xf32>,
      %add3A_384 = arith.addf %scan3A_357, %get3A_383 : vector<16xf32>
      scf.yield %add3A_363, %add3A_370, %add3A_377, %add3A_384 : vector<16xf32>, vector<16xf32>, vector<16xf32>, vector<16xf32>
    }
    %scan3A_52 = arith.constant 32 : i32
    %scan3A_53 = arith.constant 0 : i32
    %scan3A_54 = arith.constant 32 : i32
    %scan3A_55 = arith.addi %scan3A_53, %scan3A_54 : i32
    %scan3A_56 = arith.constant 1 : i32
    %scan3A_57:4 = scf.for %scan3A_353 = %scan3A_53 to %scan3A_55 step %scan3A_56 iter_args(%scan3A_354 = %scan3A_51#0, %scan3A_355 = %scan3A_51#1, %scan3A_356 = %scan3A_51#2, %scan3A_357 = %scan3A_51#3) -> (vector<16xf32>, vector<16xf32>, vector<16xf32>, vector<16xf32>)  : i32 {
      %mul3A_358 = arith.constant 64 : i32
      %mul3A_359 = arith.muli %scan3A_353, %mul3A_358 : i32
      %get3A = arith.constant 6 : i32
      %get3A_360 = arith.index_cast %get3A : i32 to index
      %get3A_361 = arith.index_cast %mul3A_359 : i32 to index
      %get3A_362 = tpu.vector_load %arg4[%get3A_360, %get3A_361] {strides = array<i32>} : memref<8x2048xf32, #tpu.memory_space<vmem>>, vector<16xf32>,
      %add3A_363 = arith.addf %scan3A_354, %get3A_362 : vector<16xf32>
      %add3A_364 = arith.constant 16 : i32
      %add3A_365 = arith.addi %mul3A_359, %add3A_364 : i32
      %get3A_366 = arith.constant 6 : i32
      %get3A_367 = arith.index_cast %get3A_366 : i32 to index
      %get3A_368 = arith.index_cast %add3A_365 : i32 to index
      %get3A_369 = tpu.vector_load %arg4[%get3A_367, %get3A_368] {strides = array<i32>} : memref<8x2048xf32, #tpu.memory_space<vmem>>, vector<16xf32>,
      %add3A_370 = arith.addf %scan3A_355, %get3A_369 : vector<16xf32>
      %add3A_371 = arith.constant 32 : i32
      %add3A_372 = arith.addi %mul3A_359, %add3A_371 : i32
      %get3A_373 = arith.constant 6 : i32
      %get3A_374 = arith.index_cast %get3A_373 : i32 to index
      %get3A_375 = arith.index_cast %add3A_372 : i32 to index
      %get3A_376 = tpu.vector_load %arg4[%get3A_374, %get3A_375] {strides = array<i32>} : memref<8x2048xf32, #tpu.memory_space<vmem>>, vector<16xf32>,
      %add3A_377 = arith.addf %scan3A_356, %get3A_376 : vector<16xf32>
      %add3A_378 = arith.constant 48 : i32
      %add3A_379 = arith.addi %mul3A_359, %add3A_378 : i32
      %get3A_380 = arith.constant 6 : i32
      %get3A_381 = arith.index_cast %get3A_380 : i32 to index
      %get3A_382 = arith.index_cast %add3A_379 : i32 to index
      %get3A_383 = tpu.vector_load %arg4[%get3A_381, %get3A_382] {strides = array<i32>} : memref<8x2048xf32, #tpu.memory_space<vmem>>, vector<16xf32>,
      %add3A_384 = arith.addf %scan3A_357, %get3A_383 : vector<16xf32>
      scf.yield %add3A_363, %add3A_370, %add3A_377, %add3A_384 : vector<16xf32>, vector<16xf32>, vector<16xf32>, vector<16xf32>
    }
    %scan3A_58 = arith.constant 32 : i32
    %scan3A_59 = arith.constant 0 : i32
    %scan3A_60 = arith.constant 32 : i32
    %scan3A_61 = arith.addi %scan3A_59, %scan3A_60 : i32
    %scan3A_62 = arith.constant 1 : i32
    %scan3A_63:4 = scf.for %scan3A_353 = %scan3A_59 to %scan3A_61 step %scan3A_62 iter_args(%scan3A_354 = %scan3A_57#0, %scan3A_355 = %scan3A_57#1, %scan3A_356 = %scan3A_57#2, %scan3A_357 = %scan3A_57#3) -> (vector<16xf32>, vector<16xf32>, vector<16xf32>, vector<16xf32>)  : i32 {
      %mul3A_358 = arith.constant 64 : i32
      %mul3A_359 = arith.muli %scan3A_353, %mul3A_358 : i32
      %get3A = arith.constant 7 : i32
      %get3A_360 = arith.index_cast %get3A : i32 to index
      %get3A_361 = arith.index_cast %mul3A_359 : i32 to index
      %get3A_362 = tpu.vector_load %arg4[%get3A_360, %get3A_361] {strides = array<i32>} : memref<8x2048xf32, #tpu.memory_space<vmem>>, vector<16xf32>,
      %add3A_363 = arith.addf %scan3A_354, %get3A_362 : vector<16xf32>
      %add3A_364 = arith.constant 16 : i32
      %add3A_365 = arith.addi %mul3A_359, %add3A_364 : i32
      %get3A_366 = arith.constant 7 : i32
      %get3A_367 = arith.index_cast %get3A_366 : i32 to index
      %get3A_368 = arith.index_cast %add3A_365 : i32 to index
      %get3A_369 = tpu.vector_load %arg4[%get3A_367, %get3A_368] {strides = array<i32>} : memref<8x2048xf32, #tpu.memory_space<vmem>>, vector<16xf32>,
      %add3A_370 = arith.addf %scan3A_355, %get3A_369 : vector<16xf32>
      %add3A_371 = arith.constant 32 : i32
      %add3A_372 = arith.addi %mul3A_359, %add3A_371 : i32
      %get3A_373 = arith.constant 7 : i32
      %get3A_374 = arith.index_cast %get3A_373 : i32 to index
      %get3A_375 = arith.index_cast %add3A_372 : i32 to index
      %get3A_376 = tpu.vector_load %arg4[%get3A_374, %get3A_375] {strides = array<i32>} : memref<8x2048xf32, #tpu.memory_space<vmem>>, vector<16xf32>,
      %add3A_377 = arith.addf %scan3A_356, %get3A_376 : vector<16xf32>
      %add3A_378 = arith.constant 48 : i32
      %add3A_379 = arith.addi %mul3A_359, %add3A_378 : i32
      %get3A_380 = arith.constant 7 : i32
      %get3A_381 = arith.index_cast %get3A_380 : i32 to index
      %get3A_382 = arith.index_cast %add3A_379 : i32 to index
      %get3A_383 = tpu.vector_load %arg4[%get3A_381, %get3A_382] {strides = array<i32>} : memref<8x2048xf32, #tpu.memory_space<vmem>>, vector<16xf32>,
      %add3A_384 = arith.addf %scan3A_357, %get3A_383 : vector<16xf32>
      scf.yield %add3A_363, %add3A_370, %add3A_377, %add3A_384 : vector<16xf32>, vector<16xf32>, vector<16xf32>, vector<16xf32>
    }
    %scan3A_64 = arith.constant 32 : i32
    %add3A_65 = arith.constant 16 : i32
    %add3A_66 = arith.addi %add3A_4, %add3A_65 : i32
    %dma_start3A_67 = arith.constant 0 : i32
    %dma_start3A_68 = tpu.memref_slice %arg2[%add3A_66, %dma_start3A_67] : memref<8192x2048xf32, #tpu.memory_space<hbm>> -> memref<8x2048xf32, #tpu.memory_space<hbm>>
    %dma_start3A_69 = arith.constant 0 : i32
    %dma_start3A_70 = tpu.memref_slice %arg2[%add3A_66, %dma_start3A_69] : memref<8192x2048xf32, #tpu.memory_space<hbm>> -> memref<8x2048xf32, #tpu.memory_space<hbm>>
    tpu.enqueue_dma source(%dma_start3A_70 : memref<8x2048xf32, #tpu.memory_space<hbm>>) target(%arg4 : memref<8x2048xf32, #tpu.memory_space<vmem>>) target_semaphore(%arg7 : memref<!tpu.dma_semaphore, #tpu.memory_space<semaphore_mem>>)
    %dma_wait3A_71 = arith.constant 0 : i32
    %dma_wait3A_72 = tpu.memref_slice %arg2[%add3A_10, %dma_wait3A_71] : memref<8192x2048xf32, #tpu.memory_space<hbm>> -> memref<8x2048xf32, #tpu.memory_space<hbm>>
    %dma_wait3A_73 = arith.constant 0 : i32
    %dma_wait3A_74 = tpu.memref_slice %arg2[%add3A_10, %dma_wait3A_73] : memref<8192x2048xf32, #tpu.memory_space<hbm>> -> memref<8x2048xf32, #tpu.memory_space<hbm>>
    tpu.wait_dma2 semaphore(%arg8 : memref<!tpu.dma_semaphore, #tpu.memory_space<semaphore_mem>>) src(%dma_wait3A_74 : memref<8x2048xf32, #tpu.memory_space<hbm>>) dst(%arg5 : memref<8x2048xf32, #tpu.memory_space<vmem>>)
    %scan3A_75 = arith.constant 0 : i32
    %scan3A_76 = arith.constant 32 : i32
    %scan3A_77 = arith.addi %scan3A_75, %scan3A_76 : i32
    %scan3A_78 = arith.constant 1 : i32
    %scan3A_79:4 = scf.for %scan3A_353 = %scan3A_75 to %scan3A_77 step %scan3A_78 iter_args(%scan3A_354 = %scan3A_63#0, %scan3A_355 = %scan3A_63#1, %scan3A_356 = %scan3A_63#2, %scan3A_357 = %scan3A_63#3) -> (vector<16xf32>, vector<16xf32>, vector<16xf32>, vector<16xf32>)  : i32 {
      %mul3A_358 = arith.constant 64 : i32
      %mul3A_359 = arith.muli %scan3A_353, %mul3A_358 : i32
      %get3A = arith.constant 0 : i32
      %get3A_360 = arith.index_cast %get3A : i32 to index
      %get3A_361 = arith.index_cast %mul3A_359 : i32 to index
      %get3A_362 = tpu.vector_load %arg5[%get3A_360, %get3A_361] {strides = array<i32>} : memref<8x2048xf32, #tpu.memory_space<vmem>>, vector<16xf32>,
      %add3A_363 = arith.addf %scan3A_354, %get3A_362 : vector<16xf32>
      %add3A_364 = arith.constant 16 : i32
      %add3A_365 = arith.addi %mul3A_359, %add3A_364 : i32
      %get3A_366 = arith.constant 0 : i32
      %get3A_367 = arith.index_cast %get3A_366 : i32 to index
      %get3A_368 = arith.index_cast %add3A_365 : i32 to index
      %get3A_369 = tpu.vector_load %arg5[%get3A_367, %get3A_368] {strides = array<i32>} : memref<8x2048xf32, #tpu.memory_space<vmem>>, vector<16xf32>,
      %add3A_370 = arith.addf %scan3A_355, %get3A_369 : vector<16xf32>
      %add3A_371 = arith.constant 32 : i32
      %add3A_372 = arith.addi %mul3A_359, %add3A_371 : i32
      %get3A_373 = arith.constant 0 : i32
      %get3A_374 = arith.index_cast %get3A_373 : i32 to index
      %get3A_375 = arith.index_cast %add3A_372 : i32 to index
      %get3A_376 = tpu.vector_load %arg5[%get3A_374, %get3A_375] {strides = array<i32>} : memref<8x2048xf32, #tpu.memory_space<vmem>>, vector<16xf32>,
      %add3A_377 = arith.addf %scan3A_356, %get3A_376 : vector<16xf32>
      %add3A_378 = arith.constant 48 : i32
      %add3A_379 = arith.addi %mul3A_359, %add3A_378 : i32
      %get3A_380 = arith.constant 0 : i32
      %get3A_381 = arith.index_cast %get3A_380 : i32 to index
      %get3A_382 = arith.index_cast %add3A_379 : i32 to index
      %get3A_383 = tpu.vector_load %arg5[%get3A_381, %get3A_382] {strides = array<i32>} : memref<8x2048xf32, #tpu.memory_space<vmem>>, vector<16xf32>,
      %add3A_384 = arith.addf %scan3A_357, %get3A_383 : vector<16xf32>
      scf.yield %add3A_363, %add3A_370, %add3A_377, %add3A_384 : vector<16xf32>, vector<16xf32>, vector<16xf32>, vector<16xf32>
    }
    %scan3A_80 = arith.constant 32 : i32
    %scan3A_81 = arith.constant 0 : i32
    %scan3A_82 = arith.constant 32 : i32
    %scan3A_83 = arith.addi %scan3A_81, %scan3A_82 : i32
    %scan3A_84 = arith.constant 1 : i32
    %scan3A_85:4 = scf.for %scan3A_353 = %scan3A_81 to %scan3A_83 step %scan3A_84 iter_args(%scan3A_354 = %scan3A_79#0, %scan3A_355 = %scan3A_79#1, %scan3A_356 = %scan3A_79#2, %scan3A_357 = %scan3A_79#3) -> (vector<16xf32>, vector<16xf32>, vector<16xf32>, vector<16xf32>)  : i32 {
      %mul3A_358 = arith.constant 64 : i32
      %mul3A_359 = arith.muli %scan3A_353, %mul3A_358 : i32
      %get3A = arith.constant 1 : i32
      %get3A_360 = arith.index_cast %get3A : i32 to index
      %get3A_361 = arith.index_cast %mul3A_359 : i32 to index
      %get3A_362 = tpu.vector_load %arg5[%get3A_360, %get3A_361] {strides = array<i32>} : memref<8x2048xf32, #tpu.memory_space<vmem>>, vector<16xf32>,
      %add3A_363 = arith.addf %scan3A_354, %get3A_362 : vector<16xf32>
      %add3A_364 = arith.constant 16 : i32
      %add3A_365 = arith.addi %mul3A_359, %add3A_364 : i32
      %get3A_366 = arith.constant 1 : i32
      %get3A_367 = arith.index_cast %get3A_366 : i32 to index
      %get3A_368 = arith.index_cast %add3A_365 : i32 to index
      %get3A_369 = tpu.vector_load %arg5[%get3A_367, %get3A_368] {strides = array<i32>} : memref<8x2048xf32, #tpu.memory_space<vmem>>, vector<16xf32>,
      %add3A_370 = arith.addf %scan3A_355, %get3A_369 : vector<16xf32>
      %add3A_371 = arith.constant 32 : i32
      %add3A_372 = arith.addi %mul3A_359, %add3A_371 : i32
      %get3A_373 = arith.constant 1 : i32
      %get3A_374 = arith.index_cast %get3A_373 : i32 to index
      %get3A_375 = arith.index_cast %add3A_372 : i32 to index
      %get3A_376 = tpu.vector_load %arg5[%get3A_374, %get3A_375] {strides = array<i32>} : memref<8x2048xf32, #tpu.memory_space<vmem>>, vector<16xf32>,
      %add3A_377 = arith.addf %scan3A_356, %get3A_376 : vector<16xf32>
      %add3A_378 = arith.constant 48 : i32
      %add3A_379 = arith.addi %mul3A_359, %add3A_378 : i32
      %get3A_380 = arith.constant 1 : i32
      %get3A_381 = arith.index_cast %get3A_380 : i32 to index
      %get3A_382 = arith.index_cast %add3A_379 : i32 to index
      %get3A_383 = tpu.vector_load %arg5[%get3A_381, %get3A_382] {strides = array<i32>} : memref<8x2048xf32, #tpu.memory_space<vmem>>, vector<16xf32>,
      %add3A_384 = arith.addf %scan3A_357, %get3A_383 : vector<16xf32>
      scf.yield %add3A_363, %add3A_370, %add3A_377, %add3A_384 : vector<16xf32>, vector<16xf32>, vector<16xf32>, vector<16xf32>
    }
    %scan3A_86 = arith.constant 32 : i32
    %scan3A_87 = arith.constant 0 : i32
    %scan3A_88 = arith.constant 32 : i32
    %scan3A_89 = arith.addi %scan3A_87, %scan3A_88 : i32
    %scan3A_90 = arith.constant 1 : i32
    %scan3A_91:4 = scf.for %scan3A_353 = %scan3A_87 to %scan3A_89 step %scan3A_90 iter_args(%scan3A_354 = %scan3A_85#0, %scan3A_355 = %scan3A_85#1, %scan3A_356 = %scan3A_85#2, %scan3A_357 = %scan3A_85#3) -> (vector<16xf32>, vector<16xf32>, vector<16xf32>, vector<16xf32>)  : i32 {
      %mul3A_358 = arith.constant 64 : i32
      %mul3A_359 = arith.muli %scan3A_353, %mul3A_358 : i32
      %get3A = arith.constant 2 : i32
      %get3A_360 = arith.index_cast %get3A : i32 to index
      %get3A_361 = arith.index_cast %mul3A_359 : i32 to index
      %get3A_362 = tpu.vector_load %arg5[%get3A_360, %get3A_361] {strides = array<i32>} : memref<8x2048xf32, #tpu.memory_space<vmem>>, vector<16xf32>,
      %add3A_363 = arith.addf %scan3A_354, %get3A_362 : vector<16xf32>
      %add3A_364 = arith.constant 16 : i32
      %add3A_365 = arith.addi %mul3A_359, %add3A_364 : i32
      %get3A_366 = arith.constant 2 : i32
      %get3A_367 = arith.index_cast %get3A_366 : i32 to index
      %get3A_368 = arith.index_cast %add3A_365 : i32 to index
      %get3A_369 = tpu.vector_load %arg5[%get3A_367, %get3A_368] {strides = array<i32>} : memref<8x2048xf32, #tpu.memory_space<vmem>>, vector<16xf32>,
      %add3A_370 = arith.addf %scan3A_355, %get3A_369 : vector<16xf32>
      %add3A_371 = arith.constant 32 : i32
      %add3A_372 = arith.addi %mul3A_359, %add3A_371 : i32
      %get3A_373 = arith.constant 2 : i32
      %get3A_374 = arith.index_cast %get3A_373 : i32 to index
      %get3A_375 = arith.index_cast %add3A_372 : i32 to index
      %get3A_376 = tpu.vector_load %arg5[%get3A_374, %get3A_375] {strides = array<i32>} : memref<8x2048xf32, #tpu.memory_space<vmem>>, vector<16xf32>,
      %add3A_377 = arith.addf %scan3A_356, %get3A_376 : vector<16xf32>
      %add3A_378 = arith.constant 48 : i32
      %add3A_379 = arith.addi %mul3A_359, %add3A_378 : i32
      %get3A_380 = arith.constant 2 : i32
      %get3A_381 = arith.index_cast %get3A_380 : i32 to index
      %get3A_382 = arith.index_cast %add3A_379 : i32 to index
      %get3A_383 = tpu.vector_load %arg5[%get3A_381, %get3A_382] {strides = array<i32>} : memref<8x2048xf32, #tpu.memory_space<vmem>>, vector<16xf32>,
      %add3A_384 = arith.addf %scan3A_357, %get3A_383 : vector<16xf32>
      scf.yield %add3A_363, %add3A_370, %add3A_377, %add3A_384 : vector<16xf32>, vector<16xf32>, vector<16xf32>, vector<16xf32>
    }
    %scan3A_92 = arith.constant 32 : i32
    %scan3A_93 = arith.constant 0 : i32
    %scan3A_94 = arith.constant 32 : i32
    %scan3A_95 = arith.addi %scan3A_93, %scan3A_94 : i32
    %scan3A_96 = arith.constant 1 : i32
    %scan3A_97:4 = scf.for %scan3A_353 = %scan3A_93 to %scan3A_95 step %scan3A_96 iter_args(%scan3A_354 = %scan3A_91#0, %scan3A_355 = %scan3A_91#1, %scan3A_356 = %scan3A_91#2, %scan3A_357 = %scan3A_91#3) -> (vector<16xf32>, vector<16xf32>, vector<16xf32>, vector<16xf32>)  : i32 {
      %mul3A_358 = arith.constant 64 : i32
      %mul3A_359 = arith.muli %scan3A_353, %mul3A_358 : i32
      %get3A = arith.constant 3 : i32
      %get3A_360 = arith.index_cast %get3A : i32 to index
      %get3A_361 = arith.index_cast %mul3A_359 : i32 to index
      %get3A_362 = tpu.vector_load %arg5[%get3A_360, %get3A_361] {strides = array<i32>} : memref<8x2048xf32, #tpu.memory_space<vmem>>, vector<16xf32>,
      %add3A_363 = arith.addf %scan3A_354, %get3A_362 : vector<16xf32>
      %add3A_364 = arith.constant 16 : i32
      %add3A_365 = arith.addi %mul3A_359, %add3A_364 : i32
      %get3A_366 = arith.constant 3 : i32
      %get3A_367 = arith.index_cast %get3A_366 : i32 to index
      %get3A_368 = arith.index_cast %add3A_365 : i32 to index
      %get3A_369 = tpu.vector_load %arg5[%get3A_367, %get3A_368] {strides = array<i32>} : memref<8x2048xf32, #tpu.memory_space<vmem>>, vector<16xf32>,
      %add3A_370 = arith.addf %scan3A_355, %get3A_369 : vector<16xf32>
      %add3A_371 = arith.constant 32 : i32
      %add3A_372 = arith.addi %mul3A_359, %add3A_371 : i32
      %get3A_373 = arith.constant 3 : i32
      %get3A_374 = arith.index_cast %get3A_373 : i32 to index
      %get3A_375 = arith.index_cast %add3A_372 : i32 to index
      %get3A_376 = tpu.vector_load %arg5[%get3A_374, %get3A_375] {strides = array<i32>} : memref<8x2048xf32, #tpu.memory_space<vmem>>, vector<16xf32>,
      %add3A_377 = arith.addf %scan3A_356, %get3A_376 : vector<16xf32>
      %add3A_378 = arith.constant 48 : i32
      %add3A_379 = arith.addi %mul3A_359, %add3A_378 : i32
      %get3A_380 = arith.constant 3 : i32
      %get3A_381 = arith.index_cast %get3A_380 : i32 to index
      %get3A_382 = arith.index_cast %add3A_379 : i32 to index
      %get3A_383 = tpu.vector_load %arg5[%get3A_381, %get3A_382] {strides = array<i32>} : memref<8x2048xf32, #tpu.memory_space<vmem>>, vector<16xf32>,
      %add3A_384 = arith.addf %scan3A_357, %get3A_383 : vector<16xf32>
      scf.yield %add3A_363, %add3A_370, %add3A_377, %add3A_384 : vector<16xf32>, vector<16xf32>, vector<16xf32>, vector<16xf32>
    }
    %scan3A_98 = arith.constant 32 : i32
    %scan3A_99 = arith.constant 0 : i32
    %scan3A_100 = arith.constant 32 : i32
    %scan3A_101 = arith.addi %scan3A_99, %scan3A_100 : i32
    %scan3A_102 = arith.constant 1 : i32
    %scan3A_103:4 = scf.for %scan3A_353 = %scan3A_99 to %scan3A_101 step %scan3A_102 iter_args(%scan3A_354 = %scan3A_97#0, %scan3A_355 = %scan3A_97#1, %scan3A_356 = %scan3A_97#2, %scan3A_357 = %scan3A_97#3) -> (vector<16xf32>, vector<16xf32>, vector<16xf32>, vector<16xf32>)  : i32 {
      %mul3A_358 = arith.constant 64 : i32
      %mul3A_359 = arith.muli %scan3A_353, %mul3A_358 : i32
      %get3A = arith.constant 4 : i32
      %get3A_360 = arith.index_cast %get3A : i32 to index
      %get3A_361 = arith.index_cast %mul3A_359 : i32 to index
      %get3A_362 = tpu.vector_load %arg5[%get3A_360, %get3A_361] {strides = array<i32>} : memref<8x2048xf32, #tpu.memory_space<vmem>>, vector<16xf32>,
      %add3A_363 = arith.addf %scan3A_354, %get3A_362 : vector<16xf32>
      %add3A_364 = arith.constant 16 : i32
      %add3A_365 = arith.addi %mul3A_359, %add3A_364 : i32
      %get3A_366 = arith.constant 4 : i32
      %get3A_367 = arith.index_cast %get3A_366 : i32 to index
      %get3A_368 = arith.index_cast %add3A_365 : i32 to index
      %get3A_369 = tpu.vector_load %arg5[%get3A_367, %get3A_368] {strides = array<i32>} : memref<8x2048xf32, #tpu.memory_space<vmem>>, vector<16xf32>,
      %add3A_370 = arith.addf %scan3A_355, %get3A_369 : vector<16xf32>
      %add3A_371 = arith.constant 32 : i32
      %add3A_372 = arith.addi %mul3A_359, %add3A_371 : i32
      %get3A_373 = arith.constant 4 : i32
      %get3A_374 = arith.index_cast %get3A_373 : i32 to index
      %get3A_375 = arith.index_cast %add3A_372 : i32 to index
      %get3A_376 = tpu.vector_load %arg5[%get3A_374, %get3A_375] {strides = array<i32>} : memref<8x2048xf32, #tpu.memory_space<vmem>>, vector<16xf32>,
      %add3A_377 = arith.addf %scan3A_356, %get3A_376 : vector<16xf32>
      %add3A_378 = arith.constant 48 : i32
      %add3A_379 = arith.addi %mul3A_359, %add3A_378 : i32
      %get3A_380 = arith.constant 4 : i32
      %get3A_381 = arith.index_cast %get3A_380 : i32 to index
      %get3A_382 = arith.index_cast %add3A_379 : i32 to index
      %get3A_383 = tpu.vector_load %arg5[%get3A_381, %get3A_382] {strides = array<i32>} : memref<8x2048xf32, #tpu.memory_space<vmem>>, vector<16xf32>,
      %add3A_384 = arith.addf %scan3A_357, %get3A_383 : vector<16xf32>
      scf.yield %add3A_363, %add3A_370, %add3A_377, %add3A_384 : vector<16xf32>, vector<16xf32>, vector<16xf32>, vector<16xf32>
    }
    %scan3A_104 = arith.constant 32 : i32
    %scan3A_105 = arith.constant 0 : i32
    %scan3A_106 = arith.constant 32 : i32
    %scan3A_107 = arith.addi %scan3A_105, %scan3A_106 : i32
    %scan3A_108 = arith.constant 1 : i32
    %scan3A_109:4 = scf.for %scan3A_353 = %scan3A_105 to %scan3A_107 step %scan3A_108 iter_args(%scan3A_354 = %scan3A_103#0, %scan3A_355 = %scan3A_103#1, %scan3A_356 = %scan3A_103#2, %scan3A_357 = %scan3A_103#3) -> (vector<16xf32>, vector<16xf32>, vector<16xf32>, vector<16xf32>)  : i32 {
      %mul3A_358 = arith.constant 64 : i32
      %mul3A_359 = arith.muli %scan3A_353, %mul3A_358 : i32
      %get3A = arith.constant 5 : i32
      %get3A_360 = arith.index_cast %get3A : i32 to index
      %get3A_361 = arith.index_cast %mul3A_359 : i32 to index
      %get3A_362 = tpu.vector_load %arg5[%get3A_360, %get3A_361] {strides = array<i32>} : memref<8x2048xf32, #tpu.memory_space<vmem>>, vector<16xf32>,
      %add3A_363 = arith.addf %scan3A_354, %get3A_362 : vector<16xf32>
      %add3A_364 = arith.constant 16 : i32
      %add3A_365 = arith.addi %mul3A_359, %add3A_364 : i32
      %get3A_366 = arith.constant 5 : i32
      %get3A_367 = arith.index_cast %get3A_366 : i32 to index
      %get3A_368 = arith.index_cast %add3A_365 : i32 to index
      %get3A_369 = tpu.vector_load %arg5[%get3A_367, %get3A_368] {strides = array<i32>} : memref<8x2048xf32, #tpu.memory_space<vmem>>, vector<16xf32>,
      %add3A_370 = arith.addf %scan3A_355, %get3A_369 : vector<16xf32>
      %add3A_371 = arith.constant 32 : i32
      %add3A_372 = arith.addi %mul3A_359, %add3A_371 : i32
      %get3A_373 = arith.constant 5 : i32
      %get3A_374 = arith.index_cast %get3A_373 : i32 to index
      %get3A_375 = arith.index_cast %add3A_372 : i32 to index
      %get3A_376 = tpu.vector_load %arg5[%get3A_374, %get3A_375] {strides = array<i32>} : memref<8x2048xf32, #tpu.memory_space<vmem>>, vector<16xf32>,
      %add3A_377 = arith.addf %scan3A_356, %get3A_376 : vector<16xf32>
      %add3A_378 = arith.constant 48 : i32
      %add3A_379 = arith.addi %mul3A_359, %add3A_378 : i32
      %get3A_380 = arith.constant 5 : i32
      %get3A_381 = arith.index_cast %get3A_380 : i32 to index
      %get3A_382 = arith.index_cast %add3A_379 : i32 to index
      %get3A_383 = tpu.vector_load %arg5[%get3A_381, %get3A_382] {strides = array<i32>} : memref<8x2048xf32, #tpu.memory_space<vmem>>, vector<16xf32>,
      %add3A_384 = arith.addf %scan3A_357, %get3A_383 : vector<16xf32>
      scf.yield %add3A_363, %add3A_370, %add3A_377, %add3A_384 : vector<16xf32>, vector<16xf32>, vector<16xf32>, vector<16xf32>
    }
    %scan3A_110 = arith.constant 32 : i32
    %scan3A_111 = arith.constant 0 : i32
    %scan3A_112 = arith.constant 32 : i32
    %scan3A_113 = arith.addi %scan3A_111, %scan3A_112 : i32
    %scan3A_114 = arith.constant 1 : i32
    %scan3A_115:4 = scf.for %scan3A_353 = %scan3A_111 to %scan3A_113 step %scan3A_114 iter_args(%scan3A_354 = %scan3A_109#0, %scan3A_355 = %scan3A_109#1, %scan3A_356 = %scan3A_109#2, %scan3A_357 = %scan3A_109#3) -> (vector<16xf32>, vector<16xf32>, vector<16xf32>, vector<16xf32>)  : i32 {
      %mul3A_358 = arith.constant 64 : i32
      %mul3A_359 = arith.muli %scan3A_353, %mul3A_358 : i32
      %get3A = arith.constant 6 : i32
      %get3A_360 = arith.index_cast %get3A : i32 to index
      %get3A_361 = arith.index_cast %mul3A_359 : i32 to index
      %get3A_362 = tpu.vector_load %arg5[%get3A_360, %get3A_361] {strides = array<i32>} : memref<8x2048xf32, #tpu.memory_space<vmem>>, vector<16xf32>,
      %add3A_363 = arith.addf %scan3A_354, %get3A_362 : vector<16xf32>
      %add3A_364 = arith.constant 16 : i32
      %add3A_365 = arith.addi %mul3A_359, %add3A_364 : i32
      %get3A_366 = arith.constant 6 : i32
      %get3A_367 = arith.index_cast %get3A_366 : i32 to index
      %get3A_368 = arith.index_cast %add3A_365 : i32 to index
      %get3A_369 = tpu.vector_load %arg5[%get3A_367, %get3A_368] {strides = array<i32>} : memref<8x2048xf32, #tpu.memory_space<vmem>>, vector<16xf32>,
      %add3A_370 = arith.addf %scan3A_355, %get3A_369 : vector<16xf32>
      %add3A_371 = arith.constant 32 : i32
      %add3A_372 = arith.addi %mul3A_359, %add3A_371 : i32
      %get3A_373 = arith.constant 6 : i32
      %get3A_374 = arith.index_cast %get3A_373 : i32 to index
      %get3A_375 = arith.index_cast %add3A_372 : i32 to index
      %get3A_376 = tpu.vector_load %arg5[%get3A_374, %get3A_375] {strides = array<i32>} : memref<8x2048xf32, #tpu.memory_space<vmem>>, vector<16xf32>,
      %add3A_377 = arith.addf %scan3A_356, %get3A_376 : vector<16xf32>
      %add3A_378 = arith.constant 48 : i32
      %add3A_379 = arith.addi %mul3A_359, %add3A_378 : i32
      %get3A_380 = arith.constant 6 : i32
      %get3A_381 = arith.index_cast %get3A_380 : i32 to index
      %get3A_382 = arith.index_cast %add3A_379 : i32 to index
      %get3A_383 = tpu.vector_load %arg5[%get3A_381, %get3A_382] {strides = array<i32>} : memref<8x2048xf32, #tpu.memory_space<vmem>>, vector<16xf32>,
      %add3A_384 = arith.addf %scan3A_357, %get3A_383 : vector<16xf32>
      scf.yield %add3A_363, %add3A_370, %add3A_377, %add3A_384 : vector<16xf32>, vector<16xf32>, vector<16xf32>, vector<16xf32>
    }
    %scan3A_116 = arith.constant 32 : i32
    %scan3A_117 = arith.constant 0 : i32
    %scan3A_118 = arith.constant 32 : i32
    %scan3A_119 = arith.addi %scan3A_117, %scan3A_118 : i32
    %scan3A_120 = arith.constant 1 : i32
    %scan3A_121:4 = scf.for %scan3A_353 = %scan3A_117 to %scan3A_119 step %scan3A_120 iter_args(%scan3A_354 = %scan3A_115#0, %scan3A_355 = %scan3A_115#1, %scan3A_356 = %scan3A_115#2, %scan3A_357 = %scan3A_115#3) -> (vector<16xf32>, vector<16xf32>, vector<16xf32>, vector<16xf32>)  : i32 {
      %mul3A_358 = arith.constant 64 : i32
      %mul3A_359 = arith.muli %scan3A_353, %mul3A_358 : i32
      %get3A = arith.constant 7 : i32
      %get3A_360 = arith.index_cast %get3A : i32 to index
      %get3A_361 = arith.index_cast %mul3A_359 : i32 to index
      %get3A_362 = tpu.vector_load %arg5[%get3A_360, %get3A_361] {strides = array<i32>} : memref<8x2048xf32, #tpu.memory_space<vmem>>, vector<16xf32>,
      %add3A_363 = arith.addf %scan3A_354, %get3A_362 : vector<16xf32>
      %add3A_364 = arith.constant 16 : i32
      %add3A_365 = arith.addi %mul3A_359, %add3A_364 : i32
      %get3A_366 = arith.constant 7 : i32
      %get3A_367 = arith.index_cast %get3A_366 : i32 to index
      %get3A_368 = arith.index_cast %add3A_365 : i32 to index
      %get3A_369 = tpu.vector_load %arg5[%get3A_367, %get3A_368] {strides = array<i32>} : memref<8x2048xf32, #tpu.memory_space<vmem>>, vector<16xf32>,
      %add3A_370 = arith.addf %scan3A_355, %get3A_369 : vector<16xf32>
      %add3A_371 = arith.constant 32 : i32
      %add3A_372 = arith.addi %mul3A_359, %add3A_371 : i32
      %get3A_373 = arith.constant 7 : i32
      %get3A_374 = arith.index_cast %get3A_373 : i32 to index
      %get3A_375 = arith.index_cast %add3A_372 : i32 to index
      %get3A_376 = tpu.vector_load %arg5[%get3A_374, %get3A_375] {strides = array<i32>} : memref<8x2048xf32, #tpu.memory_space<vmem>>, vector<16xf32>,
      %add3A_377 = arith.addf %scan3A_356, %get3A_376 : vector<16xf32>
      %add3A_378 = arith.constant 48 : i32
      %add3A_379 = arith.addi %mul3A_359, %add3A_378 : i32
      %get3A_380 = arith.constant 7 : i32
      %get3A_381 = arith.index_cast %get3A_380 : i32 to index
      %get3A_382 = arith.index_cast %add3A_379 : i32 to index
      %get3A_383 = tpu.vector_load %arg5[%get3A_381, %get3A_382] {strides = array<i32>} : memref<8x2048xf32, #tpu.memory_space<vmem>>, vector<16xf32>,
      %add3A_384 = arith.addf %scan3A_357, %get3A_383 : vector<16xf32>
      scf.yield %add3A_363, %add3A_370, %add3A_377, %add3A_384 : vector<16xf32>, vector<16xf32>, vector<16xf32>, vector<16xf32>
    }
    %scan3A_122 = arith.constant 32 : i32
    %add3A_123 = arith.constant 24 : i32
    %add3A_124 = arith.addi %add3A_4, %add3A_123 : i32
    %dma_start3A_125 = arith.constant 0 : i32
    %dma_start3A_126 = tpu.memref_slice %arg2[%add3A_124, %dma_start3A_125] : memref<8192x2048xf32, #tpu.memory_space<hbm>> -> memref<8x2048xf32, #tpu.memory_space<hbm>>
    %dma_start3A_127 = arith.constant 0 : i32
    %dma_start3A_128 = tpu.memref_slice %arg2[%add3A_124, %dma_start3A_127] : memref<8192x2048xf32, #tpu.memory_space<hbm>> -> memref<8x2048xf32, #tpu.memory_space<hbm>>
    tpu.enqueue_dma source(%dma_start3A_128 : memref<8x2048xf32, #tpu.memory_space<hbm>>) target(%arg5 : memref<8x2048xf32, #tpu.memory_space<vmem>>) target_semaphore(%arg8 : memref<!tpu.dma_semaphore, #tpu.memory_space<semaphore_mem>>)
    %dma_wait3A_129 = arith.constant 0 : i32
    %dma_wait3A_130 = tpu.memref_slice %arg2[%add3A_66, %dma_wait3A_129] : memref<8192x2048xf32, #tpu.memory_space<hbm>> -> memref<8x2048xf32, #tpu.memory_space<hbm>>
    %dma_wait3A_131 = arith.constant 0 : i32
    %dma_wait3A_132 = tpu.memref_slice %arg2[%add3A_66, %dma_wait3A_131] : memref<8192x2048xf32, #tpu.memory_space<hbm>> -> memref<8x2048xf32, #tpu.memory_space<hbm>>
    tpu.wait_dma2 semaphore(%arg7 : memref<!tpu.dma_semaphore, #tpu.memory_space<semaphore_mem>>) src(%dma_wait3A_132 : memref<8x2048xf32, #tpu.memory_space<hbm>>) dst(%arg4 : memref<8x2048xf32, #tpu.memory_space<vmem>>)
    %scan3A_133 = arith.constant 0 : i32
    %scan3A_134 = arith.constant 32 : i32
    %scan3A_135 = arith.addi %scan3A_133, %scan3A_134 : i32
    %scan3A_136 = arith.constant 1 : i32
    %scan3A_137:4 = scf.for %scan3A_353 = %scan3A_133 to %scan3A_135 step %scan3A_136 iter_args(%scan3A_354 = %scan3A_121#0, %scan3A_355 = %scan3A_121#1, %scan3A_356 = %scan3A_121#2, %scan3A_357 = %scan3A_121#3) -> (vector<16xf32>, vector<16xf32>, vector<16xf32>, vector<16xf32>)  : i32 {
      %mul3A_358 = arith.constant 64 : i32
      %mul3A_359 = arith.muli %scan3A_353, %mul3A_358 : i32
      %get3A = arith.constant 0 : i32
      %get3A_360 = arith.index_cast %get3A : i32 to index
      %get3A_361 = arith.index_cast %mul3A_359 : i32 to index
      %get3A_362 = tpu.vector_load %arg4[%get3A_360, %get3A_361] {strides = array<i32>} : memref<8x2048xf32, #tpu.memory_space<vmem>>, vector<16xf32>,
      %add3A_363 = arith.addf %scan3A_354, %get3A_362 : vector<16xf32>
      %add3A_364 = arith.constant 16 : i32
      %add3A_365 = arith.addi %mul3A_359, %add3A_364 : i32
      %get3A_366 = arith.constant 0 : i32
      %get3A_367 = arith.index_cast %get3A_366 : i32 to index
      %get3A_368 = arith.index_cast %add3A_365 : i32 to index
      %get3A_369 = tpu.vector_load %arg4[%get3A_367, %get3A_368] {strides = array<i32>} : memref<8x2048xf32, #tpu.memory_space<vmem>>, vector<16xf32>,
      %add3A_370 = arith.addf %scan3A_355, %get3A_369 : vector<16xf32>
      %add3A_371 = arith.constant 32 : i32
      %add3A_372 = arith.addi %mul3A_359, %add3A_371 : i32
      %get3A_373 = arith.constant 0 : i32
      %get3A_374 = arith.index_cast %get3A_373 : i32 to index
      %get3A_375 = arith.index_cast %add3A_372 : i32 to index
      %get3A_376 = tpu.vector_load %arg4[%get3A_374, %get3A_375] {strides = array<i32>} : memref<8x2048xf32, #tpu.memory_space<vmem>>, vector<16xf32>,
      %add3A_377 = arith.addf %scan3A_356, %get3A_376 : vector<16xf32>
      %add3A_378 = arith.constant 48 : i32
      %add3A_379 = arith.addi %mul3A_359, %add3A_378 : i32
      %get3A_380 = arith.constant 0 : i32
      %get3A_381 = arith.index_cast %get3A_380 : i32 to index
      %get3A_382 = arith.index_cast %add3A_379 : i32 to index
      %get3A_383 = tpu.vector_load %arg4[%get3A_381, %get3A_382] {strides = array<i32>} : memref<8x2048xf32, #tpu.memory_space<vmem>>, vector<16xf32>,
      %add3A_384 = arith.addf %scan3A_357, %get3A_383 : vector<16xf32>
      scf.yield %add3A_363, %add3A_370, %add3A_377, %add3A_384 : vector<16xf32>, vector<16xf32>, vector<16xf32>, vector<16xf32>
    }
    %scan3A_138 = arith.constant 32 : i32
    %scan3A_139 = arith.constant 0 : i32
    %scan3A_140 = arith.constant 32 : i32
    %scan3A_141 = arith.addi %scan3A_139, %scan3A_140 : i32
    %scan3A_142 = arith.constant 1 : i32
    %scan3A_143:4 = scf.for %scan3A_353 = %scan3A_139 to %scan3A_141 step %scan3A_142 iter_args(%scan3A_354 = %scan3A_137#0, %scan3A_355 = %scan3A_137#1, %scan3A_356 = %scan3A_137#2, %scan3A_357 = %scan3A_137#3) -> (vector<16xf32>, vector<16xf32>, vector<16xf32>, vector<16xf32>)  : i32 {
      %mul3A_358 = arith.constant 64 : i32
      %mul3A_359 = arith.muli %scan3A_353, %mul3A_358 : i32
      %get3A = arith.constant 1 : i32
      %get3A_360 = arith.index_cast %get3A : i32 to index
      %get3A_361 = arith.index_cast %mul3A_359 : i32 to index
      %get3A_362 = tpu.vector_load %arg4[%get3A_360, %get3A_361] {strides = array<i32>} : memref<8x2048xf32, #tpu.memory_space<vmem>>, vector<16xf32>,
      %add3A_363 = arith.addf %scan3A_354, %get3A_362 : vector<16xf32>
      %add3A_364 = arith.constant 16 : i32
      %add3A_365 = arith.addi %mul3A_359, %add3A_364 : i32
      %get3A_366 = arith.constant 1 : i32
      %get3A_367 = arith.index_cast %get3A_366 : i32 to index
      %get3A_368 = arith.index_cast %add3A_365 : i32 to index
      %get3A_369 = tpu.vector_load %arg4[%get3A_367, %get3A_368] {strides = array<i32>} : memref<8x2048xf32, #tpu.memory_space<vmem>>, vector<16xf32>,
      %add3A_370 = arith.addf %scan3A_355, %get3A_369 : vector<16xf32>
      %add3A_371 = arith.constant 32 : i32
      %add3A_372 = arith.addi %mul3A_359, %add3A_371 : i32
      %get3A_373 = arith.constant 1 : i32
      %get3A_374 = arith.index_cast %get3A_373 : i32 to index
      %get3A_375 = arith.index_cast %add3A_372 : i32 to index
      %get3A_376 = tpu.vector_load %arg4[%get3A_374, %get3A_375] {strides = array<i32>} : memref<8x2048xf32, #tpu.memory_space<vmem>>, vector<16xf32>,
      %add3A_377 = arith.addf %scan3A_356, %get3A_376 : vector<16xf32>
      %add3A_378 = arith.constant 48 : i32
      %add3A_379 = arith.addi %mul3A_359, %add3A_378 : i32
      %get3A_380 = arith.constant 1 : i32
      %get3A_381 = arith.index_cast %get3A_380 : i32 to index
      %get3A_382 = arith.index_cast %add3A_379 : i32 to index
      %get3A_383 = tpu.vector_load %arg4[%get3A_381, %get3A_382] {strides = array<i32>} : memref<8x2048xf32, #tpu.memory_space<vmem>>, vector<16xf32>,
      %add3A_384 = arith.addf %scan3A_357, %get3A_383 : vector<16xf32>
      scf.yield %add3A_363, %add3A_370, %add3A_377, %add3A_384 : vector<16xf32>, vector<16xf32>, vector<16xf32>, vector<16xf32>
    }
    %scan3A_144 = arith.constant 32 : i32
    %scan3A_145 = arith.constant 0 : i32
    %scan3A_146 = arith.constant 32 : i32
    %scan3A_147 = arith.addi %scan3A_145, %scan3A_146 : i32
    %scan3A_148 = arith.constant 1 : i32
    %scan3A_149:4 = scf.for %scan3A_353 = %scan3A_145 to %scan3A_147 step %scan3A_148 iter_args(%scan3A_354 = %scan3A_143#0, %scan3A_355 = %scan3A_143#1, %scan3A_356 = %scan3A_143#2, %scan3A_357 = %scan3A_143#3) -> (vector<16xf32>, vector<16xf32>, vector<16xf32>, vector<16xf32>)  : i32 {
      %mul3A_358 = arith.constant 64 : i32
      %mul3A_359 = arith.muli %scan3A_353, %mul3A_358 : i32
      %get3A = arith.constant 2 : i32
      %get3A_360 = arith.index_cast %get3A : i32 to index
      %get3A_361 = arith.index_cast %mul3A_359 : i32 to index
      %get3A_362 = tpu.vector_load %arg4[%get3A_360, %get3A_361] {strides = array<i32>} : memref<8x2048xf32, #tpu.memory_space<vmem>>, vector<16xf32>,
      %add3A_363 = arith.addf %scan3A_354, %get3A_362 : vector<16xf32>
      %add3A_364 = arith.constant 16 : i32
      %add3A_365 = arith.addi %mul3A_359, %add3A_364 : i32
      %get3A_366 = arith.constant 2 : i32
      %get3A_367 = arith.index_cast %get3A_366 : i32 to index
      %get3A_368 = arith.index_cast %add3A_365 : i32 to index
      %get3A_369 = tpu.vector_load %arg4[%get3A_367, %get3A_368] {strides = array<i32>} : memref<8x2048xf32, #tpu.memory_space<vmem>>, vector<16xf32>,
      %add3A_370 = arith.addf %scan3A_355, %get3A_369 : vector<16xf32>
      %add3A_371 = arith.constant 32 : i32
      %add3A_372 = arith.addi %mul3A_359, %add3A_371 : i32
      %get3A_373 = arith.constant 2 : i32
      %get3A_374 = arith.index_cast %get3A_373 : i32 to index
      %get3A_375 = arith.index_cast %add3A_372 : i32 to index
      %get3A_376 = tpu.vector_load %arg4[%get3A_374, %get3A_375] {strides = array<i32>} : memref<8x2048xf32, #tpu.memory_space<vmem>>, vector<16xf32>,
      %add3A_377 = arith.addf %scan3A_356, %get3A_376 : vector<16xf32>
      %add3A_378 = arith.constant 48 : i32
      %add3A_379 = arith.addi %mul3A_359, %add3A_378 : i32
      %get3A_380 = arith.constant 2 : i32
      %get3A_381 = arith.index_cast %get3A_380 : i32 to index
      %get3A_382 = arith.index_cast %add3A_379 : i32 to index
      %get3A_383 = tpu.vector_load %arg4[%get3A_381, %get3A_382] {strides = array<i32>} : memref<8x2048xf32, #tpu.memory_space<vmem>>, vector<16xf32>,
      %add3A_384 = arith.addf %scan3A_357, %get3A_383 : vector<16xf32>
      scf.yield %add3A_363, %add3A_370, %add3A_377, %add3A_384 : vector<16xf32>, vector<16xf32>, vector<16xf32>, vector<16xf32>
    }
    %scan3A_150 = arith.constant 32 : i32
    %scan3A_151 = arith.constant 0 : i32
    %scan3A_152 = arith.constant 32 : i32
    %scan3A_153 = arith.addi %scan3A_151, %scan3A_152 : i32
    %scan3A_154 = arith.constant 1 : i32
    %scan3A_155:4 = scf.for %scan3A_353 = %scan3A_151 to %scan3A_153 step %scan3A_154 iter_args(%scan3A_354 = %scan3A_149#0, %scan3A_355 = %scan3A_149#1, %scan3A_356 = %scan3A_149#2, %scan3A_357 = %scan3A_149#3) -> (vector<16xf32>, vector<16xf32>, vector<16xf32>, vector<16xf32>)  : i32 {
      %mul3A_358 = arith.constant 64 : i32
      %mul3A_359 = arith.muli %scan3A_353, %mul3A_358 : i32
      %get3A = arith.constant 3 : i32
      %get3A_360 = arith.index_cast %get3A : i32 to index
      %get3A_361 = arith.index_cast %mul3A_359 : i32 to index
      %get3A_362 = tpu.vector_load %arg4[%get3A_360, %get3A_361] {strides = array<i32>} : memref<8x2048xf32, #tpu.memory_space<vmem>>, vector<16xf32>,
      %add3A_363 = arith.addf %scan3A_354, %get3A_362 : vector<16xf32>
      %add3A_364 = arith.constant 16 : i32
      %add3A_365 = arith.addi %mul3A_359, %add3A_364 : i32
      %get3A_366 = arith.constant 3 : i32
      %get3A_367 = arith.index_cast %get3A_366 : i32 to index
      %get3A_368 = arith.index_cast %add3A_365 : i32 to index
      %get3A_369 = tpu.vector_load %arg4[%get3A_367, %get3A_368] {strides = array<i32>} : memref<8x2048xf32, #tpu.memory_space<vmem>>, vector<16xf32>,
      %add3A_370 = arith.addf %scan3A_355, %get3A_369 : vector<16xf32>
      %add3A_371 = arith.constant 32 : i32
      %add3A_372 = arith.addi %mul3A_359, %add3A_371 : i32
      %get3A_373 = arith.constant 3 : i32
      %get3A_374 = arith.index_cast %get3A_373 : i32 to index
      %get3A_375 = arith.index_cast %add3A_372 : i32 to index
      %get3A_376 = tpu.vector_load %arg4[%get3A_374, %get3A_375] {strides = array<i32>} : memref<8x2048xf32, #tpu.memory_space<vmem>>, vector<16xf32>,
      %add3A_377 = arith.addf %scan3A_356, %get3A_376 : vector<16xf32>
      %add3A_378 = arith.constant 48 : i32
      %add3A_379 = arith.addi %mul3A_359, %add3A_378 : i32
      %get3A_380 = arith.constant 3 : i32
      %get3A_381 = arith.index_cast %get3A_380 : i32 to index
      %get3A_382 = arith.index_cast %add3A_379 : i32 to index
      %get3A_383 = tpu.vector_load %arg4[%get3A_381, %get3A_382] {strides = array<i32>} : memref<8x2048xf32, #tpu.memory_space<vmem>>, vector<16xf32>,
      %add3A_384 = arith.addf %scan3A_357, %get3A_383 : vector<16xf32>
      scf.yield %add3A_363, %add3A_370, %add3A_377, %add3A_384 : vector<16xf32>, vector<16xf32>, vector<16xf32>, vector<16xf32>
    }
    %scan3A_156 = arith.constant 32 : i32
    %scan3A_157 = arith.constant 0 : i32
    %scan3A_158 = arith.constant 32 : i32
    %scan3A_159 = arith.addi %scan3A_157, %scan3A_158 : i32
    %scan3A_160 = arith.constant 1 : i32
    %scan3A_161:4 = scf.for %scan3A_353 = %scan3A_157 to %scan3A_159 step %scan3A_160 iter_args(%scan3A_354 = %scan3A_155#0, %scan3A_355 = %scan3A_155#1, %scan3A_356 = %scan3A_155#2, %scan3A_357 = %scan3A_155#3) -> (vector<16xf32>, vector<16xf32>, vector<16xf32>, vector<16xf32>)  : i32 {
      %mul3A_358 = arith.constant 64 : i32
      %mul3A_359 = arith.muli %scan3A_353, %mul3A_358 : i32
      %get3A = arith.constant 4 : i32
      %get3A_360 = arith.index_cast %get3A : i32 to index
      %get3A_361 = arith.index_cast %mul3A_359 : i32 to index
      %get3A_362 = tpu.vector_load %arg4[%get3A_360, %get3A_361] {strides = array<i32>} : memref<8x2048xf32, #tpu.memory_space<vmem>>, vector<16xf32>,
      %add3A_363 = arith.addf %scan3A_354, %get3A_362 : vector<16xf32>
      %add3A_364 = arith.constant 16 : i32
      %add3A_365 = arith.addi %mul3A_359, %add3A_364 : i32
      %get3A_366 = arith.constant 4 : i32
      %get3A_367 = arith.index_cast %get3A_366 : i32 to index
      %get3A_368 = arith.index_cast %add3A_365 : i32 to index
      %get3A_369 = tpu.vector_load %arg4[%get3A_367, %get3A_368] {strides = array<i32>} : memref<8x2048xf32, #tpu.memory_space<vmem>>, vector<16xf32>,
      %add3A_370 = arith.addf %scan3A_355, %get3A_369 : vector<16xf32>
      %add3A_371 = arith.constant 32 : i32
      %add3A_372 = arith.addi %mul3A_359, %add3A_371 : i32
      %get3A_373 = arith.constant 4 : i32
      %get3A_374 = arith.index_cast %get3A_373 : i32 to index
      %get3A_375 = arith.index_cast %add3A_372 : i32 to index
      %get3A_376 = tpu.vector_load %arg4[%get3A_374, %get3A_375] {strides = array<i32>} : memref<8x2048xf32, #tpu.memory_space<vmem>>, vector<16xf32>,
      %add3A_377 = arith.addf %scan3A_356, %get3A_376 : vector<16xf32>
      %add3A_378 = arith.constant 48 : i32
      %add3A_379 = arith.addi %mul3A_359, %add3A_378 : i32
      %get3A_380 = arith.constant 4 : i32
      %get3A_381 = arith.index_cast %get3A_380 : i32 to index
      %get3A_382 = arith.index_cast %add3A_379 : i32 to index
      %get3A_383 = tpu.vector_load %arg4[%get3A_381, %get3A_382] {strides = array<i32>} : memref<8x2048xf32, #tpu.memory_space<vmem>>, vector<16xf32>,
      %add3A_384 = arith.addf %scan3A_357, %get3A_383 : vector<16xf32>
      scf.yield %add3A_363, %add3A_370, %add3A_377, %add3A_384 : vector<16xf32>, vector<16xf32>, vector<16xf32>, vector<16xf32>
    }
    %scan3A_162 = arith.constant 32 : i32
    %scan3A_163 = arith.constant 0 : i32
    %scan3A_164 = arith.constant 32 : i32
    %scan3A_165 = arith.addi %scan3A_163, %scan3A_164 : i32
    %scan3A_166 = arith.constant 1 : i32
    %scan3A_167:4 = scf.for %scan3A_353 = %scan3A_163 to %scan3A_165 step %scan3A_166 iter_args(%scan3A_354 = %scan3A_161#0, %scan3A_355 = %scan3A_161#1, %scan3A_356 = %scan3A_161#2, %scan3A_357 = %scan3A_161#3) -> (vector<16xf32>, vector<16xf32>, vector<16xf32>, vector<16xf32>)  : i32 {
      %mul3A_358 = arith.constant 64 : i32
      %mul3A_359 = arith.muli %scan3A_353, %mul3A_358 : i32
      %get3A = arith.constant 5 : i32
      %get3A_360 = arith.index_cast %get3A : i32 to index
      %get3A_361 = arith.index_cast %mul3A_359 : i32 to index
      %get3A_362 = tpu.vector_load %arg4[%get3A_360, %get3A_361] {strides = array<i32>} : memref<8x2048xf32, #tpu.memory_space<vmem>>, vector<16xf32>,
      %add3A_363 = arith.addf %scan3A_354, %get3A_362 : vector<16xf32>
      %add3A_364 = arith.constant 16 : i32
      %add3A_365 = arith.addi %mul3A_359, %add3A_364 : i32
      %get3A_366 = arith.constant 5 : i32
      %get3A_367 = arith.index_cast %get3A_366 : i32 to index
      %get3A_368 = arith.index_cast %add3A_365 : i32 to index
      %get3A_369 = tpu.vector_load %arg4[%get3A_367, %get3A_368] {strides = array<i32>} : memref<8x2048xf32, #tpu.memory_space<vmem>>, vector<16xf32>,
      %add3A_370 = arith.addf %scan3A_355, %get3A_369 : vector<16xf32>
      %add3A_371 = arith.constant 32 : i32
      %add3A_372 = arith.addi %mul3A_359, %add3A_371 : i32
      %get3A_373 = arith.constant 5 : i32
      %get3A_374 = arith.index_cast %get3A_373 : i32 to index
      %get3A_375 = arith.index_cast %add3A_372 : i32 to index
      %get3A_376 = tpu.vector_load %arg4[%get3A_374, %get3A_375] {strides = array<i32>} : memref<8x2048xf32, #tpu.memory_space<vmem>>, vector<16xf32>,
      %add3A_377 = arith.addf %scan3A_356, %get3A_376 : vector<16xf32>
      %add3A_378 = arith.constant 48 : i32
      %add3A_379 = arith.addi %mul3A_359, %add3A_378 : i32
      %get3A_380 = arith.constant 5 : i32
      %get3A_381 = arith.index_cast %get3A_380 : i32 to index
      %get3A_382 = arith.index_cast %add3A_379 : i32 to index
      %get3A_383 = tpu.vector_load %arg4[%get3A_381, %get3A_382] {strides = array<i32>} : memref<8x2048xf32, #tpu.memory_space<vmem>>, vector<16xf32>,
      %add3A_384 = arith.addf %scan3A_357, %get3A_383 : vector<16xf32>
      scf.yield %add3A_363, %add3A_370, %add3A_377, %add3A_384 : vector<16xf32>, vector<16xf32>, vector<16xf32>, vector<16xf32>
    }
    %scan3A_168 = arith.constant 32 : i32
    %scan3A_169 = arith.constant 0 : i32
    %scan3A_170 = arith.constant 32 : i32
    %scan3A_171 = arith.addi %scan3A_169, %scan3A_170 : i32
    %scan3A_172 = arith.constant 1 : i32
    %scan3A_173:4 = scf.for %scan3A_353 = %scan3A_169 to %scan3A_171 step %scan3A_172 iter_args(%scan3A_354 = %scan3A_167#0, %scan3A_355 = %scan3A_167#1, %scan3A_356 = %scan3A_167#2, %scan3A_357 = %scan3A_167#3) -> (vector<16xf32>, vector<16xf32>, vector<16xf32>, vector<16xf32>)  : i32 {
      %mul3A_358 = arith.constant 64 : i32
      %mul3A_359 = arith.muli %scan3A_353, %mul3A_358 : i32
      %get3A = arith.constant 6 : i32
      %get3A_360 = arith.index_cast %get3A : i32 to index
      %get3A_361 = arith.index_cast %mul3A_359 : i32 to index
      %get3A_362 = tpu.vector_load %arg4[%get3A_360, %get3A_361] {strides = array<i32>} : memref<8x2048xf32, #tpu.memory_space<vmem>>, vector<16xf32>,
      %add3A_363 = arith.addf %scan3A_354, %get3A_362 : vector<16xf32>
      %add3A_364 = arith.constant 16 : i32
      %add3A_365 = arith.addi %mul3A_359, %add3A_364 : i32
      %get3A_366 = arith.constant 6 : i32
      %get3A_367 = arith.index_cast %get3A_366 : i32 to index
      %get3A_368 = arith.index_cast %add3A_365 : i32 to index
      %get3A_369 = tpu.vector_load %arg4[%get3A_367, %get3A_368] {strides = array<i32>} : memref<8x2048xf32, #tpu.memory_space<vmem>>, vector<16xf32>,
      %add3A_370 = arith.addf %scan3A_355, %get3A_369 : vector<16xf32>
      %add3A_371 = arith.constant 32 : i32
      %add3A_372 = arith.addi %mul3A_359, %add3A_371 : i32
      %get3A_373 = arith.constant 6 : i32
      %get3A_374 = arith.index_cast %get3A_373 : i32 to index
      %get3A_375 = arith.index_cast %add3A_372 : i32 to index
      %get3A_376 = tpu.vector_load %arg4[%get3A_374, %get3A_375] {strides = array<i32>} : memref<8x2048xf32, #tpu.memory_space<vmem>>, vector<16xf32>,
      %add3A_377 = arith.addf %scan3A_356, %get3A_376 : vector<16xf32>
      %add3A_378 = arith.constant 48 : i32
      %add3A_379 = arith.addi %mul3A_359, %add3A_378 : i32
      %get3A_380 = arith.constant 6 : i32
      %get3A_381 = arith.index_cast %get3A_380 : i32 to index
      %get3A_382 = arith.index_cast %add3A_379 : i32 to index
      %get3A_383 = tpu.vector_load %arg4[%get3A_381, %get3A_382] {strides = array<i32>} : memref<8x2048xf32, #tpu.memory_space<vmem>>, vector<16xf32>,
      %add3A_384 = arith.addf %scan3A_357, %get3A_383 : vector<16xf32>
      scf.yield %add3A_363, %add3A_370, %add3A_377, %add3A_384 : vector<16xf32>, vector<16xf32>, vector<16xf32>, vector<16xf32>
    }
    %scan3A_174 = arith.constant 32 : i32
    %scan3A_175 = arith.constant 0 : i32
    %scan3A_176 = arith.constant 32 : i32
    %scan3A_177 = arith.addi %scan3A_175, %scan3A_176 : i32
    %scan3A_178 = arith.constant 1 : i32
    %scan3A_179:4 = scf.for %scan3A_353 = %scan3A_175 to %scan3A_177 step %scan3A_178 iter_args(%scan3A_354 = %scan3A_173#0, %scan3A_355 = %scan3A_173#1, %scan3A_356 = %scan3A_173#2, %scan3A_357 = %scan3A_173#3) -> (vector<16xf32>, vector<16xf32>, vector<16xf32>, vector<16xf32>)  : i32 {
      %mul3A_358 = arith.constant 64 : i32
      %mul3A_359 = arith.muli %scan3A_353, %mul3A_358 : i32
      %get3A = arith.constant 7 : i32
      %get3A_360 = arith.index_cast %get3A : i32 to index
      %get3A_361 = arith.index_cast %mul3A_359 : i32 to index
      %get3A_362 = tpu.vector_load %arg4[%get3A_360, %get3A_361] {strides = array<i32>} : memref<8x2048xf32, #tpu.memory_space<vmem>>, vector<16xf32>,
      %add3A_363 = arith.addf %scan3A_354, %get3A_362 : vector<16xf32>
      %add3A_364 = arith.constant 16 : i32
      %add3A_365 = arith.addi %mul3A_359, %add3A_364 : i32
      %get3A_366 = arith.constant 7 : i32
      %get3A_367 = arith.index_cast %get3A_366 : i32 to index
      %get3A_368 = arith.index_cast %add3A_365 : i32 to index
      %get3A_369 = tpu.vector_load %arg4[%get3A_367, %get3A_368] {strides = array<i32>} : memref<8x2048xf32, #tpu.memory_space<vmem>>, vector<16xf32>,
      %add3A_370 = arith.addf %scan3A_355, %get3A_369 : vector<16xf32>
      %add3A_371 = arith.constant 32 : i32
      %add3A_372 = arith.addi %mul3A_359, %add3A_371 : i32
      %get3A_373 = arith.constant 7 : i32
      %get3A_374 = arith.index_cast %get3A_373 : i32 to index
      %get3A_375 = arith.index_cast %add3A_372 : i32 to index
      %get3A_376 = tpu.vector_load %arg4[%get3A_374, %get3A_375] {strides = array<i32>} : memref<8x2048xf32, #tpu.memory_space<vmem>>, vector<16xf32>,
      %add3A_377 = arith.addf %scan3A_356, %get3A_376 : vector<16xf32>
      %add3A_378 = arith.constant 48 : i32
      %add3A_379 = arith.addi %mul3A_359, %add3A_378 : i32
      %get3A_380 = arith.constant 7 : i32
      %get3A_381 = arith.index_cast %get3A_380 : i32 to index
      %get3A_382 = arith.index_cast %add3A_379 : i32 to index
      %get3A_383 = tpu.vector_load %arg4[%get3A_381, %get3A_382] {strides = array<i32>} : memref<8x2048xf32, #tpu.memory_space<vmem>>, vector<16xf32>,
      %add3A_384 = arith.addf %scan3A_357, %get3A_383 : vector<16xf32>
      scf.yield %add3A_363, %add3A_370, %add3A_377, %add3A_384 : vector<16xf32>, vector<16xf32>, vector<16xf32>, vector<16xf32>
    }
    %scan3A_180 = arith.constant 32 : i32
    %add3A_181 = arith.constant 32 : i32
    %add3A_182 = arith.addi %add3A_4, %add3A_181 : i32
    %dma_start3A_183 = arith.constant 0 : i32
    %dma_start3A_184 = tpu.memref_slice %arg2[%add3A_182, %dma_start3A_183] : memref<8192x2048xf32, #tpu.memory_space<hbm>> -> memref<8x2048xf32, #tpu.memory_space<hbm>>
    %dma_start3A_185 = arith.constant 0 : i32
    %dma_start3A_186 = tpu.memref_slice %arg2[%add3A_182, %dma_start3A_185] : memref<8192x2048xf32, #tpu.memory_space<hbm>> -> memref<8x2048xf32, #tpu.memory_space<hbm>>
    tpu.enqueue_dma source(%dma_start3A_186 : memref<8x2048xf32, #tpu.memory_space<hbm>>) target(%arg4 : memref<8x2048xf32, #tpu.memory_space<vmem>>) target_semaphore(%arg7 : memref<!tpu.dma_semaphore, #tpu.memory_space<semaphore_mem>>)
    %dma_wait3A_187 = arith.constant 0 : i32
    %dma_wait3A_188 = tpu.memref_slice %arg2[%add3A_124, %dma_wait3A_187] : memref<8192x2048xf32, #tpu.memory_space<hbm>> -> memref<8x2048xf32, #tpu.memory_space<hbm>>
    %dma_wait3A_189 = arith.constant 0 : i32
    %dma_wait3A_190 = tpu.memref_slice %arg2[%add3A_124, %dma_wait3A_189] : memref<8192x2048xf32, #tpu.memory_space<hbm>> -> memref<8x2048xf32, #tpu.memory_space<hbm>>
    tpu.wait_dma2 semaphore(%arg8 : memref<!tpu.dma_semaphore, #tpu.memory_space<semaphore_mem>>) src(%dma_wait3A_190 : memref<8x2048xf32, #tpu.memory_space<hbm>>) dst(%arg5 : memref<8x2048xf32, #tpu.memory_space<vmem>>)
    %scan3A_191 = arith.constant 0 : i32
    %scan3A_192 = arith.constant 32 : i32
    %scan3A_193 = arith.addi %scan3A_191, %scan3A_192 : i32
    %scan3A_194 = arith.constant 1 : i32
    %scan3A_195:4 = scf.for %scan3A_353 = %scan3A_191 to %scan3A_193 step %scan3A_194 iter_args(%scan3A_354 = %scan3A_179#0, %scan3A_355 = %scan3A_179#1, %scan3A_356 = %scan3A_179#2, %scan3A_357 = %scan3A_179#3) -> (vector<16xf32>, vector<16xf32>, vector<16xf32>, vector<16xf32>)  : i32 {
      %mul3A_358 = arith.constant 64 : i32
      %mul3A_359 = arith.muli %scan3A_353, %mul3A_358 : i32
      %get3A = arith.constant 0 : i32
      %get3A_360 = arith.index_cast %get3A : i32 to index
      %get3A_361 = arith.index_cast %mul3A_359 : i32 to index
      %get3A_362 = tpu.vector_load %arg5[%get3A_360, %get3A_361] {strides = array<i32>} : memref<8x2048xf32, #tpu.memory_space<vmem>>, vector<16xf32>,
      %add3A_363 = arith.addf %scan3A_354, %get3A_362 : vector<16xf32>
      %add3A_364 = arith.constant 16 : i32
      %add3A_365 = arith.addi %mul3A_359, %add3A_364 : i32
      %get3A_366 = arith.constant 0 : i32
      %get3A_367 = arith.index_cast %get3A_366 : i32 to index
      %get3A_368 = arith.index_cast %add3A_365 : i32 to index
      %get3A_369 = tpu.vector_load %arg5[%get3A_367, %get3A_368] {strides = array<i32>} : memref<8x2048xf32, #tpu.memory_space<vmem>>, vector<16xf32>,
      %add3A_370 = arith.addf %scan3A_355, %get3A_369 : vector<16xf32>
      %add3A_371 = arith.constant 32 : i32
      %add3A_372 = arith.addi %mul3A_359, %add3A_371 : i32
      %get3A_373 = arith.constant 0 : i32
      %get3A_374 = arith.index_cast %get3A_373 : i32 to index
      %get3A_375 = arith.index_cast %add3A_372 : i32 to index
      %get3A_376 = tpu.vector_load %arg5[%get3A_374, %get3A_375] {strides = array<i32>} : memref<8x2048xf32, #tpu.memory_space<vmem>>, vector<16xf32>,
      %add3A_377 = arith.addf %scan3A_356, %get3A_376 : vector<16xf32>
      %add3A_378 = arith.constant 48 : i32
      %add3A_379 = arith.addi %mul3A_359, %add3A_378 : i32
      %get3A_380 = arith.constant 0 : i32
      %get3A_381 = arith.index_cast %get3A_380 : i32 to index
      %get3A_382 = arith.index_cast %add3A_379 : i32 to index
      %get3A_383 = tpu.vector_load %arg5[%get3A_381, %get3A_382] {strides = array<i32>} : memref<8x2048xf32, #tpu.memory_space<vmem>>, vector<16xf32>,
      %add3A_384 = arith.addf %scan3A_357, %get3A_383 : vector<16xf32>
      scf.yield %add3A_363, %add3A_370, %add3A_377, %add3A_384 : vector<16xf32>, vector<16xf32>, vector<16xf32>, vector<16xf32>
    }
    %scan3A_196 = arith.constant 32 : i32
    %scan3A_197 = arith.constant 0 : i32
    %scan3A_198 = arith.constant 32 : i32
    %scan3A_199 = arith.addi %scan3A_197, %scan3A_198 : i32
    %scan3A_200 = arith.constant 1 : i32
    %scan3A_201:4 = scf.for %scan3A_353 = %scan3A_197 to %scan3A_199 step %scan3A_200 iter_args(%scan3A_354 = %scan3A_195#0, %scan3A_355 = %scan3A_195#1, %scan3A_356 = %scan3A_195#2, %scan3A_357 = %scan3A_195#3) -> (vector<16xf32>, vector<16xf32>, vector<16xf32>, vector<16xf32>)  : i32 {
      %mul3A_358 = arith.constant 64 : i32
      %mul3A_359 = arith.muli %scan3A_353, %mul3A_358 : i32
      %get3A = arith.constant 1 : i32
      %get3A_360 = arith.index_cast %get3A : i32 to index
      %get3A_361 = arith.index_cast %mul3A_359 : i32 to index
      %get3A_362 = tpu.vector_load %arg5[%get3A_360, %get3A_361] {strides = array<i32>} : memref<8x2048xf32, #tpu.memory_space<vmem>>, vector<16xf32>,
      %add3A_363 = arith.addf %scan3A_354, %get3A_362 : vector<16xf32>
      %add3A_364 = arith.constant 16 : i32
      %add3A_365 = arith.addi %mul3A_359, %add3A_364 : i32
      %get3A_366 = arith.constant 1 : i32
      %get3A_367 = arith.index_cast %get3A_366 : i32 to index
      %get3A_368 = arith.index_cast %add3A_365 : i32 to index
      %get3A_369 = tpu.vector_load %arg5[%get3A_367, %get3A_368] {strides = array<i32>} : memref<8x2048xf32, #tpu.memory_space<vmem>>, vector<16xf32>,
      %add3A_370 = arith.addf %scan3A_355, %get3A_369 : vector<16xf32>
      %add3A_371 = arith.constant 32 : i32
      %add3A_372 = arith.addi %mul3A_359, %add3A_371 : i32
      %get3A_373 = arith.constant 1 : i32
      %get3A_374 = arith.index_cast %get3A_373 : i32 to index
      %get3A_375 = arith.index_cast %add3A_372 : i32 to index
      %get3A_376 = tpu.vector_load %arg5[%get3A_374, %get3A_375] {strides = array<i32>} : memref<8x2048xf32, #tpu.memory_space<vmem>>, vector<16xf32>,
      %add3A_377 = arith.addf %scan3A_356, %get3A_376 : vector<16xf32>
      %add3A_378 = arith.constant 48 : i32
      %add3A_379 = arith.addi %mul3A_359, %add3A_378 : i32
      %get3A_380 = arith.constant 1 : i32
      %get3A_381 = arith.index_cast %get3A_380 : i32 to index
      %get3A_382 = arith.index_cast %add3A_379 : i32 to index
      %get3A_383 = tpu.vector_load %arg5[%get3A_381, %get3A_382] {strides = array<i32>} : memref<8x2048xf32, #tpu.memory_space<vmem>>, vector<16xf32>,
      %add3A_384 = arith.addf %scan3A_357, %get3A_383 : vector<16xf32>
      scf.yield %add3A_363, %add3A_370, %add3A_377, %add3A_384 : vector<16xf32>, vector<16xf32>, vector<16xf32>, vector<16xf32>
    }
    %scan3A_202 = arith.constant 32 : i32
    %scan3A_203 = arith.constant 0 : i32
    %scan3A_204 = arith.constant 32 : i32
    %scan3A_205 = arith.addi %scan3A_203, %scan3A_204 : i32
    %scan3A_206 = arith.constant 1 : i32
    %scan3A_207:4 = scf.for %scan3A_353 = %scan3A_203 to %scan3A_205 step %scan3A_206 iter_args(%scan3A_354 = %scan3A_201#0, %scan3A_355 = %scan3A_201#1, %scan3A_356 = %scan3A_201#2, %scan3A_357 = %scan3A_201#3) -> (vector<16xf32>, vector<16xf32>, vector<16xf32>, vector<16xf32>)  : i32 {
      %mul3A_358 = arith.constant 64 : i32
      %mul3A_359 = arith.muli %scan3A_353, %mul3A_358 : i32
      %get3A = arith.constant 2 : i32
      %get3A_360 = arith.index_cast %get3A : i32 to index
      %get3A_361 = arith.index_cast %mul3A_359 : i32 to index
      %get3A_362 = tpu.vector_load %arg5[%get3A_360, %get3A_361] {strides = array<i32>} : memref<8x2048xf32, #tpu.memory_space<vmem>>, vector<16xf32>,
      %add3A_363 = arith.addf %scan3A_354, %get3A_362 : vector<16xf32>
      %add3A_364 = arith.constant 16 : i32
      %add3A_365 = arith.addi %mul3A_359, %add3A_364 : i32
      %get3A_366 = arith.constant 2 : i32
      %get3A_367 = arith.index_cast %get3A_366 : i32 to index
      %get3A_368 = arith.index_cast %add3A_365 : i32 to index
      %get3A_369 = tpu.vector_load %arg5[%get3A_367, %get3A_368] {strides = array<i32>} : memref<8x2048xf32, #tpu.memory_space<vmem>>, vector<16xf32>,
      %add3A_370 = arith.addf %scan3A_355, %get3A_369 : vector<16xf32>
      %add3A_371 = arith.constant 32 : i32
      %add3A_372 = arith.addi %mul3A_359, %add3A_371 : i32
      %get3A_373 = arith.constant 2 : i32
      %get3A_374 = arith.index_cast %get3A_373 : i32 to index
      %get3A_375 = arith.index_cast %add3A_372 : i32 to index
      %get3A_376 = tpu.vector_load %arg5[%get3A_374, %get3A_375] {strides = array<i32>} : memref<8x2048xf32, #tpu.memory_space<vmem>>, vector<16xf32>,
      %add3A_377 = arith.addf %scan3A_356, %get3A_376 : vector<16xf32>
      %add3A_378 = arith.constant 48 : i32
      %add3A_379 = arith.addi %mul3A_359, %add3A_378 : i32
      %get3A_380 = arith.constant 2 : i32
      %get3A_381 = arith.index_cast %get3A_380 : i32 to index
      %get3A_382 = arith.index_cast %add3A_379 : i32 to index
      %get3A_383 = tpu.vector_load %arg5[%get3A_381, %get3A_382] {strides = array<i32>} : memref<8x2048xf32, #tpu.memory_space<vmem>>, vector<16xf32>,
      %add3A_384 = arith.addf %scan3A_357, %get3A_383 : vector<16xf32>
      scf.yield %add3A_363, %add3A_370, %add3A_377, %add3A_384 : vector<16xf32>, vector<16xf32>, vector<16xf32>, vector<16xf32>
    }
    %scan3A_208 = arith.constant 32 : i32
    %scan3A_209 = arith.constant 0 : i32
    %scan3A_210 = arith.constant 32 : i32
    %scan3A_211 = arith.addi %scan3A_209, %scan3A_210 : i32
    %scan3A_212 = arith.constant 1 : i32
    %scan3A_213:4 = scf.for %scan3A_353 = %scan3A_209 to %scan3A_211 step %scan3A_212 iter_args(%scan3A_354 = %scan3A_207#0, %scan3A_355 = %scan3A_207#1, %scan3A_356 = %scan3A_207#2, %scan3A_357 = %scan3A_207#3) -> (vector<16xf32>, vector<16xf32>, vector<16xf32>, vector<16xf32>)  : i32 {
      %mul3A_358 = arith.constant 64 : i32
      %mul3A_359 = arith.muli %scan3A_353, %mul3A_358 : i32
      %get3A = arith.constant 3 : i32
      %get3A_360 = arith.index_cast %get3A : i32 to index
      %get3A_361 = arith.index_cast %mul3A_359 : i32 to index
      %get3A_362 = tpu.vector_load %arg5[%get3A_360, %get3A_361] {strides = array<i32>} : memref<8x2048xf32, #tpu.memory_space<vmem>>, vector<16xf32>,
      %add3A_363 = arith.addf %scan3A_354, %get3A_362 : vector<16xf32>
      %add3A_364 = arith.constant 16 : i32
      %add3A_365 = arith.addi %mul3A_359, %add3A_364 : i32
      %get3A_366 = arith.constant 3 : i32
      %get3A_367 = arith.index_cast %get3A_366 : i32 to index
      %get3A_368 = arith.index_cast %add3A_365 : i32 to index
      %get3A_369 = tpu.vector_load %arg5[%get3A_367, %get3A_368] {strides = array<i32>} : memref<8x2048xf32, #tpu.memory_space<vmem>>, vector<16xf32>,
      %add3A_370 = arith.addf %scan3A_355, %get3A_369 : vector<16xf32>
      %add3A_371 = arith.constant 32 : i32
      %add3A_372 = arith.addi %mul3A_359, %add3A_371 : i32
      %get3A_373 = arith.constant 3 : i32
      %get3A_374 = arith.index_cast %get3A_373 : i32 to index
      %get3A_375 = arith.index_cast %add3A_372 : i32 to index
      %get3A_376 = tpu.vector_load %arg5[%get3A_374, %get3A_375] {strides = array<i32>} : memref<8x2048xf32, #tpu.memory_space<vmem>>, vector<16xf32>,
      %add3A_377 = arith.addf %scan3A_356, %get3A_376 : vector<16xf32>
      %add3A_378 = arith.constant 48 : i32
      %add3A_379 = arith.addi %mul3A_359, %add3A_378 : i32
      %get3A_380 = arith.constant 3 : i32
      %get3A_381 = arith.index_cast %get3A_380 : i32 to index
      %get3A_382 = arith.index_cast %add3A_379 : i32 to index
      %get3A_383 = tpu.vector_load %arg5[%get3A_381, %get3A_382] {strides = array<i32>} : memref<8x2048xf32, #tpu.memory_space<vmem>>, vector<16xf32>,
      %add3A_384 = arith.addf %scan3A_357, %get3A_383 : vector<16xf32>
      scf.yield %add3A_363, %add3A_370, %add3A_377, %add3A_384 : vector<16xf32>, vector<16xf32>, vector<16xf32>, vector<16xf32>
    }
    %scan3A_214 = arith.constant 32 : i32
    %scan3A_215 = arith.constant 0 : i32
    %scan3A_216 = arith.constant 32 : i32
    %scan3A_217 = arith.addi %scan3A_215, %scan3A_216 : i32
    %scan3A_218 = arith.constant 1 : i32
    %scan3A_219:4 = scf.for %scan3A_353 = %scan3A_215 to %scan3A_217 step %scan3A_218 iter_args(%scan3A_354 = %scan3A_213#0, %scan3A_355 = %scan3A_213#1, %scan3A_356 = %scan3A_213#2, %scan3A_357 = %scan3A_213#3) -> (vector<16xf32>, vector<16xf32>, vector<16xf32>, vector<16xf32>)  : i32 {
      %mul3A_358 = arith.constant 64 : i32
      %mul3A_359 = arith.muli %scan3A_353, %mul3A_358 : i32
      %get3A = arith.constant 4 : i32
      %get3A_360 = arith.index_cast %get3A : i32 to index
      %get3A_361 = arith.index_cast %mul3A_359 : i32 to index
      %get3A_362 = tpu.vector_load %arg5[%get3A_360, %get3A_361] {strides = array<i32>} : memref<8x2048xf32, #tpu.memory_space<vmem>>, vector<16xf32>,
      %add3A_363 = arith.addf %scan3A_354, %get3A_362 : vector<16xf32>
      %add3A_364 = arith.constant 16 : i32
      %add3A_365 = arith.addi %mul3A_359, %add3A_364 : i32
      %get3A_366 = arith.constant 4 : i32
      %get3A_367 = arith.index_cast %get3A_366 : i32 to index
      %get3A_368 = arith.index_cast %add3A_365 : i32 to index
      %get3A_369 = tpu.vector_load %arg5[%get3A_367, %get3A_368] {strides = array<i32>} : memref<8x2048xf32, #tpu.memory_space<vmem>>, vector<16xf32>,
      %add3A_370 = arith.addf %scan3A_355, %get3A_369 : vector<16xf32>
      %add3A_371 = arith.constant 32 : i32
      %add3A_372 = arith.addi %mul3A_359, %add3A_371 : i32
      %get3A_373 = arith.constant 4 : i32
      %get3A_374 = arith.index_cast %get3A_373 : i32 to index
      %get3A_375 = arith.index_cast %add3A_372 : i32 to index
      %get3A_376 = tpu.vector_load %arg5[%get3A_374, %get3A_375] {strides = array<i32>} : memref<8x2048xf32, #tpu.memory_space<vmem>>, vector<16xf32>,
      %add3A_377 = arith.addf %scan3A_356, %get3A_376 : vector<16xf32>
      %add3A_378 = arith.constant 48 : i32
      %add3A_379 = arith.addi %mul3A_359, %add3A_378 : i32
      %get3A_380 = arith.constant 4 : i32
      %get3A_381 = arith.index_cast %get3A_380 : i32 to index
      %get3A_382 = arith.index_cast %add3A_379 : i32 to index
      %get3A_383 = tpu.vector_load %arg5[%get3A_381, %get3A_382] {strides = array<i32>} : memref<8x2048xf32, #tpu.memory_space<vmem>>, vector<16xf32>,
      %add3A_384 = arith.addf %scan3A_357, %get3A_383 : vector<16xf32>
      scf.yield %add3A_363, %add3A_370, %add3A_377, %add3A_384 : vector<16xf32>, vector<16xf32>, vector<16xf32>, vector<16xf32>
    }
    %scan3A_220 = arith.constant 32 : i32
    %scan3A_221 = arith.constant 0 : i32
    %scan3A_222 = arith.constant 32 : i32
    %scan3A_223 = arith.addi %scan3A_221, %scan3A_222 : i32
    %scan3A_224 = arith.constant 1 : i32
    %scan3A_225:4 = scf.for %scan3A_353 = %scan3A_221 to %scan3A_223 step %scan3A_224 iter_args(%scan3A_354 = %scan3A_219#0, %scan3A_355 = %scan3A_219#1, %scan3A_356 = %scan3A_219#2, %scan3A_357 = %scan3A_219#3) -> (vector<16xf32>, vector<16xf32>, vector<16xf32>, vector<16xf32>)  : i32 {
      %mul3A_358 = arith.constant 64 : i32
      %mul3A_359 = arith.muli %scan3A_353, %mul3A_358 : i32
      %get3A = arith.constant 5 : i32
      %get3A_360 = arith.index_cast %get3A : i32 to index
      %get3A_361 = arith.index_cast %mul3A_359 : i32 to index
      %get3A_362 = tpu.vector_load %arg5[%get3A_360, %get3A_361] {strides = array<i32>} : memref<8x2048xf32, #tpu.memory_space<vmem>>, vector<16xf32>,
      %add3A_363 = arith.addf %scan3A_354, %get3A_362 : vector<16xf32>
      %add3A_364 = arith.constant 16 : i32
      %add3A_365 = arith.addi %mul3A_359, %add3A_364 : i32
      %get3A_366 = arith.constant 5 : i32
      %get3A_367 = arith.index_cast %get3A_366 : i32 to index
      %get3A_368 = arith.index_cast %add3A_365 : i32 to index
      %get3A_369 = tpu.vector_load %arg5[%get3A_367, %get3A_368] {strides = array<i32>} : memref<8x2048xf32, #tpu.memory_space<vmem>>, vector<16xf32>,
      %add3A_370 = arith.addf %scan3A_355, %get3A_369 : vector<16xf32>
      %add3A_371 = arith.constant 32 : i32
      %add3A_372 = arith.addi %mul3A_359, %add3A_371 : i32
      %get3A_373 = arith.constant 5 : i32
      %get3A_374 = arith.index_cast %get3A_373 : i32 to index
      %get3A_375 = arith.index_cast %add3A_372 : i32 to index
      %get3A_376 = tpu.vector_load %arg5[%get3A_374, %get3A_375] {strides = array<i32>} : memref<8x2048xf32, #tpu.memory_space<vmem>>, vector<16xf32>,
      %add3A_377 = arith.addf %scan3A_356, %get3A_376 : vector<16xf32>
      %add3A_378 = arith.constant 48 : i32
      %add3A_379 = arith.addi %mul3A_359, %add3A_378 : i32
      %get3A_380 = arith.constant 5 : i32
      %get3A_381 = arith.index_cast %get3A_380 : i32 to index
      %get3A_382 = arith.index_cast %add3A_379 : i32 to index
      %get3A_383 = tpu.vector_load %arg5[%get3A_381, %get3A_382] {strides = array<i32>} : memref<8x2048xf32, #tpu.memory_space<vmem>>, vector<16xf32>,
      %add3A_384 = arith.addf %scan3A_357, %get3A_383 : vector<16xf32>
      scf.yield %add3A_363, %add3A_370, %add3A_377, %add3A_384 : vector<16xf32>, vector<16xf32>, vector<16xf32>, vector<16xf32>
    }
    %scan3A_226 = arith.constant 32 : i32
    %scan3A_227 = arith.constant 0 : i32
    %scan3A_228 = arith.constant 32 : i32
    %scan3A_229 = arith.addi %scan3A_227, %scan3A_228 : i32
    %scan3A_230 = arith.constant 1 : i32
    %scan3A_231:4 = scf.for %scan3A_353 = %scan3A_227 to %scan3A_229 step %scan3A_230 iter_args(%scan3A_354 = %scan3A_225#0, %scan3A_355 = %scan3A_225#1, %scan3A_356 = %scan3A_225#2, %scan3A_357 = %scan3A_225#3) -> (vector<16xf32>, vector<16xf32>, vector<16xf32>, vector<16xf32>)  : i32 {
      %mul3A_358 = arith.constant 64 : i32
      %mul3A_359 = arith.muli %scan3A_353, %mul3A_358 : i32
      %get3A = arith.constant 6 : i32
      %get3A_360 = arith.index_cast %get3A : i32 to index
      %get3A_361 = arith.index_cast %mul3A_359 : i32 to index
      %get3A_362 = tpu.vector_load %arg5[%get3A_360, %get3A_361] {strides = array<i32>} : memref<8x2048xf32, #tpu.memory_space<vmem>>, vector<16xf32>,
      %add3A_363 = arith.addf %scan3A_354, %get3A_362 : vector<16xf32>
      %add3A_364 = arith.constant 16 : i32
      %add3A_365 = arith.addi %mul3A_359, %add3A_364 : i32
      %get3A_366 = arith.constant 6 : i32
      %get3A_367 = arith.index_cast %get3A_366 : i32 to index
      %get3A_368 = arith.index_cast %add3A_365 : i32 to index
      %get3A_369 = tpu.vector_load %arg5[%get3A_367, %get3A_368] {strides = array<i32>} : memref<8x2048xf32, #tpu.memory_space<vmem>>, vector<16xf32>,
      %add3A_370 = arith.addf %scan3A_355, %get3A_369 : vector<16xf32>
      %add3A_371 = arith.constant 32 : i32
      %add3A_372 = arith.addi %mul3A_359, %add3A_371 : i32
      %get3A_373 = arith.constant 6 : i32
      %get3A_374 = arith.index_cast %get3A_373 : i32 to index
      %get3A_375 = arith.index_cast %add3A_372 : i32 to index
      %get3A_376 = tpu.vector_load %arg5[%get3A_374, %get3A_375] {strides = array<i32>} : memref<8x2048xf32, #tpu.memory_space<vmem>>, vector<16xf32>,
      %add3A_377 = arith.addf %scan3A_356, %get3A_376 : vector<16xf32>
      %add3A_378 = arith.constant 48 : i32
      %add3A_379 = arith.addi %mul3A_359, %add3A_378 : i32
      %get3A_380 = arith.constant 6 : i32
      %get3A_381 = arith.index_cast %get3A_380 : i32 to index
      %get3A_382 = arith.index_cast %add3A_379 : i32 to index
      %get3A_383 = tpu.vector_load %arg5[%get3A_381, %get3A_382] {strides = array<i32>} : memref<8x2048xf32, #tpu.memory_space<vmem>>, vector<16xf32>,
      %add3A_384 = arith.addf %scan3A_357, %get3A_383 : vector<16xf32>
      scf.yield %add3A_363, %add3A_370, %add3A_377, %add3A_384 : vector<16xf32>, vector<16xf32>, vector<16xf32>, vector<16xf32>
    }
    %scan3A_232 = arith.constant 32 : i32
    %scan3A_233 = arith.constant 0 : i32
    %scan3A_234 = arith.constant 32 : i32
    %scan3A_235 = arith.addi %scan3A_233, %scan3A_234 : i32
    %scan3A_236 = arith.constant 1 : i32
    %scan3A_237:4 = scf.for %scan3A_353 = %scan3A_233 to %scan3A_235 step %scan3A_236 iter_args(%scan3A_354 = %scan3A_231#0, %scan3A_355 = %scan3A_231#1, %scan3A_356 = %scan3A_231#2, %scan3A_357 = %scan3A_231#3) -> (vector<16xf32>, vector<16xf32>, vector<16xf32>, vector<16xf32>)  : i32 {
      %mul3A_358 = arith.constant 64 : i32
      %mul3A_359 = arith.muli %scan3A_353, %mul3A_358 : i32
      %get3A = arith.constant 7 : i32
      %get3A_360 = arith.index_cast %get3A : i32 to index
      %get3A_361 = arith.index_cast %mul3A_359 : i32 to index
      %get3A_362 = tpu.vector_load %arg5[%get3A_360, %get3A_361] {strides = array<i32>} : memref<8x2048xf32, #tpu.memory_space<vmem>>, vector<16xf32>,
      %add3A_363 = arith.addf %scan3A_354, %get3A_362 : vector<16xf32>
      %add3A_364 = arith.constant 16 : i32
      %add3A_365 = arith.addi %mul3A_359, %add3A_364 : i32
      %get3A_366 = arith.constant 7 : i32
      %get3A_367 = arith.index_cast %get3A_366 : i32 to index
      %get3A_368 = arith.index_cast %add3A_365 : i32 to index
      %get3A_369 = tpu.vector_load %arg5[%get3A_367, %get3A_368] {strides = array<i32>} : memref<8x2048xf32, #tpu.memory_space<vmem>>, vector<16xf32>,
      %add3A_370 = arith.addf %scan3A_355, %get3A_369 : vector<16xf32>
      %add3A_371 = arith.constant 32 : i32
      %add3A_372 = arith.addi %mul3A_359, %add3A_371 : i32
      %get3A_373 = arith.constant 7 : i32
      %get3A_374 = arith.index_cast %get3A_373 : i32 to index
      %get3A_375 = arith.index_cast %add3A_372 : i32 to index
      %get3A_376 = tpu.vector_load %arg5[%get3A_374, %get3A_375] {strides = array<i32>} : memref<8x2048xf32, #tpu.memory_space<vmem>>, vector<16xf32>,
      %add3A_377 = arith.addf %scan3A_356, %get3A_376 : vector<16xf32>
      %add3A_378 = arith.constant 48 : i32
      %add3A_379 = arith.addi %mul3A_359, %add3A_378 : i32
      %get3A_380 = arith.constant 7 : i32
      %get3A_381 = arith.index_cast %get3A_380 : i32 to index
      %get3A_382 = arith.index_cast %add3A_379 : i32 to index
      %get3A_383 = tpu.vector_load %arg5[%get3A_381, %get3A_382] {strides = array<i32>} : memref<8x2048xf32, #tpu.memory_space<vmem>>, vector<16xf32>,
      %add3A_384 = arith.addf %scan3A_357, %get3A_383 : vector<16xf32>
      scf.yield %add3A_363, %add3A_370, %add3A_377, %add3A_384 : vector<16xf32>, vector<16xf32>, vector<16xf32>, vector<16xf32>
    }
    %scan3A_238 = arith.constant 32 : i32
    %add3A_239 = arith.constant 40 : i32
    %add3A_240 = arith.addi %add3A_4, %add3A_239 : i32
    %dma_start3A_241 = arith.constant 0 : i32
    %dma_start3A_242 = tpu.memref_slice %arg2[%add3A_240, %dma_start3A_241] : memref<8192x2048xf32, #tpu.memory_space<hbm>> -> memref<8x2048xf32, #tpu.memory_space<hbm>>
    %dma_start3A_243 = arith.constant 0 : i32
    %dma_start3A_244 = tpu.memref_slice %arg2[%add3A_240, %dma_start3A_243] : memref<8192x2048xf32, #tpu.memory_space<hbm>> -> memref<8x2048xf32, #tpu.memory_space<hbm>>
    tpu.enqueue_dma source(%dma_start3A_244 : memref<8x2048xf32, #tpu.memory_space<hbm>>) target(%arg5 : memref<8x2048xf32, #tpu.memory_space<vmem>>) target_semaphore(%arg8 : memref<!tpu.dma_semaphore, #tpu.memory_space<semaphore_mem>>)
    %dma_wait3A_245 = arith.constant 0 : i32
    %dma_wait3A_246 = tpu.memref_slice %arg2[%add3A_182, %dma_wait3A_245] : memref<8192x2048xf32, #tpu.memory_space<hbm>> -> memref<8x2048xf32, #tpu.memory_space<hbm>>
    %dma_wait3A_247 = arith.constant 0 : i32
    %dma_wait3A_248 = tpu.memref_slice %arg2[%add3A_182, %dma_wait3A_247] : memref<8192x2048xf32, #tpu.memory_space<hbm>> -> memref<8x2048xf32, #tpu.memory_space<hbm>>
    tpu.wait_dma2 semaphore(%arg7 : memref<!tpu.dma_semaphore, #tpu.memory_space<semaphore_mem>>) src(%dma_wait3A_248 : memref<8x2048xf32, #tpu.memory_space<hbm>>) dst(%arg4 : memref<8x2048xf32, #tpu.memory_space<vmem>>)
    %scan3A_249 = arith.constant 0 : i32
    %scan3A_250 = arith.constant 32 : i32
    %scan3A_251 = arith.addi %scan3A_249, %scan3A_250 : i32
    %scan3A_252 = arith.constant 1 : i32
    %scan3A_253:4 = scf.for %scan3A_353 = %scan3A_249 to %scan3A_251 step %scan3A_252 iter_args(%scan3A_354 = %scan3A_237#0, %scan3A_355 = %scan3A_237#1, %scan3A_356 = %scan3A_237#2, %scan3A_357 = %scan3A_237#3) -> (vector<16xf32>, vector<16xf32>, vector<16xf32>, vector<16xf32>)  : i32 {
      %mul3A_358 = arith.constant 64 : i32
      %mul3A_359 = arith.muli %scan3A_353, %mul3A_358 : i32
      %get3A = arith.constant 0 : i32
      %get3A_360 = arith.index_cast %get3A : i32 to index
      %get3A_361 = arith.index_cast %mul3A_359 : i32 to index
      %get3A_362 = tpu.vector_load %arg4[%get3A_360, %get3A_361] {strides = array<i32>} : memref<8x2048xf32, #tpu.memory_space<vmem>>, vector<16xf32>,
      %add3A_363 = arith.addf %scan3A_354, %get3A_362 : vector<16xf32>
      %add3A_364 = arith.constant 16 : i32
      %add3A_365 = arith.addi %mul3A_359, %add3A_364 : i32
      %get3A_366 = arith.constant 0 : i32
      %get3A_367 = arith.index_cast %get3A_366 : i32 to index
      %get3A_368 = arith.index_cast %add3A_365 : i32 to index
      %get3A_369 = tpu.vector_load %arg4[%get3A_367, %get3A_368] {strides = array<i32>} : memref<8x2048xf32, #tpu.memory_space<vmem>>, vector<16xf32>,
      %add3A_370 = arith.addf %scan3A_355, %get3A_369 : vector<16xf32>
      %add3A_371 = arith.constant 32 : i32
      %add3A_372 = arith.addi %mul3A_359, %add3A_371 : i32
      %get3A_373 = arith.constant 0 : i32
      %get3A_374 = arith.index_cast %get3A_373 : i32 to index
      %get3A_375 = arith.index_cast %add3A_372 : i32 to index
      %get3A_376 = tpu.vector_load %arg4[%get3A_374, %get3A_375] {strides = array<i32>} : memref<8x2048xf32, #tpu.memory_space<vmem>>, vector<16xf32>,
      %add3A_377 = arith.addf %scan3A_356, %get3A_376 : vector<16xf32>
      %add3A_378 = arith.constant 48 : i32
      %add3A_379 = arith.addi %mul3A_359, %add3A_378 : i32
      %get3A_380 = arith.constant 0 : i32
      %get3A_381 = arith.index_cast %get3A_380 : i32 to index
      %get3A_382 = arith.index_cast %add3A_379 : i32 to index
      %get3A_383 = tpu.vector_load %arg4[%get3A_381, %get3A_382] {strides = array<i32>} : memref<8x2048xf32, #tpu.memory_space<vmem>>, vector<16xf32>,
      %add3A_384 = arith.addf %scan3A_357, %get3A_383 : vector<16xf32>
      scf.yield %add3A_363, %add3A_370, %add3A_377, %add3A_384 : vector<16xf32>, vector<16xf32>, vector<16xf32>, vector<16xf32>
    }
    %scan3A_254 = arith.constant 32 : i32
    %scan3A_255 = arith.constant 0 : i32
    %scan3A_256 = arith.constant 32 : i32
    %scan3A_257 = arith.addi %scan3A_255, %scan3A_256 : i32
    %scan3A_258 = arith.constant 1 : i32
    %scan3A_259:4 = scf.for %scan3A_353 = %scan3A_255 to %scan3A_257 step %scan3A_258 iter_args(%scan3A_354 = %scan3A_253#0, %scan3A_355 = %scan3A_253#1, %scan3A_356 = %scan3A_253#2, %scan3A_357 = %scan3A_253#3) -> (vector<16xf32>, vector<16xf32>, vector<16xf32>, vector<16xf32>)  : i32 {
      %mul3A_358 = arith.constant 64 : i32
      %mul3A_359 = arith.muli %scan3A_353, %mul3A_358 : i32
      %get3A = arith.constant 1 : i32
      %get3A_360 = arith.index_cast %get3A : i32 to index
      %get3A_361 = arith.index_cast %mul3A_359 : i32 to index
      %get3A_362 = tpu.vector_load %arg4[%get3A_360, %get3A_361] {strides = array<i32>} : memref<8x2048xf32, #tpu.memory_space<vmem>>, vector<16xf32>,
      %add3A_363 = arith.addf %scan3A_354, %get3A_362 : vector<16xf32>
      %add3A_364 = arith.constant 16 : i32
      %add3A_365 = arith.addi %mul3A_359, %add3A_364 : i32
      %get3A_366 = arith.constant 1 : i32
      %get3A_367 = arith.index_cast %get3A_366 : i32 to index
      %get3A_368 = arith.index_cast %add3A_365 : i32 to index
      %get3A_369 = tpu.vector_load %arg4[%get3A_367, %get3A_368] {strides = array<i32>} : memref<8x2048xf32, #tpu.memory_space<vmem>>, vector<16xf32>,
      %add3A_370 = arith.addf %scan3A_355, %get3A_369 : vector<16xf32>
      %add3A_371 = arith.constant 32 : i32
      %add3A_372 = arith.addi %mul3A_359, %add3A_371 : i32
      %get3A_373 = arith.constant 1 : i32
      %get3A_374 = arith.index_cast %get3A_373 : i32 to index
      %get3A_375 = arith.index_cast %add3A_372 : i32 to index
      %get3A_376 = tpu.vector_load %arg4[%get3A_374, %get3A_375] {strides = array<i32>} : memref<8x2048xf32, #tpu.memory_space<vmem>>, vector<16xf32>,
      %add3A_377 = arith.addf %scan3A_356, %get3A_376 : vector<16xf32>
      %add3A_378 = arith.constant 48 : i32
      %add3A_379 = arith.addi %mul3A_359, %add3A_378 : i32
      %get3A_380 = arith.constant 1 : i32
      %get3A_381 = arith.index_cast %get3A_380 : i32 to index
      %get3A_382 = arith.index_cast %add3A_379 : i32 to index
      %get3A_383 = tpu.vector_load %arg4[%get3A_381, %get3A_382] {strides = array<i32>} : memref<8x2048xf32, #tpu.memory_space<vmem>>, vector<16xf32>,
      %add3A_384 = arith.addf %scan3A_357, %get3A_383 : vector<16xf32>
      scf.yield %add3A_363, %add3A_370, %add3A_377, %add3A_384 : vector<16xf32>, vector<16xf32>, vector<16xf32>, vector<16xf32>
    }
    %scan3A_260 = arith.constant 32 : i32
    %scan3A_261 = arith.constant 0 : i32
    %scan3A_262 = arith.constant 32 : i32
    %scan3A_263 = arith.addi %scan3A_261, %scan3A_262 : i32
    %scan3A_264 = arith.constant 1 : i32
    %scan3A_265:4 = scf.for %scan3A_353 = %scan3A_261 to %scan3A_263 step %scan3A_264 iter_args(%scan3A_354 = %scan3A_259#0, %scan3A_355 = %scan3A_259#1, %scan3A_356 = %scan3A_259#2, %scan3A_357 = %scan3A_259#3) -> (vector<16xf32>, vector<16xf32>, vector<16xf32>, vector<16xf32>)  : i32 {
      %mul3A_358 = arith.constant 64 : i32
      %mul3A_359 = arith.muli %scan3A_353, %mul3A_358 : i32
      %get3A = arith.constant 2 : i32
      %get3A_360 = arith.index_cast %get3A : i32 to index
      %get3A_361 = arith.index_cast %mul3A_359 : i32 to index
      %get3A_362 = tpu.vector_load %arg4[%get3A_360, %get3A_361] {strides = array<i32>} : memref<8x2048xf32, #tpu.memory_space<vmem>>, vector<16xf32>,
      %add3A_363 = arith.addf %scan3A_354, %get3A_362 : vector<16xf32>
      %add3A_364 = arith.constant 16 : i32
      %add3A_365 = arith.addi %mul3A_359, %add3A_364 : i32
      %get3A_366 = arith.constant 2 : i32
      %get3A_367 = arith.index_cast %get3A_366 : i32 to index
      %get3A_368 = arith.index_cast %add3A_365 : i32 to index
      %get3A_369 = tpu.vector_load %arg4[%get3A_367, %get3A_368] {strides = array<i32>} : memref<8x2048xf32, #tpu.memory_space<vmem>>, vector<16xf32>,
      %add3A_370 = arith.addf %scan3A_355, %get3A_369 : vector<16xf32>
      %add3A_371 = arith.constant 32 : i32
      %add3A_372 = arith.addi %mul3A_359, %add3A_371 : i32
      %get3A_373 = arith.constant 2 : i32
      %get3A_374 = arith.index_cast %get3A_373 : i32 to index
      %get3A_375 = arith.index_cast %add3A_372 : i32 to index
      %get3A_376 = tpu.vector_load %arg4[%get3A_374, %get3A_375] {strides = array<i32>} : memref<8x2048xf32, #tpu.memory_space<vmem>>, vector<16xf32>,
      %add3A_377 = arith.addf %scan3A_356, %get3A_376 : vector<16xf32>
      %add3A_378 = arith.constant 48 : i32
      %add3A_379 = arith.addi %mul3A_359, %add3A_378 : i32
      %get3A_380 = arith.constant 2 : i32
      %get3A_381 = arith.index_cast %get3A_380 : i32 to index
      %get3A_382 = arith.index_cast %add3A_379 : i32 to index
      %get3A_383 = tpu.vector_load %arg4[%get3A_381, %get3A_382] {strides = array<i32>} : memref<8x2048xf32, #tpu.memory_space<vmem>>, vector<16xf32>,
      %add3A_384 = arith.addf %scan3A_357, %get3A_383 : vector<16xf32>
      scf.yield %add3A_363, %add3A_370, %add3A_377, %add3A_384 : vector<16xf32>, vector<16xf32>, vector<16xf32>, vector<16xf32>
    }
    %scan3A_266 = arith.constant 32 : i32
    %scan3A_267 = arith.constant 0 : i32
    %scan3A_268 = arith.constant 32 : i32
    %scan3A_269 = arith.addi %scan3A_267, %scan3A_268 : i32
    %scan3A_270 = arith.constant 1 : i32
    %scan3A_271:4 = scf.for %scan3A_353 = %scan3A_267 to %scan3A_269 step %scan3A_270 iter_args(%scan3A_354 = %scan3A_265#0, %scan3A_355 = %scan3A_265#1, %scan3A_356 = %scan3A_265#2, %scan3A_357 = %scan3A_265#3) -> (vector<16xf32>, vector<16xf32>, vector<16xf32>, vector<16xf32>)  : i32 {
      %mul3A_358 = arith.constant 64 : i32
      %mul3A_359 = arith.muli %scan3A_353, %mul3A_358 : i32
      %get3A = arith.constant 3 : i32
      %get3A_360 = arith.index_cast %get3A : i32 to index
      %get3A_361 = arith.index_cast %mul3A_359 : i32 to index
      %get3A_362 = tpu.vector_load %arg4[%get3A_360, %get3A_361] {strides = array<i32>} : memref<8x2048xf32, #tpu.memory_space<vmem>>, vector<16xf32>,
      %add3A_363 = arith.addf %scan3A_354, %get3A_362 : vector<16xf32>
      %add3A_364 = arith.constant 16 : i32
      %add3A_365 = arith.addi %mul3A_359, %add3A_364 : i32
      %get3A_366 = arith.constant 3 : i32
      %get3A_367 = arith.index_cast %get3A_366 : i32 to index
      %get3A_368 = arith.index_cast %add3A_365 : i32 to index
      %get3A_369 = tpu.vector_load %arg4[%get3A_367, %get3A_368] {strides = array<i32>} : memref<8x2048xf32, #tpu.memory_space<vmem>>, vector<16xf32>,
      %add3A_370 = arith.addf %scan3A_355, %get3A_369 : vector<16xf32>
      %add3A_371 = arith.constant 32 : i32
      %add3A_372 = arith.addi %mul3A_359, %add3A_371 : i32
      %get3A_373 = arith.constant 3 : i32
      %get3A_374 = arith.index_cast %get3A_373 : i32 to index
      %get3A_375 = arith.index_cast %add3A_372 : i32 to index
      %get3A_376 = tpu.vector_load %arg4[%get3A_374, %get3A_375] {strides = array<i32>} : memref<8x2048xf32, #tpu.memory_space<vmem>>, vector<16xf32>,
      %add3A_377 = arith.addf %scan3A_356, %get3A_376 : vector<16xf32>
      %add3A_378 = arith.constant 48 : i32
      %add3A_379 = arith.addi %mul3A_359, %add3A_378 : i32
      %get3A_380 = arith.constant 3 : i32
      %get3A_381 = arith.index_cast %get3A_380 : i32 to index
      %get3A_382 = arith.index_cast %add3A_379 : i32 to index
      %get3A_383 = tpu.vector_load %arg4[%get3A_381, %get3A_382] {strides = array<i32>} : memref<8x2048xf32, #tpu.memory_space<vmem>>, vector<16xf32>,
      %add3A_384 = arith.addf %scan3A_357, %get3A_383 : vector<16xf32>
      scf.yield %add3A_363, %add3A_370, %add3A_377, %add3A_384 : vector<16xf32>, vector<16xf32>, vector<16xf32>, vector<16xf32>
    }
    %scan3A_272 = arith.constant 32 : i32
    %scan3A_273 = arith.constant 0 : i32
    %scan3A_274 = arith.constant 32 : i32
    %scan3A_275 = arith.addi %scan3A_273, %scan3A_274 : i32
    %scan3A_276 = arith.constant 1 : i32
    %scan3A_277:4 = scf.for %scan3A_353 = %scan3A_273 to %scan3A_275 step %scan3A_276 iter_args(%scan3A_354 = %scan3A_271#0, %scan3A_355 = %scan3A_271#1, %scan3A_356 = %scan3A_271#2, %scan3A_357 = %scan3A_271#3) -> (vector<16xf32>, vector<16xf32>, vector<16xf32>, vector<16xf32>)  : i32 {
      %mul3A_358 = arith.constant 64 : i32
      %mul3A_359 = arith.muli %scan3A_353, %mul3A_358 : i32
      %get3A = arith.constant 4 : i32
      %get3A_360 = arith.index_cast %get3A : i32 to index
      %get3A_361 = arith.index_cast %mul3A_359 : i32 to index
      %get3A_362 = tpu.vector_load %arg4[%get3A_360, %get3A_361] {strides = array<i32>} : memref<8x2048xf32, #tpu.memory_space<vmem>>, vector<16xf32>,
      %add3A_363 = arith.addf %scan3A_354, %get3A_362 : vector<16xf32>
      %add3A_364 = arith.constant 16 : i32
      %add3A_365 = arith.addi %mul3A_359, %add3A_364 : i32
      %get3A_366 = arith.constant 4 : i32
      %get3A_367 = arith.index_cast %get3A_366 : i32 to index
      %get3A_368 = arith.index_cast %add3A_365 : i32 to index
      %get3A_369 = tpu.vector_load %arg4[%get3A_367, %get3A_368] {strides = array<i32>} : memref<8x2048xf32, #tpu.memory_space<vmem>>, vector<16xf32>,
      %add3A_370 = arith.addf %scan3A_355, %get3A_369 : vector<16xf32>
      %add3A_371 = arith.constant 32 : i32
      %add3A_372 = arith.addi %mul3A_359, %add3A_371 : i32
      %get3A_373 = arith.constant 4 : i32
      %get3A_374 = arith.index_cast %get3A_373 : i32 to index
      %get3A_375 = arith.index_cast %add3A_372 : i32 to index
      %get3A_376 = tpu.vector_load %arg4[%get3A_374, %get3A_375] {strides = array<i32>} : memref<8x2048xf32, #tpu.memory_space<vmem>>, vector<16xf32>,
      %add3A_377 = arith.addf %scan3A_356, %get3A_376 : vector<16xf32>
      %add3A_378 = arith.constant 48 : i32
      %add3A_379 = arith.addi %mul3A_359, %add3A_378 : i32
      %get3A_380 = arith.constant 4 : i32
      %get3A_381 = arith.index_cast %get3A_380 : i32 to index
      %get3A_382 = arith.index_cast %add3A_379 : i32 to index
      %get3A_383 = tpu.vector_load %arg4[%get3A_381, %get3A_382] {strides = array<i32>} : memref<8x2048xf32, #tpu.memory_space<vmem>>, vector<16xf32>,
      %add3A_384 = arith.addf %scan3A_357, %get3A_383 : vector<16xf32>
      scf.yield %add3A_363, %add3A_370, %add3A_377, %add3A_384 : vector<16xf32>, vector<16xf32>, vector<16xf32>, vector<16xf32>
    }
    %scan3A_278 = arith.constant 32 : i32
    %scan3A_279 = arith.constant 0 : i32
    %scan3A_280 = arith.constant 32 : i32
    %scan3A_281 = arith.addi %scan3A_279, %scan3A_280 : i32
    %scan3A_282 = arith.constant 1 : i32
    %scan3A_283:4 = scf.for %scan3A_353 = %scan3A_279 to %scan3A_281 step %scan3A_282 iter_args(%scan3A_354 = %scan3A_277#0, %scan3A_355 = %scan3A_277#1, %scan3A_356 = %scan3A_277#2, %scan3A_357 = %scan3A_277#3) -> (vector<16xf32>, vector<16xf32>, vector<16xf32>, vector<16xf32>)  : i32 {
      %mul3A_358 = arith.constant 64 : i32
      %mul3A_359 = arith.muli %scan3A_353, %mul3A_358 : i32
      %get3A = arith.constant 5 : i32
      %get3A_360 = arith.index_cast %get3A : i32 to index
      %get3A_361 = arith.index_cast %mul3A_359 : i32 to index
      %get3A_362 = tpu.vector_load %arg4[%get3A_360, %get3A_361] {strides = array<i32>} : memref<8x2048xf32, #tpu.memory_space<vmem>>, vector<16xf32>,
      %add3A_363 = arith.addf %scan3A_354, %get3A_362 : vector<16xf32>
      %add3A_364 = arith.constant 16 : i32
      %add3A_365 = arith.addi %mul3A_359, %add3A_364 : i32
      %get3A_366 = arith.constant 5 : i32
      %get3A_367 = arith.index_cast %get3A_366 : i32 to index
      %get3A_368 = arith.index_cast %add3A_365 : i32 to index
      %get3A_369 = tpu.vector_load %arg4[%get3A_367, %get3A_368] {strides = array<i32>} : memref<8x2048xf32, #tpu.memory_space<vmem>>, vector<16xf32>,
      %add3A_370 = arith.addf %scan3A_355, %get3A_369 : vector<16xf32>
      %add3A_371 = arith.constant 32 : i32
      %add3A_372 = arith.addi %mul3A_359, %add3A_371 : i32
      %get3A_373 = arith.constant 5 : i32
      %get3A_374 = arith.index_cast %get3A_373 : i32 to index
      %get3A_375 = arith.index_cast %add3A_372 : i32 to index
      %get3A_376 = tpu.vector_load %arg4[%get3A_374, %get3A_375] {strides = array<i32>} : memref<8x2048xf32, #tpu.memory_space<vmem>>, vector<16xf32>,
      %add3A_377 = arith.addf %scan3A_356, %get3A_376 : vector<16xf32>
      %add3A_378 = arith.constant 48 : i32
      %add3A_379 = arith.addi %mul3A_359, %add3A_378 : i32
      %get3A_380 = arith.constant 5 : i32
      %get3A_381 = arith.index_cast %get3A_380 : i32 to index
      %get3A_382 = arith.index_cast %add3A_379 : i32 to index
      %get3A_383 = tpu.vector_load %arg4[%get3A_381, %get3A_382] {strides = array<i32>} : memref<8x2048xf32, #tpu.memory_space<vmem>>, vector<16xf32>,
      %add3A_384 = arith.addf %scan3A_357, %get3A_383 : vector<16xf32>
      scf.yield %add3A_363, %add3A_370, %add3A_377, %add3A_384 : vector<16xf32>, vector<16xf32>, vector<16xf32>, vector<16xf32>
    }
    %scan3A_284 = arith.constant 32 : i32
    %scan3A_285 = arith.constant 0 : i32
    %scan3A_286 = arith.constant 32 : i32
    %scan3A_287 = arith.addi %scan3A_285, %scan3A_286 : i32
    %scan3A_288 = arith.constant 1 : i32
    %scan3A_289:4 = scf.for %scan3A_353 = %scan3A_285 to %scan3A_287 step %scan3A_288 iter_args(%scan3A_354 = %scan3A_283#0, %scan3A_355 = %scan3A_283#1, %scan3A_356 = %scan3A_283#2, %scan3A_357 = %scan3A_283#3) -> (vector<16xf32>, vector<16xf32>, vector<16xf32>, vector<16xf32>)  : i32 {
      %mul3A_358 = arith.constant 64 : i32
      %mul3A_359 = arith.muli %scan3A_353, %mul3A_358 : i32
      %get3A = arith.constant 6 : i32
      %get3A_360 = arith.index_cast %get3A : i32 to index
      %get3A_361 = arith.index_cast %mul3A_359 : i32 to index
      %get3A_362 = tpu.vector_load %arg4[%get3A_360, %get3A_361] {strides = array<i32>} : memref<8x2048xf32, #tpu.memory_space<vmem>>, vector<16xf32>,
      %add3A_363 = arith.addf %scan3A_354, %get3A_362 : vector<16xf32>
      %add3A_364 = arith.constant 16 : i32
      %add3A_365 = arith.addi %mul3A_359, %add3A_364 : i32
      %get3A_366 = arith.constant 6 : i32
      %get3A_367 = arith.index_cast %get3A_366 : i32 to index
      %get3A_368 = arith.index_cast %add3A_365 : i32 to index
      %get3A_369 = tpu.vector_load %arg4[%get3A_367, %get3A_368] {strides = array<i32>} : memref<8x2048xf32, #tpu.memory_space<vmem>>, vector<16xf32>,
      %add3A_370 = arith.addf %scan3A_355, %get3A_369 : vector<16xf32>
      %add3A_371 = arith.constant 32 : i32
      %add3A_372 = arith.addi %mul3A_359, %add3A_371 : i32
      %get3A_373 = arith.constant 6 : i32
      %get3A_374 = arith.index_cast %get3A_373 : i32 to index
      %get3A_375 = arith.index_cast %add3A_372 : i32 to index
      %get3A_376 = tpu.vector_load %arg4[%get3A_374, %get3A_375] {strides = array<i32>} : memref<8x2048xf32, #tpu.memory_space<vmem>>, vector<16xf32>,
      %add3A_377 = arith.addf %scan3A_356, %get3A_376 : vector<16xf32>
      %add3A_378 = arith.constant 48 : i32
      %add3A_379 = arith.addi %mul3A_359, %add3A_378 : i32
      %get3A_380 = arith.constant 6 : i32
      %get3A_381 = arith.index_cast %get3A_380 : i32 to index
      %get3A_382 = arith.index_cast %add3A_379 : i32 to index
      %get3A_383 = tpu.vector_load %arg4[%get3A_381, %get3A_382] {strides = array<i32>} : memref<8x2048xf32, #tpu.memory_space<vmem>>, vector<16xf32>,
      %add3A_384 = arith.addf %scan3A_357, %get3A_383 : vector<16xf32>
      scf.yield %add3A_363, %add3A_370, %add3A_377, %add3A_384 : vector<16xf32>, vector<16xf32>, vector<16xf32>, vector<16xf32>
    }
    %scan3A_290 = arith.constant 32 : i32
    %scan3A_291 = arith.constant 0 : i32
    %scan3A_292 = arith.constant 32 : i32
    %scan3A_293 = arith.addi %scan3A_291, %scan3A_292 : i32
    %scan3A_294 = arith.constant 1 : i32
    %scan3A_295:4 = scf.for %scan3A_353 = %scan3A_291 to %scan3A_293 step %scan3A_294 iter_args(%scan3A_354 = %scan3A_289#0, %scan3A_355 = %scan3A_289#1, %scan3A_356 = %scan3A_289#2, %scan3A_357 = %scan3A_289#3) -> (vector<16xf32>, vector<16xf32>, vector<16xf32>, vector<16xf32>)  : i32 {
      %mul3A_358 = arith.constant 64 : i32
      %mul3A_359 = arith.muli %scan3A_353, %mul3A_358 : i32
      %get3A = arith.constant 7 : i32
      %get3A_360 = arith.index_cast %get3A : i32 to index
      %get3A_361 = arith.index_cast %mul3A_359 : i32 to index
      %get3A_362 = tpu.vector_load %arg4[%get3A_360, %get3A_361] {strides = array<i32>} : memref<8x2048xf32, #tpu.memory_space<vmem>>, vector<16xf32>,
      %add3A_363 = arith.addf %scan3A_354, %get3A_362 : vector<16xf32>
      %add3A_364 = arith.constant 16 : i32
      %add3A_365 = arith.addi %mul3A_359, %add3A_364 : i32
      %get3A_366 = arith.constant 7 : i32
      %get3A_367 = arith.index_cast %get3A_366 : i32 to index
      %get3A_368 = arith.index_cast %add3A_365 : i32 to index
      %get3A_369 = tpu.vector_load %arg4[%get3A_367, %get3A_368] {strides = array<i32>} : memref<8x2048xf32, #tpu.memory_space<vmem>>, vector<16xf32>,
      %add3A_370 = arith.addf %scan3A_355, %get3A_369 : vector<16xf32>
      %add3A_371 = arith.constant 32 : i32
      %add3A_372 = arith.addi %mul3A_359, %add3A_371 : i32
      %get3A_373 = arith.constant 7 : i32
      %get3A_374 = arith.index_cast %get3A_373 : i32 to index
      %get3A_375 = arith.index_cast %add3A_372 : i32 to index
      %get3A_376 = tpu.vector_load %arg4[%get3A_374, %get3A_375] {strides = array<i32>} : memref<8x2048xf32, #tpu.memory_space<vmem>>, vector<16xf32>,
      %add3A_377 = arith.addf %scan3A_356, %get3A_376 : vector<16xf32>
      %add3A_378 = arith.constant 48 : i32
      %add3A_379 = arith.addi %mul3A_359, %add3A_378 : i32
      %get3A_380 = arith.constant 7 : i32
      %get3A_381 = arith.index_cast %get3A_380 : i32 to index
      %get3A_382 = arith.index_cast %add3A_379 : i32 to index
      %get3A_383 = tpu.vector_load %arg4[%get3A_381, %get3A_382] {strides = array<i32>} : memref<8x2048xf32, #tpu.memory_space<vmem>>, vector<16xf32>,
      %add3A_384 = arith.addf %scan3A_357, %get3A_383 : vector<16xf32>
      scf.yield %add3A_363, %add3A_370, %add3A_377, %add3A_384 : vector<16xf32>, vector<16xf32>, vector<16xf32>, vector<16xf32>
    }
    %scan3A_296 = arith.constant 32 : i32
    %dma_wait3A_297 = arith.constant 0 : i32
    %dma_wait3A_298 = tpu.memref_slice %arg2[%add3A_240, %dma_wait3A_297] : memref<8192x2048xf32, #tpu.memory_space<hbm>> -> memref<8x2048xf32, #tpu.memory_space<hbm>>
    %dma_wait3A_299 = arith.constant 0 : i32
    %dma_wait3A_300 = tpu.memref_slice %arg2[%add3A_240, %dma_wait3A_299] : memref<8192x2048xf32, #tpu.memory_space<hbm>> -> memref<8x2048xf32, #tpu.memory_space<hbm>>
    tpu.wait_dma2 semaphore(%arg8 : memref<!tpu.dma_semaphore, #tpu.memory_space<semaphore_mem>>) src(%dma_wait3A_300 : memref<8x2048xf32, #tpu.memory_space<hbm>>) dst(%arg5 : memref<8x2048xf32, #tpu.memory_space<vmem>>)
    %scan3A_301 = arith.constant 0 : i32
    %scan3A_302 = arith.constant 32 : i32
    %scan3A_303 = arith.addi %scan3A_301, %scan3A_302 : i32
    %scan3A_304 = arith.constant 1 : i32
    %scan3A_305:4 = scf.for %scan3A_353 = %scan3A_301 to %scan3A_303 step %scan3A_304 iter_args(%scan3A_354 = %scan3A_295#0, %scan3A_355 = %scan3A_295#1, %scan3A_356 = %scan3A_295#2, %scan3A_357 = %scan3A_295#3) -> (vector<16xf32>, vector<16xf32>, vector<16xf32>, vector<16xf32>)  : i32 {
      %mul3A_358 = arith.constant 64 : i32
      %mul3A_359 = arith.muli %scan3A_353, %mul3A_358 : i32
      %get3A = arith.constant 0 : i32
      %get3A_360 = arith.index_cast %get3A : i32 to index
      %get3A_361 = arith.index_cast %mul3A_359 : i32 to index
      %get3A_362 = tpu.vector_load %arg5[%get3A_360, %get3A_361] {strides = array<i32>} : memref<8x2048xf32, #tpu.memory_space<vmem>>, vector<16xf32>,
      %add3A_363 = arith.addf %scan3A_354, %get3A_362 : vector<16xf32>
      %add3A_364 = arith.constant 16 : i32
      %add3A_365 = arith.addi %mul3A_359, %add3A_364 : i32
      %get3A_366 = arith.constant 0 : i32
      %get3A_367 = arith.index_cast %get3A_366 : i32 to index
      %get3A_368 = arith.index_cast %add3A_365 : i32 to index
      %get3A_369 = tpu.vector_load %arg5[%get3A_367, %get3A_368] {strides = array<i32>} : memref<8x2048xf32, #tpu.memory_space<vmem>>, vector<16xf32>,
      %add3A_370 = arith.addf %scan3A_355, %get3A_369 : vector<16xf32>
      %add3A_371 = arith.constant 32 : i32
      %add3A_372 = arith.addi %mul3A_359, %add3A_371 : i32
      %get3A_373 = arith.constant 0 : i32
      %get3A_374 = arith.index_cast %get3A_373 : i32 to index
      %get3A_375 = arith.index_cast %add3A_372 : i32 to index
      %get3A_376 = tpu.vector_load %arg5[%get3A_374, %get3A_375] {strides = array<i32>} : memref<8x2048xf32, #tpu.memory_space<vmem>>, vector<16xf32>,
      %add3A_377 = arith.addf %scan3A_356, %get3A_376 : vector<16xf32>
      %add3A_378 = arith.constant 48 : i32
      %add3A_379 = arith.addi %mul3A_359, %add3A_378 : i32
      %get3A_380 = arith.constant 0 : i32
      %get3A_381 = arith.index_cast %get3A_380 : i32 to index
      %get3A_382 = arith.index_cast %add3A_379 : i32 to index
      %get3A_383 = tpu.vector_load %arg5[%get3A_381, %get3A_382] {strides = array<i32>} : memref<8x2048xf32, #tpu.memory_space<vmem>>, vector<16xf32>,
      %add3A_384 = arith.addf %scan3A_357, %get3A_383 : vector<16xf32>
      scf.yield %add3A_363, %add3A_370, %add3A_377, %add3A_384 : vector<16xf32>, vector<16xf32>, vector<16xf32>, vector<16xf32>
    }
    %scan3A_306 = arith.constant 32 : i32
    %scan3A_307 = arith.constant 0 : i32
    %scan3A_308 = arith.constant 32 : i32
    %scan3A_309 = arith.addi %scan3A_307, %scan3A_308 : i32
    %scan3A_310 = arith.constant 1 : i32
    %scan3A_311:4 = scf.for %scan3A_353 = %scan3A_307 to %scan3A_309 step %scan3A_310 iter_args(%scan3A_354 = %scan3A_305#0, %scan3A_355 = %scan3A_305#1, %scan3A_356 = %scan3A_305#2, %scan3A_357 = %scan3A_305#3) -> (vector<16xf32>, vector<16xf32>, vector<16xf32>, vector<16xf32>)  : i32 {
      %mul3A_358 = arith.constant 64 : i32
      %mul3A_359 = arith.muli %scan3A_353, %mul3A_358 : i32
      %get3A = arith.constant 1 : i32
      %get3A_360 = arith.index_cast %get3A : i32 to index
      %get3A_361 = arith.index_cast %mul3A_359 : i32 to index
      %get3A_362 = tpu.vector_load %arg5[%get3A_360, %get3A_361] {strides = array<i32>} : memref<8x2048xf32, #tpu.memory_space<vmem>>, vector<16xf32>,
      %add3A_363 = arith.addf %scan3A_354, %get3A_362 : vector<16xf32>
      %add3A_364 = arith.constant 16 : i32
      %add3A_365 = arith.addi %mul3A_359, %add3A_364 : i32
      %get3A_366 = arith.constant 1 : i32
      %get3A_367 = arith.index_cast %get3A_366 : i32 to index
      %get3A_368 = arith.index_cast %add3A_365 : i32 to index
      %get3A_369 = tpu.vector_load %arg5[%get3A_367, %get3A_368] {strides = array<i32>} : memref<8x2048xf32, #tpu.memory_space<vmem>>, vector<16xf32>,
      %add3A_370 = arith.addf %scan3A_355, %get3A_369 : vector<16xf32>
      %add3A_371 = arith.constant 32 : i32
      %add3A_372 = arith.addi %mul3A_359, %add3A_371 : i32
      %get3A_373 = arith.constant 1 : i32
      %get3A_374 = arith.index_cast %get3A_373 : i32 to index
      %get3A_375 = arith.index_cast %add3A_372 : i32 to index
      %get3A_376 = tpu.vector_load %arg5[%get3A_374, %get3A_375] {strides = array<i32>} : memref<8x2048xf32, #tpu.memory_space<vmem>>, vector<16xf32>,
      %add3A_377 = arith.addf %scan3A_356, %get3A_376 : vector<16xf32>
      %add3A_378 = arith.constant 48 : i32
      %add3A_379 = arith.addi %mul3A_359, %add3A_378 : i32
      %get3A_380 = arith.constant 1 : i32
      %get3A_381 = arith.index_cast %get3A_380 : i32 to index
      %get3A_382 = arith.index_cast %add3A_379 : i32 to index
      %get3A_383 = tpu.vector_load %arg5[%get3A_381, %get3A_382] {strides = array<i32>} : memref<8x2048xf32, #tpu.memory_space<vmem>>, vector<16xf32>,
      %add3A_384 = arith.addf %scan3A_357, %get3A_383 : vector<16xf32>
      scf.yield %add3A_363, %add3A_370, %add3A_377, %add3A_384 : vector<16xf32>, vector<16xf32>, vector<16xf32>, vector<16xf32>
    }
    %scan3A_312 = arith.constant 32 : i32
    %scan3A_313 = arith.constant 0 : i32
    %scan3A_314 = arith.constant 32 : i32
    %scan3A_315 = arith.addi %scan3A_313, %scan3A_314 : i32
    %scan3A_316 = arith.constant 1 : i32
    %scan3A_317:4 = scf.for %scan3A_353 = %scan3A_313 to %scan3A_315 step %scan3A_316 iter_args(%scan3A_354 = %scan3A_311#0, %scan3A_355 = %scan3A_311#1, %scan3A_356 = %scan3A_311#2, %scan3A_357 = %scan3A_311#3) -> (vector<16xf32>, vector<16xf32>, vector<16xf32>, vector<16xf32>)  : i32 {
      %mul3A_358 = arith.constant 64 : i32
      %mul3A_359 = arith.muli %scan3A_353, %mul3A_358 : i32
      %get3A = arith.constant 2 : i32
      %get3A_360 = arith.index_cast %get3A : i32 to index
      %get3A_361 = arith.index_cast %mul3A_359 : i32 to index
      %get3A_362 = tpu.vector_load %arg5[%get3A_360, %get3A_361] {strides = array<i32>} : memref<8x2048xf32, #tpu.memory_space<vmem>>, vector<16xf32>,
      %add3A_363 = arith.addf %scan3A_354, %get3A_362 : vector<16xf32>
      %add3A_364 = arith.constant 16 : i32
      %add3A_365 = arith.addi %mul3A_359, %add3A_364 : i32
      %get3A_366 = arith.constant 2 : i32
      %get3A_367 = arith.index_cast %get3A_366 : i32 to index
      %get3A_368 = arith.index_cast %add3A_365 : i32 to index
      %get3A_369 = tpu.vector_load %arg5[%get3A_367, %get3A_368] {strides = array<i32>} : memref<8x2048xf32, #tpu.memory_space<vmem>>, vector<16xf32>,
      %add3A_370 = arith.addf %scan3A_355, %get3A_369 : vector<16xf32>
      %add3A_371 = arith.constant 32 : i32
      %add3A_372 = arith.addi %mul3A_359, %add3A_371 : i32
      %get3A_373 = arith.constant 2 : i32
      %get3A_374 = arith.index_cast %get3A_373 : i32 to index
      %get3A_375 = arith.index_cast %add3A_372 : i32 to index
      %get3A_376 = tpu.vector_load %arg5[%get3A_374, %get3A_375] {strides = array<i32>} : memref<8x2048xf32, #tpu.memory_space<vmem>>, vector<16xf32>,
      %add3A_377 = arith.addf %scan3A_356, %get3A_376 : vector<16xf32>
      %add3A_378 = arith.constant 48 : i32
      %add3A_379 = arith.addi %mul3A_359, %add3A_378 : i32
      %get3A_380 = arith.constant 2 : i32
      %get3A_381 = arith.index_cast %get3A_380 : i32 to index
      %get3A_382 = arith.index_cast %add3A_379 : i32 to index
      %get3A_383 = tpu.vector_load %arg5[%get3A_381, %get3A_382] {strides = array<i32>} : memref<8x2048xf32, #tpu.memory_space<vmem>>, vector<16xf32>,
      %add3A_384 = arith.addf %scan3A_357, %get3A_383 : vector<16xf32>
      scf.yield %add3A_363, %add3A_370, %add3A_377, %add3A_384 : vector<16xf32>, vector<16xf32>, vector<16xf32>, vector<16xf32>
    }
    %scan3A_318 = arith.constant 32 : i32
    %scan3A_319 = arith.constant 0 : i32
    %scan3A_320 = arith.constant 32 : i32
    %scan3A_321 = arith.addi %scan3A_319, %scan3A_320 : i32
    %scan3A_322 = arith.constant 1 : i32
    %scan3A_323:4 = scf.for %scan3A_353 = %scan3A_319 to %scan3A_321 step %scan3A_322 iter_args(%scan3A_354 = %scan3A_317#0, %scan3A_355 = %scan3A_317#1, %scan3A_356 = %scan3A_317#2, %scan3A_357 = %scan3A_317#3) -> (vector<16xf32>, vector<16xf32>, vector<16xf32>, vector<16xf32>)  : i32 {
      %mul3A_358 = arith.constant 64 : i32
      %mul3A_359 = arith.muli %scan3A_353, %mul3A_358 : i32
      %get3A = arith.constant 3 : i32
      %get3A_360 = arith.index_cast %get3A : i32 to index
      %get3A_361 = arith.index_cast %mul3A_359 : i32 to index
      %get3A_362 = tpu.vector_load %arg5[%get3A_360, %get3A_361] {strides = array<i32>} : memref<8x2048xf32, #tpu.memory_space<vmem>>, vector<16xf32>,
      %add3A_363 = arith.addf %scan3A_354, %get3A_362 : vector<16xf32>
      %add3A_364 = arith.constant 16 : i32
      %add3A_365 = arith.addi %mul3A_359, %add3A_364 : i32
      %get3A_366 = arith.constant 3 : i32
      %get3A_367 = arith.index_cast %get3A_366 : i32 to index
      %get3A_368 = arith.index_cast %add3A_365 : i32 to index
      %get3A_369 = tpu.vector_load %arg5[%get3A_367, %get3A_368] {strides = array<i32>} : memref<8x2048xf32, #tpu.memory_space<vmem>>, vector<16xf32>,
      %add3A_370 = arith.addf %scan3A_355, %get3A_369 : vector<16xf32>
      %add3A_371 = arith.constant 32 : i32
      %add3A_372 = arith.addi %mul3A_359, %add3A_371 : i32
      %get3A_373 = arith.constant 3 : i32
      %get3A_374 = arith.index_cast %get3A_373 : i32 to index
      %get3A_375 = arith.index_cast %add3A_372 : i32 to index
      %get3A_376 = tpu.vector_load %arg5[%get3A_374, %get3A_375] {strides = array<i32>} : memref<8x2048xf32, #tpu.memory_space<vmem>>, vector<16xf32>,
      %add3A_377 = arith.addf %scan3A_356, %get3A_376 : vector<16xf32>
      %add3A_378 = arith.constant 48 : i32
      %add3A_379 = arith.addi %mul3A_359, %add3A_378 : i32
      %get3A_380 = arith.constant 3 : i32
      %get3A_381 = arith.index_cast %get3A_380 : i32 to index
      %get3A_382 = arith.index_cast %add3A_379 : i32 to index
      %get3A_383 = tpu.vector_load %arg5[%get3A_381, %get3A_382] {strides = array<i32>} : memref<8x2048xf32, #tpu.memory_space<vmem>>, vector<16xf32>,
      %add3A_384 = arith.addf %scan3A_357, %get3A_383 : vector<16xf32>
      scf.yield %add3A_363, %add3A_370, %add3A_377, %add3A_384 : vector<16xf32>, vector<16xf32>, vector<16xf32>, vector<16xf32>
    }
    %scan3A_324 = arith.constant 32 : i32
    %scan3A_325 = arith.constant 0 : i32
    %scan3A_326 = arith.constant 32 : i32
    %scan3A_327 = arith.addi %scan3A_325, %scan3A_326 : i32
    %scan3A_328 = arith.constant 1 : i32
    %scan3A_329:4 = scf.for %scan3A_353 = %scan3A_325 to %scan3A_327 step %scan3A_328 iter_args(%scan3A_354 = %scan3A_323#0, %scan3A_355 = %scan3A_323#1, %scan3A_356 = %scan3A_323#2, %scan3A_357 = %scan3A_323#3) -> (vector<16xf32>, vector<16xf32>, vector<16xf32>, vector<16xf32>)  : i32 {
      %mul3A_358 = arith.constant 64 : i32
      %mul3A_359 = arith.muli %scan3A_353, %mul3A_358 : i32
      %get3A = arith.constant 4 : i32
      %get3A_360 = arith.index_cast %get3A : i32 to index
      %get3A_361 = arith.index_cast %mul3A_359 : i32 to index
      %get3A_362 = tpu.vector_load %arg5[%get3A_360, %get3A_361] {strides = array<i32>} : memref<8x2048xf32, #tpu.memory_space<vmem>>, vector<16xf32>,
      %add3A_363 = arith.addf %scan3A_354, %get3A_362 : vector<16xf32>
      %add3A_364 = arith.constant 16 : i32
      %add3A_365 = arith.addi %mul3A_359, %add3A_364 : i32
      %get3A_366 = arith.constant 4 : i32
      %get3A_367 = arith.index_cast %get3A_366 : i32 to index
      %get3A_368 = arith.index_cast %add3A_365 : i32 to index
      %get3A_369 = tpu.vector_load %arg5[%get3A_367, %get3A_368] {strides = array<i32>} : memref<8x2048xf32, #tpu.memory_space<vmem>>, vector<16xf32>,
      %add3A_370 = arith.addf %scan3A_355, %get3A_369 : vector<16xf32>
      %add3A_371 = arith.constant 32 : i32
      %add3A_372 = arith.addi %mul3A_359, %add3A_371 : i32
      %get3A_373 = arith.constant 4 : i32
      %get3A_374 = arith.index_cast %get3A_373 : i32 to index
      %get3A_375 = arith.index_cast %add3A_372 : i32 to index
      %get3A_376 = tpu.vector_load %arg5[%get3A_374, %get3A_375] {strides = array<i32>} : memref<8x2048xf32, #tpu.memory_space<vmem>>, vector<16xf32>,
      %add3A_377 = arith.addf %scan3A_356, %get3A_376 : vector<16xf32>
      %add3A_378 = arith.constant 48 : i32
      %add3A_379 = arith.addi %mul3A_359, %add3A_378 : i32
      %get3A_380 = arith.constant 4 : i32
      %get3A_381 = arith.index_cast %get3A_380 : i32 to index
      %get3A_382 = arith.index_cast %add3A_379 : i32 to index
      %get3A_383 = tpu.vector_load %arg5[%get3A_381, %get3A_382] {strides = array<i32>} : memref<8x2048xf32, #tpu.memory_space<vmem>>, vector<16xf32>,
      %add3A_384 = arith.addf %scan3A_357, %get3A_383 : vector<16xf32>
      scf.yield %add3A_363, %add3A_370, %add3A_377, %add3A_384 : vector<16xf32>, vector<16xf32>, vector<16xf32>, vector<16xf32>
    }
    %scan3A_330 = arith.constant 32 : i32
    %scan3A_331 = arith.constant 0 : i32
    %scan3A_332 = arith.constant 32 : i32
    %scan3A_333 = arith.addi %scan3A_331, %scan3A_332 : i32
    %scan3A_334 = arith.constant 1 : i32
    %scan3A_335:4 = scf.for %scan3A_353 = %scan3A_331 to %scan3A_333 step %scan3A_334 iter_args(%scan3A_354 = %scan3A_329#0, %scan3A_355 = %scan3A_329#1, %scan3A_356 = %scan3A_329#2, %scan3A_357 = %scan3A_329#3) -> (vector<16xf32>, vector<16xf32>, vector<16xf32>, vector<16xf32>)  : i32 {
      %mul3A_358 = arith.constant 64 : i32
      %mul3A_359 = arith.muli %scan3A_353, %mul3A_358 : i32
      %get3A = arith.constant 5 : i32
      %get3A_360 = arith.index_cast %get3A : i32 to index
      %get3A_361 = arith.index_cast %mul3A_359 : i32 to index
      %get3A_362 = tpu.vector_load %arg5[%get3A_360, %get3A_361] {strides = array<i32>} : memref<8x2048xf32, #tpu.memory_space<vmem>>, vector<16xf32>,
      %add3A_363 = arith.addf %scan3A_354, %get3A_362 : vector<16xf32>
      %add3A_364 = arith.constant 16 : i32
      %add3A_365 = arith.addi %mul3A_359, %add3A_364 : i32
      %get3A_366 = arith.constant 5 : i32
      %get3A_367 = arith.index_cast %get3A_366 : i32 to index
      %get3A_368 = arith.index_cast %add3A_365 : i32 to index
      %get3A_369 = tpu.vector_load %arg5[%get3A_367, %get3A_368] {strides = array<i32>} : memref<8x2048xf32, #tpu.memory_space<vmem>>, vector<16xf32>,
      %add3A_370 = arith.addf %scan3A_355, %get3A_369 : vector<16xf32>
      %add3A_371 = arith.constant 32 : i32
      %add3A_372 = arith.addi %mul3A_359, %add3A_371 : i32
      %get3A_373 = arith.constant 5 : i32
      %get3A_374 = arith.index_cast %get3A_373 : i32 to index
      %get3A_375 = arith.index_cast %add3A_372 : i32 to index
      %get3A_376 = tpu.vector_load %arg5[%get3A_374, %get3A_375] {strides = array<i32>} : memref<8x2048xf32, #tpu.memory_space<vmem>>, vector<16xf32>,
      %add3A_377 = arith.addf %scan3A_356, %get3A_376 : vector<16xf32>
      %add3A_378 = arith.constant 48 : i32
      %add3A_379 = arith.addi %mul3A_359, %add3A_378 : i32
      %get3A_380 = arith.constant 5 : i32
      %get3A_381 = arith.index_cast %get3A_380 : i32 to index
      %get3A_382 = arith.index_cast %add3A_379 : i32 to index
      %get3A_383 = tpu.vector_load %arg5[%get3A_381, %get3A_382] {strides = array<i32>} : memref<8x2048xf32, #tpu.memory_space<vmem>>, vector<16xf32>,
      %add3A_384 = arith.addf %scan3A_357, %get3A_383 : vector<16xf32>
      scf.yield %add3A_363, %add3A_370, %add3A_377, %add3A_384 : vector<16xf32>, vector<16xf32>, vector<16xf32>, vector<16xf32>
    }
    %scan3A_336 = arith.constant 32 : i32
    %scan3A_337 = arith.constant 0 : i32
    %scan3A_338 = arith.constant 32 : i32
    %scan3A_339 = arith.addi %scan3A_337, %scan3A_338 : i32
    %scan3A_340 = arith.constant 1 : i32
    %scan3A_341:4 = scf.for %scan3A_353 = %scan3A_337 to %scan3A_339 step %scan3A_340 iter_args(%scan3A_354 = %scan3A_335#0, %scan3A_355 = %scan3A_335#1, %scan3A_356 = %scan3A_335#2, %scan3A_357 = %scan3A_335#3) -> (vector<16xf32>, vector<16xf32>, vector<16xf32>, vector<16xf32>)  : i32 {
      %mul3A_358 = arith.constant 64 : i32
      %mul3A_359 = arith.muli %scan3A_353, %mul3A_358 : i32
      %get3A = arith.constant 6 : i32
      %get3A_360 = arith.index_cast %get3A : i32 to index
      %get3A_361 = arith.index_cast %mul3A_359 : i32 to index
      %get3A_362 = tpu.vector_load %arg5[%get3A_360, %get3A_361] {strides = array<i32>} : memref<8x2048xf32, #tpu.memory_space<vmem>>, vector<16xf32>,
      %add3A_363 = arith.addf %scan3A_354, %get3A_362 : vector<16xf32>
      %add3A_364 = arith.constant 16 : i32
      %add3A_365 = arith.addi %mul3A_359, %add3A_364 : i32
      %get3A_366 = arith.constant 6 : i32
      %get3A_367 = arith.index_cast %get3A_366 : i32 to index
      %get3A_368 = arith.index_cast %add3A_365 : i32 to index
      %get3A_369 = tpu.vector_load %arg5[%get3A_367, %get3A_368] {strides = array<i32>} : memref<8x2048xf32, #tpu.memory_space<vmem>>, vector<16xf32>,
      %add3A_370 = arith.addf %scan3A_355, %get3A_369 : vector<16xf32>
      %add3A_371 = arith.constant 32 : i32
      %add3A_372 = arith.addi %mul3A_359, %add3A_371 : i32
      %get3A_373 = arith.constant 6 : i32
      %get3A_374 = arith.index_cast %get3A_373 : i32 to index
      %get3A_375 = arith.index_cast %add3A_372 : i32 to index
      %get3A_376 = tpu.vector_load %arg5[%get3A_374, %get3A_375] {strides = array<i32>} : memref<8x2048xf32, #tpu.memory_space<vmem>>, vector<16xf32>,
      %add3A_377 = arith.addf %scan3A_356, %get3A_376 : vector<16xf32>
      %add3A_378 = arith.constant 48 : i32
      %add3A_379 = arith.addi %mul3A_359, %add3A_378 : i32
      %get3A_380 = arith.constant 6 : i32
      %get3A_381 = arith.index_cast %get3A_380 : i32 to index
      %get3A_382 = arith.index_cast %add3A_379 : i32 to index
      %get3A_383 = tpu.vector_load %arg5[%get3A_381, %get3A_382] {strides = array<i32>} : memref<8x2048xf32, #tpu.memory_space<vmem>>, vector<16xf32>,
      %add3A_384 = arith.addf %scan3A_357, %get3A_383 : vector<16xf32>
      scf.yield %add3A_363, %add3A_370, %add3A_377, %add3A_384 : vector<16xf32>, vector<16xf32>, vector<16xf32>, vector<16xf32>
    }
    %scan3A_342 = arith.constant 32 : i32
    %scan3A_343 = arith.constant 0 : i32
    %scan3A_344 = arith.constant 32 : i32
    %scan3A_345 = arith.addi %scan3A_343, %scan3A_344 : i32
    %scan3A_346 = arith.constant 1 : i32
    %scan3A_347:4 = scf.for %scan3A_353 = %scan3A_343 to %scan3A_345 step %scan3A_346 iter_args(%scan3A_354 = %scan3A_341#0, %scan3A_355 = %scan3A_341#1, %scan3A_356 = %scan3A_341#2, %scan3A_357 = %scan3A_341#3) -> (vector<16xf32>, vector<16xf32>, vector<16xf32>, vector<16xf32>)  : i32 {
      %mul3A_358 = arith.constant 64 : i32
      %mul3A_359 = arith.muli %scan3A_353, %mul3A_358 : i32
      %get3A = arith.constant 7 : i32
      %get3A_360 = arith.index_cast %get3A : i32 to index
      %get3A_361 = arith.index_cast %mul3A_359 : i32 to index
      %get3A_362 = tpu.vector_load %arg5[%get3A_360, %get3A_361] {strides = array<i32>} : memref<8x2048xf32, #tpu.memory_space<vmem>>, vector<16xf32>,
      %add3A_363 = arith.addf %scan3A_354, %get3A_362 : vector<16xf32>
      %add3A_364 = arith.constant 16 : i32
      %add3A_365 = arith.addi %mul3A_359, %add3A_364 : i32
      %get3A_366 = arith.constant 7 : i32
      %get3A_367 = arith.index_cast %get3A_366 : i32 to index
      %get3A_368 = arith.index_cast %add3A_365 : i32 to index
      %get3A_369 = tpu.vector_load %arg5[%get3A_367, %get3A_368] {strides = array<i32>} : memref<8x2048xf32, #tpu.memory_space<vmem>>, vector<16xf32>,
      %add3A_370 = arith.addf %scan3A_355, %get3A_369 : vector<16xf32>
      %add3A_371 = arith.constant 32 : i32
      %add3A_372 = arith.addi %mul3A_359, %add3A_371 : i32
      %get3A_373 = arith.constant 7 : i32
      %get3A_374 = arith.index_cast %get3A_373 : i32 to index
      %get3A_375 = arith.index_cast %add3A_372 : i32 to index
      %get3A_376 = tpu.vector_load %arg5[%get3A_374, %get3A_375] {strides = array<i32>} : memref<8x2048xf32, #tpu.memory_space<vmem>>, vector<16xf32>,
      %add3A_377 = arith.addf %scan3A_356, %get3A_376 : vector<16xf32>
      %add3A_378 = arith.constant 48 : i32
      %add3A_379 = arith.addi %mul3A_359, %add3A_378 : i32
      %get3A_380 = arith.constant 7 : i32
      %get3A_381 = arith.index_cast %get3A_380 : i32 to index
      %get3A_382 = arith.index_cast %add3A_379 : i32 to index
      %get3A_383 = tpu.vector_load %arg5[%get3A_381, %get3A_382] {strides = array<i32>} : memref<8x2048xf32, #tpu.memory_space<vmem>>, vector<16xf32>,
      %add3A_384 = arith.addf %scan3A_357, %get3A_383 : vector<16xf32>
      scf.yield %add3A_363, %add3A_370, %add3A_377, %add3A_384 : vector<16xf32>, vector<16xf32>, vector<16xf32>, vector<16xf32>
    }
    %scan3A_348 = arith.constant 32 : i32
    %add3A_349 = arith.addf %scan3A_347#0, %scan3A_347#1 : vector<16xf32>
    %add3A_350 = arith.addf %scan3A_347#2, %scan3A_347#3 : vector<16xf32>
    %add3A_351 = arith.addf %add3A_349, %add3A_350 : vector<16xf32>
    %swap3A = arith.constant 0 : index
    %swap3A_352 = tpu.vector_load %arg6[%swap3A] {strides = array<i32>} : memref<16xf32, #tpu.memory_space<vmem>>, vector<16xf32>,
    tpu.vector_store %arg6[%swap3A], %add3A_351 {strides = array<i32>} : memref<16xf32, #tpu.memory_space<vmem>>, vector<16xf32>,
    "tpu.region"() ({
      %run_scoped3A = tpu.sem_alloc : memref<!tpu.dma_semaphore, #tpu.memory_space<semaphore_mem>>
      %dma_start3A_353 = arith.constant 0 : i32
      %dma_start3A_354 = tpu.memref_slice %arg3[%add3A, %dma_start3A_353] : memref<32x16xf32, #tpu.memory_space<hbm>> -> memref<1x16xf32, #tpu.memory_space<hbm>>
      %dma_start3A_355 = tpu.memref_squeeze %dma_start3A_354 : memref<1x16xf32, #tpu.memory_space<hbm>> -> memref<16xf32, #tpu.memory_space<hbm>>
      %dma_start3A_356 = arith.constant 0 : i32
      %dma_start3A_357 = tpu.memref_slice %arg3[%add3A, %dma_start3A_356] : memref<32x16xf32, #tpu.memory_space<hbm>> -> memref<1x16xf32, #tpu.memory_space<hbm>>
      %dma_start3A_358 = tpu.memref_squeeze %dma_start3A_357 : memref<1x16xf32, #tpu.memory_space<hbm>> -> memref<16xf32, #tpu.memory_space<hbm>>
      tpu.enqueue_dma source(%arg6 : memref<16xf32, #tpu.memory_space<vmem>>) target(%dma_start3A_358 : memref<16xf32, #tpu.memory_space<hbm>>) target_semaphore(%run_scoped3A : memref<!tpu.dma_semaphore, #tpu.memory_space<semaphore_mem>>)
      %dma_wait3A_359 = arith.constant 0 : i32
      %dma_wait3A_360 = tpu.memref_slice %arg3[%add3A, %dma_wait3A_359] : memref<32x16xf32, #tpu.memory_space<hbm>> -> memref<1x16xf32, #tpu.memory_space<hbm>>
      %dma_wait3A_361 = tpu.memref_squeeze %dma_wait3A_360 : memref<1x16xf32, #tpu.memory_space<hbm>> -> memref<16xf32, #tpu.memory_space<hbm>>
      %dma_wait3A_362 = arith.constant 0 : i32
      %dma_wait3A_363 = tpu.memref_slice %arg3[%add3A, %dma_wait3A_362] : memref<32x16xf32, #tpu.memory_space<hbm>> -> memref<1x16xf32, #tpu.memory_space<hbm>>
      %dma_wait3A_364 = tpu.memref_squeeze %dma_wait3A_363 : memref<1x16xf32, #tpu.memory_space<hbm>> -> memref<16xf32, #tpu.memory_space<hbm>>
      tpu.wait_dma2 semaphore(%run_scoped3A : memref<!tpu.dma_semaphore, #tpu.memory_space<semaphore_mem>>) src(%arg6 : memref<16xf32, #tpu.memory_space<vmem>>) dst(%dma_wait3A_364 : memref<16xf32, #tpu.memory_space<hbm>>)
      tpu.yield
    }) : () -> ()
    return
  }
}

module attributes {stable_mosaic.version = 14 : i64} {
  func.func @_tc_sum_body(%arg0: i32, %arg1: memref<256x2048xf32, #tpu.memory_space<vmem>>, %arg2: memref<1x256x2048xf32, #tpu.memory_space<vmem>>, %arg3: memref<1x16xf32, #tpu.memory_space<vmem>>, %arg4: memref<1xf32, #tpu.memory_space<smem>>) attributes {dimension_semantics = [#tpu.dimension_semantics<arbitrary>], iteration_bounds = array<i64: 13>, scalar_prefetch = 0 : i64, scratch_operands = 1 : i64, tpu.core_type = #tpu.core_type<tc>, window_params = [{transform_indices = @transform_0, window_bounds = array<i64: 256, 2048>}, {transform_indices = @transform_1, window_bounds = array<i64: 1, 256, 2048>}, {pipeline_mode = #tpu.pipeline_mode<synchronous>, transform_indices = @transform_2, window_bounds = array<i64: 1, 16>}]} {
    %eq3A = arith.constant 0 : i32
    %eq3A_0 = arith.cmpi eq, %arg0, %eq3A : i32
    %convert_element_type3A = arith.extui %eq3A_0 : i1 to i32
    %cond3A = arith.constant 0 : i32
    %cond3A_1 = arith.cmpi ne, %convert_element_type3A, %cond3A : i32
    scf.if %cond3A_1 {
      %swap3A_26 = arith.constant 0.000000e+00 : f32
      %swap3A_27 = arith.constant 0 : index
      %swap3A_28 = memref.load %arg4[%swap3A_27] : memref<1xf32, #tpu.memory_space<smem>>
      memref.store %swap3A_26, %arg4[%swap3A_27] : memref<1xf32, #tpu.memory_space<smem>>
    } else {
    }
    %get3A = arith.constant 0 : index
    %get3A_2 = memref.load %arg4[%get3A] : memref<1xf32, #tpu.memory_space<smem>>
    %get3A_3 = arith.constant 0 : index
    %get3A_4 = arith.constant 0 : index
    %get3A_5 = vector.load %arg1[%get3A_3, %get3A_4] : memref<256x2048xf32, #tpu.memory_space<vmem>>, vector<256x2048xf32>
    %reduce_sum3A = vector.shape_cast %get3A_5 : vector<256x2048xf32> to vector<1x256x2048xf32>
    %reduce_sum3A_6 = arith.constant dense<0.000000e+00> : vector<1xf32>
    %reduce_sum3A_7 = vector.multi_reduction <add>, %reduce_sum3A, %reduce_sum3A_6 [1, 2] : vector<1x256x2048xf32> to vector<1xf32>
    %reduce_sum3A_8 = vector.shape_cast %reduce_sum3A_7 : vector<1xf32> to vector<1x1x1xf32>
    %reduce_sum3A_9 = vector.extract %reduce_sum3A_8[0, 0, 0] : f32 from vector<1x1x1xf32>
    %get3A_10 = arith.constant 0 : index
    %get3A_11 = arith.constant 0 : index
    %get3A_12 = arith.constant 0 : index
    %get3A_13 = vector.load %arg2[%get3A_10, %get3A_11, %get3A_12] : memref<1x256x2048xf32, #tpu.memory_space<vmem>>, vector<1x256x2048xf32>
    %reduce_sum3A_14 = vector.shape_cast %get3A_13 : vector<1x256x2048xf32> to vector<1x1x256x2048xf32>
    %reduce_sum3A_15 = arith.constant dense<0.000000e+00> : vector<1xf32>
    %reduce_sum3A_16 = vector.multi_reduction <add>, %reduce_sum3A_14, %reduce_sum3A_15 [1, 2, 3] : vector<1x1x256x2048xf32> to vector<1xf32>
    %reduce_sum3A_17 = vector.shape_cast %reduce_sum3A_16 : vector<1xf32> to vector<1x1x1x1xf32>
    %reduce_sum3A_18 = vector.extract %reduce_sum3A_17[0, 0, 0, 0] : f32 from vector<1x1x1x1xf32>
    %add3A = arith.addf %reduce_sum3A_9, %reduce_sum3A_18 : f32
    %add3A_19 = arith.addf %get3A_2, %add3A : f32
    %swap3A = arith.constant 0 : index
    %swap3A_20 = memref.load %arg4[%swap3A] : memref<1xf32, #tpu.memory_space<smem>>
    memref.store %add3A_19, %arg4[%swap3A] : memref<1xf32, #tpu.memory_space<smem>>
    %eq3A_21 = arith.constant 12 : i32
    %eq3A_22 = arith.cmpi eq, %arg0, %eq3A_21 : i32
    %convert_element_type3A_23 = arith.extui %eq3A_22 : i1 to i32
    %cond3A_24 = arith.constant 0 : i32
    %cond3A_25 = arith.cmpi ne, %convert_element_type3A_23, %cond3A_24 : i32
    scf.if %cond3A_25 {
      %iota3A = tpu.iota {dimensions = array<i32: 1>} : vector<1x16xi32>
      %eq3A_26 = arith.constant 0 : i32
      %eq3A_27 = vector.broadcast %eq3A_26 : i32 to vector<1x16xi32>
      %eq3A_28 = arith.cmpi eq, %iota3A, %eq3A_27 : vector<1x16xi32>
      %get3A_29 = arith.constant 0 : index
      %get3A_30 = memref.load %arg4[%get3A_29] : memref<1xf32, #tpu.memory_space<smem>>
      %jit3A = arith.constant 0.000000e+00 : f32
      %broadcast_in_dim3A = vector.broadcast %get3A_30 : f32 to vector<1x16xf32>
      %broadcast_in_dim3A_31 = vector.broadcast %jit3A : f32 to vector<1x16xf32>
      %select_n3A = arith.select %eq3A_28, %broadcast_in_dim3A, %broadcast_in_dim3A_31 : vector<1x16xi1>, vector<1x16xf32>
      %swap3A_32 = arith.constant 0 : index
      %swap3A_33 = arith.constant 0 : index
      %swap3A_34 = vector.load %arg3[%swap3A_32, %swap3A_33] : memref<1x16xf32, #tpu.memory_space<vmem>>, vector<1x16xf32>
      tpu.vector_store %arg3[%swap3A_32, %swap3A_33], %select_n3A {strides = array<i32>} : memref<1x16xf32, #tpu.memory_space<vmem>>, vector<1x16xf32>,
    } else {
    }
    return
  }
  func.func @transform_0(%arg0: i32) -> (i32, i32) {
    %mul3A = arith.constant 2 : i32
    %mul3A_0 = arith.muli %mul3A, %arg0 : i32
    %c0_i32 = arith.constant 0 : i32
    %c0_i32_1 = arith.constant 0 : i32
    return %mul3A_0, %c0_i32 : i32, i32
  }
  func.func @transform_1(%arg0: i32) -> (i32, i32, i32) {
    %mul3A = arith.constant 2 : i32
    %mul3A_0 = arith.muli %mul3A, %arg0 : i32
    %add3A = arith.constant 1 : i32
    %add3A_1 = arith.addi %mul3A_0, %add3A : i32
    %c0_i32 = arith.constant 0 : i32
    %c0_i32_2 = arith.constant 0 : i32
    %c0_i32_3 = arith.constant 0 : i32
    return %add3A_1, %c0_i32, %c0_i32_2 : i32, i32, i32
  }
  func.func @transform_2(%arg0: i32) -> (i32, i32) {
    %c0_i32 = arith.constant 0 : i32
    %c0_i32_0 = arith.constant 0 : i32
    %c0_i32_1 = arith.constant 0 : i32
    return %c0_i32, %c0_i32_0 : i32, i32
  }
}

module attributes {stable_mosaic.version = 14 : i64} {
  func.func @_combine_body(%arg0: memref<1x16xf32, #tpu.memory_space<vmem>>, %arg1: memref<32x16xf32, #tpu.memory_space<vmem>>, %arg2: memref<1x16xf32, #tpu.memory_space<vmem>>, %arg3: memref<1x16xf32, #tpu.memory_space<vmem>>, %arg4: memref<1x16xf32, #tpu.memory_space<vmem>>, %arg5: memref<1x16xf32, #tpu.memory_space<vmem>>, %arg6: memref<1x16xf32, #tpu.memory_space<vmem>>, %arg7: memref<1x16xi32, #tpu.memory_space<vmem>>, %arg8: memref<1x16xf32, #tpu.memory_space<vmem>>) attributes {dimension_semantics = [], scalar_prefetch = 0 : i64, scratch_operands = 0 : i64, tpu.core_type = #tpu.core_type<tc>} {
    %get3A = arith.constant 0 : index
    %get3A_0 = arith.constant 0 : index
    %get3A_1 = vector.load %arg1[%get3A, %get3A_0] : memref<32x16xf32, #tpu.memory_space<vmem>>, vector<32x16xf32>
    %reduce_sum3A = vector.shape_cast %get3A_1 : vector<32x16xf32> to vector<1x32x16xf32>
    %reduce_sum3A_2 = arith.constant dense<0.000000e+00> : vector<1xf32>
    %reduce_sum3A_3 = vector.multi_reduction <add>, %reduce_sum3A, %reduce_sum3A_2 [1, 2] : vector<1x32x16xf32> to vector<1xf32>
    %reduce_sum3A_4 = vector.shape_cast %reduce_sum3A_3 : vector<1xf32> to vector<1x1x1xf32>
    %reduce_sum3A_5 = vector.extract %reduce_sum3A_4[0, 0, 0] : f32 from vector<1x1x1xf32>
    %get3A_6 = arith.constant 0 : index
    %get3A_7 = arith.constant 0 : index
    %get3A_8 = vector.load %arg0[%get3A_6, %get3A_7] : memref<1x16xf32, #tpu.memory_space<vmem>>, vector<1x16xf32>
    %reduce_sum3A_9 = vector.shape_cast %get3A_8 : vector<1x16xf32> to vector<1x1x16xf32>
    %reduce_sum3A_10 = arith.constant dense<0.000000e+00> : vector<1xf32>
    %reduce_sum3A_11 = vector.multi_reduction <add>, %reduce_sum3A_9, %reduce_sum3A_10 [1, 2] : vector<1x1x16xf32> to vector<1xf32>
    %reduce_sum3A_12 = vector.shape_cast %reduce_sum3A_11 : vector<1xf32> to vector<1x1x1xf32>
    %reduce_sum3A_13 = vector.extract %reduce_sum3A_12[0, 0, 0] : f32 from vector<1x1x1xf32>
    %add3A = arith.addf %reduce_sum3A_5, %reduce_sum3A_13 : f32
    %mul3A = arith.constant 5.96046448E-8 : f32
    %mul3A_14 = arith.mulf %add3A, %mul3A : f32
    %iota3A = tpu.iota {dimensions = array<i32: 1>} : vector<1x16xi32>
    %get3A_15 = arith.constant 0 : index
    %get3A_16 = arith.constant 0 : index
    %get3A_17 = vector.load %arg2[%get3A_15, %get3A_16] : memref<1x16xf32, #tpu.memory_space<vmem>>, vector<1x16xf32>
    %sub3A = vector.broadcast %mul3A_14 : f32 to vector<1x16xf32>
    %sub3A_18 = arith.subf %get3A_17, %sub3A : vector<1x16xf32>
    %integer_pow3A = arith.mulf %sub3A_18, %sub3A_18 : vector<1x16xf32>
    %neg3A = arith.constant 0.000000e+00 : f32
    %neg3A_19 = vector.broadcast %neg3A : f32 to vector<1x16xf32>
    %neg3A_20 = arith.subf %neg3A_19, %integer_pow3A : vector<1x16xf32>
    %reduce_max3A = vector.shape_cast %neg3A_20 : vector<1x16xf32> to vector<1x1x16xf32>
    %reduce_max3A_21 = arith.constant dense<0xFF800000> : vector<1xf32>
    %reduce_max3A_22 = vector.multi_reduction <maximumf>, %reduce_max3A, %reduce_max3A_21 [1, 2] : vector<1x1x16xf32> to vector<1xf32>
    %reduce_max3A_23 = vector.shape_cast %reduce_max3A_22 : vector<1xf32> to vector<1x1x1xf32>
    %reduce_max3A_24 = vector.extract %reduce_max3A_23[0, 0, 0] : f32 from vector<1x1x1xf32>
    %sub3A_25 = vector.broadcast %reduce_max3A_24 : f32 to vector<1x16xf32>
    %sub3A_26 = arith.subf %neg3A_20, %sub3A_25 : vector<1x16xf32>
    %exp3A = math.exp %sub3A_26 : vector<1x16xf32>
    %reduce_sum3A_27 = vector.shape_cast %exp3A : vector<1x16xf32> to vector<1x1x16xf32>
    %reduce_sum3A_28 = arith.constant dense<0.000000e+00> : vector<1xf32>
    %reduce_sum3A_29 = vector.multi_reduction <add>, %reduce_sum3A_27, %reduce_sum3A_28 [1, 2] : vector<1x1x16xf32> to vector<1xf32>
    %reduce_sum3A_30 = vector.shape_cast %reduce_sum3A_29 : vector<1xf32> to vector<1x1x1xf32>
    %reduce_sum3A_31 = vector.extract %reduce_sum3A_30[0, 0, 0] : f32 from vector<1x1x1xf32>
    %div3A = vector.broadcast %reduce_sum3A_31 : f32 to vector<1x16xf32>
    %div3A_32 = arith.divf %exp3A, %div3A : vector<1x16xf32>
    %reduce_max3A_33 = vector.shape_cast %div3A_32 : vector<1x16xf32> to vector<1x1x16xf32>
    %reduce_max3A_34 = arith.constant dense<0xFF800000> : vector<1xf32>
    %reduce_max3A_35 = vector.multi_reduction <maximumf>, %reduce_max3A_33, %reduce_max3A_34 [1, 2] : vector<1x1x16xf32> to vector<1xf32>
    %reduce_max3A_36 = vector.shape_cast %reduce_max3A_35 : vector<1xf32> to vector<1x1x1xf32>
    %reduce_max3A_37 = vector.extract %reduce_max3A_36[0, 0, 0] : f32 from vector<1x1x1xf32>
    %eq3A = vector.broadcast %reduce_max3A_37 : f32 to vector<1x16xf32>
    %eq3A_38 = arith.cmpf oeq, %div3A_32, %eq3A : vector<1x16xf32>
    %jit3A = arith.constant 16 : i32
    %broadcast_in_dim3A = vector.broadcast %jit3A : i32 to vector<1x16xi32>
    %select_n3A = arith.select %eq3A_38, %iota3A, %broadcast_in_dim3A : vector<1x16xi1>, vector<1x16xi32>
    %reduce_min3A = vector.shape_cast %select_n3A : vector<1x16xi32> to vector<1x1x16xi32>
    %reduce_min3A_39 = arith.constant dense<2147483647> : vector<1xi32>
    %reduce_min3A_40 = vector.multi_reduction <minsi>, %reduce_min3A, %reduce_min3A_39 [1, 2] : vector<1x1x16xi32> to vector<1xi32>
    %reduce_min3A_41 = vector.shape_cast %reduce_min3A_40 : vector<1xi32> to vector<1x1x1xi32>
    %reduce_min3A_42 = vector.extract %reduce_min3A_41[0, 0, 0] : i32 from vector<1x1x1xi32>
    %eq3A_43 = vector.broadcast %reduce_min3A_42 : i32 to vector<1x16xi32>
    %eq3A_44 = arith.cmpi eq, %iota3A, %eq3A_43 : vector<1x16xi32>
    %jit3A_45 = arith.constant 0xFF800000 : f32
    %broadcast_in_dim3A_46 = vector.broadcast %jit3A_45 : f32 to vector<1x16xf32>
    %select_n3A_47 = arith.select %eq3A_44, %broadcast_in_dim3A_46, %div3A_32 : vector<1x16xi1>, vector<1x16xf32>
    %reduce_max3A_48 = vector.shape_cast %select_n3A_47 : vector<1x16xf32> to vector<1x1x16xf32>
    %reduce_max3A_49 = arith.constant dense<0xFF800000> : vector<1xf32>
    %reduce_max3A_50 = vector.multi_reduction <maximumf>, %reduce_max3A_48, %reduce_max3A_49 [1, 2] : vector<1x1x16xf32> to vector<1xf32>
    %reduce_max3A_51 = vector.shape_cast %reduce_max3A_50 : vector<1xf32> to vector<1x1x1xf32>
    %reduce_max3A_52 = vector.extract %reduce_max3A_51[0, 0, 0] : f32 from vector<1x1x1xf32>
    %eq3A_53 = vector.broadcast %reduce_max3A_52 : f32 to vector<1x16xf32>
    %eq3A_54 = arith.cmpf oeq, %select_n3A_47, %eq3A_53 : vector<1x16xf32>
    %jit3A_55 = arith.constant 16 : i32
    %broadcast_in_dim3A_56 = vector.broadcast %jit3A_55 : i32 to vector<1x16xi32>
    %select_n3A_57 = arith.select %eq3A_54, %iota3A, %broadcast_in_dim3A_56 : vector<1x16xi1>, vector<1x16xi32>
    %reduce_min3A_58 = vector.shape_cast %select_n3A_57 : vector<1x16xi32> to vector<1x1x16xi32>
    %reduce_min3A_59 = arith.constant dense<2147483647> : vector<1xi32>
    %reduce_min3A_60 = vector.multi_reduction <minsi>, %reduce_min3A_58, %reduce_min3A_59 [1, 2] : vector<1x1x16xi32> to vector<1xi32>
    %reduce_min3A_61 = vector.shape_cast %reduce_min3A_60 : vector<1xi32> to vector<1x1x1xi32>
    %reduce_min3A_62 = vector.extract %reduce_min3A_61[0, 0, 0] : i32 from vector<1x1x1xi32>
    %eq3A_63 = vector.broadcast %reduce_min3A_62 : i32 to vector<1x16xi32>
    %eq3A_64 = arith.cmpi eq, %iota3A, %eq3A_63 : vector<1x16xi32>
    %or3A = arith.ori %eq3A_44, %eq3A_64 : vector<1x16xi1>
    %convert_element_type3A = arith.extui %or3A : vector<1x16xi1> to vector<1x16xi32>
    %convert_element_type3A_65 = arith.sitofp %convert_element_type3A : vector<1x16xi32> to vector<1x16xf32>
    %get3A_66 = arith.constant 0 : index
    %get3A_67 = arith.constant 0 : index
    %get3A_68 = vector.load %arg3[%get3A_66, %get3A_67] : memref<1x16xf32, #tpu.memory_space<vmem>>, vector<1x16xf32>
    %mul3A_69 = arith.constant 9.990000e-01 : f32
    %mul3A_70 = vector.broadcast %mul3A_69 : f32 to vector<1x16xf32>
    %mul3A_71 = arith.mulf %mul3A_70, %get3A_68 : vector<1x16xf32>
    %mul3A_72 = arith.constant 1.000000e-03 : f32
    %mul3A_73 = vector.broadcast %mul3A_72 : f32 to vector<1x16xf32>
    %mul3A_74 = arith.mulf %mul3A_73, %convert_element_type3A_65 : vector<1x16xf32>
    %add3A_75 = arith.addf %mul3A_71, %mul3A_74 : vector<1x16xf32>
    %sub3A_76 = arith.constant 6.250000e-02 : f32
    %sub3A_77 = vector.broadcast %sub3A_76 : f32 to vector<1x16xf32>
    %sub3A_78 = arith.subf %add3A_75, %sub3A_77 : vector<1x16xf32>
    %mul3A_79 = arith.mulf %sub3A_78, %sub3A_78 : vector<1x16xf32>
    %reduce_sum3A_80 = vector.shape_cast %mul3A_79 : vector<1x16xf32> to vector<1x1x16xf32>
    %reduce_sum3A_81 = arith.constant dense<0.000000e+00> : vector<1xf32>
    %reduce_sum3A_82 = vector.multi_reduction <add>, %reduce_sum3A_80, %reduce_sum3A_81 [1, 2] : vector<1x1x16xf32> to vector<1xf32>
    %reduce_sum3A_83 = vector.shape_cast %reduce_sum3A_82 : vector<1xf32> to vector<1x1x1xf32>
    %reduce_sum3A_84 = vector.extract %reduce_sum3A_83[0, 0, 0] : f32 from vector<1x1x1xf32>
    %mul3A_85 = arith.constant 6.250000e-02 : f32
    %mul3A_86 = arith.mulf %reduce_sum3A_84, %mul3A_85 : f32
    %mul3A_87 = arith.constant 1.000000e-03 : f32
    %mul3A_88 = arith.mulf %mul3A_86, %mul3A_87 : f32
    %swap3A = arith.constant 0 : index
    %swap3A_89 = arith.constant 0 : index
    %swap3A_90 = vector.load %arg4[%swap3A, %swap3A_89] : memref<1x16xf32, #tpu.memory_space<vmem>>, vector<1x16xf32>
    tpu.vector_store %arg4[%swap3A, %swap3A_89], %convert_element_type3A_65 {strides = array<i32>} : memref<1x16xf32, #tpu.memory_space<vmem>>, vector<1x16xf32>,
    %swap3A_91 = arith.constant 0 : index
    %swap3A_92 = arith.constant 0 : index
    %swap3A_93 = vector.load %arg5[%swap3A_91, %swap3A_92] : memref<1x16xf32, #tpu.memory_space<vmem>>, vector<1x16xf32>
    tpu.vector_store %arg5[%swap3A_91, %swap3A_92], %div3A_32 {strides = array<i32>} : memref<1x16xf32, #tpu.memory_space<vmem>>, vector<1x16xf32>,
    %broadcast_in_dim3A_94 = vector.broadcast %mul3A_88 : f32 to vector<1x16xf32>
    %swap3A_95 = arith.constant 0 : index
    %swap3A_96 = arith.constant 0 : index
    %swap3A_97 = vector.load %arg6[%swap3A_95, %swap3A_96] : memref<1x16xf32, #tpu.memory_space<vmem>>, vector<1x16xf32>
    tpu.vector_store %arg6[%swap3A_95, %swap3A_96], %broadcast_in_dim3A_94 {strides = array<i32>} : memref<1x16xf32, #tpu.memory_space<vmem>>, vector<1x16xf32>,
    %eq3A_98 = arith.constant 0 : i32
    %eq3A_99 = vector.broadcast %eq3A_98 : i32 to vector<1x16xi32>
    %eq3A_100 = arith.cmpi eq, %iota3A, %eq3A_99 : vector<1x16xi32>
    %eq3A_101 = arith.constant 1 : i32
    %eq3A_102 = vector.broadcast %eq3A_101 : i32 to vector<1x16xi32>
    %eq3A_103 = arith.cmpi eq, %iota3A, %eq3A_102 : vector<1x16xi32>
    %jit3A_104 = arith.constant 0 : i32
    %broadcast_in_dim3A_105 = vector.broadcast %reduce_min3A_62 : i32 to vector<1x16xi32>
    %broadcast_in_dim3A_106 = vector.broadcast %jit3A_104 : i32 to vector<1x16xi32>
    %select_n3A_107 = arith.select %eq3A_103, %broadcast_in_dim3A_105, %broadcast_in_dim3A_106 : vector<1x16xi1>, vector<1x16xi32>
    %broadcast_in_dim3A_108 = vector.broadcast %reduce_min3A_42 : i32 to vector<1x16xi32>
    %select_n3A_109 = arith.select %eq3A_100, %broadcast_in_dim3A_108, %select_n3A_107 : vector<1x16xi1>, vector<1x16xi32>
    %swap3A_110 = arith.constant 0 : index
    %swap3A_111 = arith.constant 0 : index
    %swap3A_112 = vector.load %arg7[%swap3A_110, %swap3A_111] : memref<1x16xi32, #tpu.memory_space<vmem>>, vector<1x16xi32>
    tpu.vector_store %arg7[%swap3A_110, %swap3A_111], %select_n3A_109 {strides = array<i32>} : memref<1x16xi32, #tpu.memory_space<vmem>>, vector<1x16xi32>,
    %swap3A_113 = arith.constant 0 : index
    %swap3A_114 = arith.constant 0 : index
    %swap3A_115 = vector.load %arg8[%swap3A_113, %swap3A_114] : memref<1x16xf32, #tpu.memory_space<vmem>>, vector<1x16xf32>
    tpu.vector_store %arg8[%swap3A_113, %swap3A_114], %add3A_75 {strides = array<i32>} : memref<1x16xf32, #tpu.memory_space<vmem>>, vector<1x16xf32>,
    return
  }
}

</mosaic_0001>

<sc_bundles>
// kernel: kernel.5.cloned.1.call-start
scs
__scs_entry_jumppad:
0x0: {  	(pc) =	sbr.rel $0x88, $3  }
0x1: {  	(tag) =	ssettag $0x0;
	lr =	simm.s32 $0x1  }
0x2: {  	[smem:$0x3F9E] =	sst lr;
	_ =	strace $0xD0000000  }
0x3: {  	_ = 	snop  }
0x4: {  	_ = 	snop  }
0x5: {  	_ = 	snop  }
0x6: {  	_ = 	snop  }
0x7: {  	_ = 	snop  }
__scs_overlays_trampoline_lowered:
0x8: {  	[smem:$0x3FAD] =	sst s0  }
0x9: {  	[smem:$0x3FAE] =	sst s1  }
0xa: {  	[smem:$0x3FAF] =	sst s2  }
0xb: {  	[smem:$0x3FB0] =	sst s3  }
0xc: {  	[smem:$0x3FB1] =	sst s4  }
0xd: {  	[smem:$0x3FB2] =	sst s5  }
0xe: {  	[smem:$0x3FB3] =	sst s6  }
0xf: {  	[smem:$0x3FB4] =	sst s7  }
0x10: {  	[smem:$0x3FB5] =	sst s8  }
0x11: {  	[smem:$0x3FB6] =	sst s9;
	s0 =	simm.s32 @!p0 $0x0  }
0x12: {  	s1 =	sld [smem:$0x3F9C];
	s0 =	simm.s32 @p0 $0x1  }
0x13: {  	[smem:$0x3FB7] =	sst s0;
	s0 =	simm.s32 @!p1 $0x0  }
0x14: {  	s2 =	sld [smem:$0x3F9B];
	s0 =	simm.s32 @p1 $0x1  }
0x15: {  	[smem:$0x3FB8] =	sst s0;
	s0 =	simm.s32 @!p2 $0x0  }
0x16: {  	s3 =	sld [smem:$0x3FDB];
	s0 =	simm.s32 @p2 $0x1  }
0x17: {  	s4 =	simm.s32 $0x1BF5;
	[smem:$0x3FBA] =	sst s0  }
0x18: {  	s0 =	sld [smem:$0x3F9D];
	_ =	swait.ge [sflag:s4], $0x0  }
0x19: {  	s7 =	sld [smem:$0x3F9E]  }
0x1a: {  	s8 =	sadd.s32 $0xFFFFE003, lr  }
0x1b: {  	s9 =	sadd.s32 $0xFFFFFEF7, lr;
	s5 =	simm.s32 $0xFFFFFFFF;
	p2 =	slt.u32 s8, $0xFFFFF086  }
0x1c: {  	p1 =	slt.u32 s9, $0xF7A;
	s5 =	simm.s32 @!p2 $0x0  }
0x1d: {  	s5 =	simm.s32 @p1 $0x1;
	p0 =	seq.s32 s7, s2  }
0x1e: {  	s7 =	smul.u32 @!p0 $0xF7A, s2;
	p2 =	seq.s32 @!p0 s5, $0x0  }
0x1f: {  	s9 =	smul.u32 $0xF7A, s1;
	s8 =	simm.s32 @!p0 $0x1BF5;
	p2 =	por !p2, p0  }
0x20: {  	[sflag:s8] =	ssyncset.s32 @!p0 $0xFFFFF086;
	s6 =	sadd.s32 @!p0 s3, s7;
	s7 =	simm.s32 @!p0 $0x108  }
0x21: {  	s3 =	sadd.s32 s3, s9;
	s6 =	sadd.s32 @!p0 $0x88, s6;
	s7 =	simm.s32 @p2 $0x1082  }
0x22: {  	[simem:s7], [sflag:s8] =	dma.local @!p0 [hbm:s6], $0xF7A  }
0x23: {  	s9 =	sor.u32 $0xD0000000, s2;
	s6 =	simm.s32 $0x108;
	_ =	swait.ge @!p0 [sflag:s8], $0x0  }
0x24: {  	s3 =	sadd.s32 $0x88, s3;
	s6 =	simm.s32 @!p1 $0x1082;
	[sflag:s4] =	ssyncset.s32 $0xFFFFF086  }
0x25: {  	[simem:s6], [sflag:s4] =	dma.local [hbm:s3], $0xF7A  }
0x26: {  	[smem:$0x3F9E] =	sst s1;
	(tag) =	ssettag s2;
	_ =	strace s9  }
0x27: {  	s1 =	sld [smem:$0x3FAE]  }
0x28: {  	s2 =	sld [smem:$0x3FAF]  }
0x29: {  	s4 =	sld [smem:$0x3FB1]  }
0x2a: {  	p0 =	seq.s32 s5, $0x0;
	s5 =	sld [smem:$0x3FB2]  }
0x2b: {  	s6 =	sld [smem:$0x3FB3]  }
0x2c: {  	s7 =	sld [smem:$0x3FB4]  }
0x2d: {  	s3 =	simm.s32 $0x108;
	s8 =	sld [smem:$0x3FB5]  }
0x2e: {  	s3 =	simm.s32 @!p0 $0x1082;
	s9 =	sld [smem:$0x3FB6]  }
0x2f: {  	lr =	sadd.s32 s0, s3;
	s0 =	sld [smem:$0x3FAD]  }
0x30: {  	s3 =	sld [smem:$0x3FB0]  }
0x31: {  	[smem:$0x3FB9] =	sst s10  }
0x32: {  	s10 =	sld [smem:$0x3FB7];
	_ =	sdelay $0x3  }
0x33: {  	p0 =	seq.s32 s10, $0x1;
	s10 =	sld [smem:$0x3FB9];
	_ =	sdelay $0x3  }
0x34: {  	[smem:$0x3FB9] =	sst s10  }
0x35: {  	s10 =	sld [smem:$0x3FB8];
	_ =	sdelay $0x3  }
0x36: {  	p1 =	seq.s32 s10, $0x1;
	s10 =	sld [smem:$0x3FB9];
	_ =	sdelay $0x3  }
0x37: {  	[smem:$0x3FB9] =	sst s10  }
0x38: {  	s10 =	sld [smem:$0x3FBA]  }
0x39: {  	_ = 	snop;
	(pc) =	sbr.ind lr, $3  }
0x3a: {  	_ = 	snop  }
0x3b: {  	_ = 	snop  }
0x3c: {  	p2 =	seq.s32 s10, $0x1;
	s10 =	sld [smem:$0x3FB9]  }
0x3d: {  	_ =	shalt  }
0x3e: {  	_ =	shalt  }
0x3f: {  	_ =	shalt  }
0x40: {  	_ =	shalt  }
0x41: {  	_ =	shalt  }
0x42: {  	_ =	shalt  }
0x43: {  	_ =	shalt  }
0x44: {  	_ =	shalt  }
0x45: {  	_ =	shalt  }
0x46: {  	_ =	shalt  }
0x47: {  	_ =	shalt  }
0x48: {  	_ =	shalt  }
0x49: {  	_ =	shalt  }
0x4a: {  	_ =	shalt  }
0x4b: {  	_ =	shalt  }
0x4c: {  	_ =	shalt  }
0x4d: {  	_ =	shalt  }
0x4e: {  	_ =	shalt  }
0x4f: {  	_ =	shalt  }
0x50: {  	_ =	shalt  }
0x51: {  	_ =	shalt  }
0x52: {  	_ =	shalt  }
0x53: {  	_ =	shalt  }
0x54: {  	_ =	shalt  }
0x55: {  	_ =	shalt  }
0x56: {  	_ =	shalt  }
0x57: {  	_ =	shalt  }
0x58: {  	_ =	shalt  }
0x59: {  	_ =	shalt  }
0x5a: {  	_ =	shalt  }
0x5b: {  	_ =	shalt  }
0x5c: {  	_ =	shalt  }
0x5d: {  	_ =	shalt  }
0x5e: {  	_ =	shalt  }
0x5f: {  	_ =	shalt  }
0x60: {  	_ =	shalt  }
0x61: {  	_ =	shalt  }
0x62: {  	_ =	shalt  }
0x63: {  	_ =	shalt  }
0x64: {  	_ =	shalt  }
0x65: {  	_ =	shalt  }
0x66: {  	_ =	shalt  }
0x67: {  	_ =	shalt  }
0x68: {  	_ =	shalt  }
0x69: {  	_ =	shalt  }
0x6a: {  	_ =	shalt  }
0x6b: {  	_ =	shalt  }
0x6c: {  	_ =	shalt  }
0x6d: {  	_ =	shalt  }
0x6e: {  	_ =	shalt  }
0x6f: {  	_ =	shalt  }
0x70: {  	_ =	shalt  }
0x71: {  	_ =	shalt  }
0x72: {  	_ =	shalt  }
0x73: {  	_ =	shalt  }
0x74: {  	_ =	shalt  }
0x75: {  	_ =	shalt  }
0x76: {  	_ =	shalt  }
0x77: {  	_ =	shalt  }
0x78: {  	_ =	shalt  }
0x79: {  	_ =	shalt  }
0x7a: {  	_ =	shalt  }
0x7b: {  	_ =	shalt  }
0x7c: {  	_ =	shalt  }
0x7d: {  	_ =	shalt  }
0x7e: {  	_ =	shalt  }
0x7f: {  	_ =	shalt  }
0x80: {  	_ =	shalt  }
0x81: {  	_ =	shalt  }
0x82: {  	_ =	shalt  }
0x83: {  	_ =	shalt  }
0x84: {  	_ =	shalt  }
0x85: {  	_ =	shalt  }
0x86: {  	_ =	shalt  }
0x87: {  	_ =	shalt  }
.Lfunc_end0:
.L_simem_size_0:
called_computation_lowered:
.L_overlay_start_0:
0x88: {  	s2 =	sld [smem:$0x3FD9]  }
0x89: {  	s3 =	sld [smem:$0x3FFE];
	_ =	sdelay $0x1  }
0x8a: {  	s1 =	srdreg.scid  }
0x8b: {  	s0 =	sand.u32 $0x1, s1  }
0x8c: {  	s17 =	sshll.u32 s0, $0xA;
	s2 =	sadd.s32 s3, s2  }
0x8d: {  	s2 =	sadd.s32 s2, s17  }
0x8e: {  	[smem:$0x3FC5] =	sst s2  }
0x8f: {  	_ = 	snop  }
0x90: {  	s2 =	sld [smem:$0x3FC9];
	(tm) =	ssettm $0x1  }
0x91: {  	s18 =	sld [smem:$0x3FFB];
	_ =	sdelay $0x3  }
0x92: {  	_ =	strace s18  }
0x93: {  	s3 =	sld [smem:$0x3FFC];
	_ =	sdelay $0x3  }
0x94: {  	_ =	strace s3  }
0x95: {  	s3 =	sld [smem:$0x3FFD];
	_ =	sdelay $0x3  }
0x96: {  	_ =	strace s3  }
0x97: {  	_ =	strace $0x8FFFFFFF  }
0x98: {  	s19 =	sld [smem:$0x3FDB];
	_ =	sdelay $0x1  }
0x99: {  	s4 =	simm.s32 $_scs_section_size  }
0x9a: {  	s5 =	simm.s32 $_size__tile_overlayer_lowered;
	s6 =	simm.s32 $_tile_overlayer_lowered  }
0x9b: {  	s22 =	simm.s32 $0x1BFF;
	s21 =	sshll.u32 s6, $0x1;
	s3 =	sadd.s32 s4, s19  }
0x9c: {  	s7 =	simm.s32 $0x0;
	s20 =	sshll.u32 s5, $0x1;
	s5 =	sadd.s32 s21, s3  }
0x9d: {  	[timem:s7], [sflag:s22] =	dma.local [hbm:s5], s20  }
0x9e: {  	_ =	swait.ge [sflag:s22], s20  }
0x9f: {  	s4 =	ssub.s32 $0x0, s20;
	[sflag:s22] =	ssyncset.done $0x0  }
0xa0: {  	[sflag:s22] =	ssyncadd.s32 s4;
	_ =	sdelay $0x1  }
0xa1: {  	s23 =	simm.s32 $0x1B8B  }
0xa2: {  	_ =	swait.ge [sflag:s23], $0x1  }
0xa3: {  	[sflag:s23] =	ssyncset.done $0x0  }
0xa4: {  	s25 =	simm.s32 $0x1B8E;
	s24 =	sld [smem:$0x3FFE];
	[sflag:s23] =	ssyncadd.s32 $0xFFFFFFFF  }
0xa5: {  	s26 =	simm.s32 $execute0_lowered;
	[smem:$0x3FD2] =	sst s25  }
0xa6: {  	s5 =	sshll.u32 s26, $0x1;
	_ =	strace $0x80000046;
	[dreg:$0x1] =	wrdreg $0xFFFFFFFF  }
0xa7: {  	s28 =	simm.s32 $_size_execute0_lowered;
	s3 =	sadd.s32 s3, s5;
	[dreg:$0x0] =	wrdreg $0x0  }
0xa8: {  	s5 =	sshll.u32 s28, $0x1;
	[dreg:$0x2] =	wrdreg s3  }
0xa9: {  	[dreg:$0x3] =	wrdreg s5  }
0xaa: {  	[dreg:$0x4] =	wrdreg $0xC0  }
0xab: {  	_ =	task [dreg:s7], $0x5FFFF  }
0xac: {  	[dreg:$0x1] =	wrdreg $0xFFFFFFFF  }
0xad: {  	[dreg:$0x0] =	wrdreg $0x60  }
0xae: {  	[dreg:$0x2] =	wrdreg s2  }
0xaf: {  	[dreg:$0x3] =	wrdreg s24  }
0xb0: {  	[dreg:$0x4] =	wrdreg $0x9  }
0xb1: {  	_ =	task.clear_ibuf [dreg:s7], $0x5FFFF;
	_ =	strace $0x90000046  }
0xb2: {  	s29 =	simm.s32 $0x9;
	_ =	strace $0x80000048  }
0xb3: {  	_ =	swait.ge [sflag:s29], $0x1  }
0xb4: {  	[sflag:s29] =	ssyncadd.s32 $0xFFFFFFFF  }
0xb5: {  	_ =	strace $0x90000048  }
0xb6: {  	_ =	sfence  }
0xb7: {  	s30 =	sld [smem:$0x0];
	_ =	sdelay $0x2  }
0xb8: {  	s31 =	sshll.u32 s1, $0xD;
	s1 =	sshrl.u32 s1, $0x2  }
0xb9: {  	s3 =	sand.u32 $0x4000, s31;
	s1 =	sadd.s32 s1, s30  }
0xba: {  	s0 =	sor.u32 s3, s0;
	s1 =	sshll.u32 s1, $0x11  }
0xbb: {  	s0 =	sor.u32 s1, s0  }
0xbc: {  	s0 =	sadd.s32 $0x8F2B, s0  }
0xbd: {  	[sflag:s0] =	ssyncadd.remote.s32 $0x1  }
0xbe: {  	_ =	sfence.sel $0xFFFF  }
0xbf: {  	[dreg:$0x0] =	wrdreg $0xFFFFFFFF;
	(pc) =	sbr.abs _section_cstart, $3  }
0xc0: {  	[dreg:$0x1] =	wrdreg $0xFFFFFFFF  }
0xc1: {  	_ =	task.clear_ibuf [dreg:s7], $0x2FFFF;
	_ =	strace $0x9FFFFFFF  }
0xc2: {  	(tm) =	ssettm $0x7FFFFFFF  }
0xc3: {  	_ =	shalt  }
tec
execute0_lowered:
.L_overlay_start_1:
0x0: {  	(tag) =	ssettag $0x1  }
0x1: {  	s3 =	rddreg [dreg:$0x0]  }
0x2: {  	s1 =	srdreg.scid;
	s0 =	stileid.u32  }
0x3: {  	s4 =	rddreg [dreg:$0x1];
	s2 =	simm.s32 $0x0;
	s11 =	simm.s32 $0x4000  }
0x4: {  	s12 =	simm.s32 $0x1;
	s5 =	sand.u32 $0x1, s1;
	s6 =	sshll.u32 s0, $0x1  }
0x5: {  	s13 =	simm.s32 $0x2;
	s14 =	simm.s32 $0x8000;
	s6 =	sor.u32 s5, s6  }
0x6: {  	s15 =	simm.s32 $0x3;
	[smem:$0x7FF] =	sst s2;
	s7 =	smul.u32 $0x18000, s6  }
0x7: {  	s16 =	simm.s32 $0x0;
	s1 =	rddreg [dreg:$0x2];
	_ =	strace $0x80000047  }
0x8: {  	s5 =	ssub.s32 $0x2, s5;
	s6 =	sshll.u32 s6, $0x4;
	s7 =	sshrl.u32 s7, $0x3  }
0x9: {  	s31 =	sshrl.u32 s5, $0x1;
	s9 =	sadd.s32 s6, s4;
	s8 =	sadd.s32 s3, s7  }
0xa: {  	s10 =	ssub.s32 s5, s31;
	s9 =	sadd.s32 $0xC00, s9;
	s3 =	sadd.s32 $0x1A0000, s8  }
0xb: {  	s10 =	smax.u32 s10, $0x1;
	s4 =	sadd.s32 $0x1A0800, s8;
	s6 =	sadd.s32 $0x1A1800, s8  }
0xc: {  	s5 =	sadd.s32 $0x1A1000, s8;
	s7 =	sadd.s32 $0x1A2000, s8;
	s8 =	sadd.s32 $0x1A2800, s8  }
.LBB2_1:
0xd: {  	[tilespmem:s2], [sflag:$0x1] =	stream.linear.gather [hbm4b:s3+s2], $0x4000, $0x38;
	[tilespmem:$0x8080] =	vst v63  }
0xe: {  	_ = 	snop  }
0xf: {  	[tilespmem:s11], [sflag:$0x2] =	stream.linear.gather [hbm4b:s4+s2], $0x4000, $0x38;
	[tilespmem:$0x8080] =	vst v63  }
0x10: {  	_ =	swait.ge [sflag:s12], $0x4000  }
0x11: {  	s17 =	sand.u32 $0x40, s2;
	s18 =	sand.u32 $0x3C00, s2;
	[sflag:s12] =	ssyncset.done $0x0  }
0x12: {  	s18 =	sor.u32 s17, s18;
	[sflag:s12] =	ssyncadd.s32 $0xFFFFC000  }
0x13: {  	v1 =	vld [tilespmem:s18+$0x30]  }
0x14: {  	v0 =	vimm.f32 $0.0e+00;
	v2 =	vld [tilespmem:s18+$0x0]  }
0x15: {  	s19 =	simm.s32 $0x0;
	v6 =	vimm.f32 $0.0e+00;
	v4 =	vimm.f32 $0.0e+00;
	v5 =	vimm.f32 $0.0e+00;
	s17 =	simm.s32 $0x40;
	v3 =	vld [tilespmem:s18+$0x10]  }
.LBB2_2:
0x16: {  	s20 =	sand.u32 $0x40, s17;
	v7 =	vld [tilespmem:s18+$0x20];
	s19 =	sadd.s32 $0x200, s19;
	p0 =	sne.s32 s17, $0x7C0  }
.Ltmp0:
0x17: {  	s17 =	sadd.s32 $0x40, s17;
	s18 =	sand.u32 $0x3C00, s19;
	(pc) =	sbr.rel @p0 .LBB2_2-.Ltmp0, $4  }
0x18: {  	s18 =	sor.u32 s20, s18;
	v0 =	vadd.f32 v1, v0  }
0x19: {  	v1 =	vld [tilespmem:s18+$0x30];
	v6 =	vadd.f32 v2, v6  }
0x1a: {  	v2 =	vld [tilespmem:s18+$0x0];
	v4 =	vadd.f32 v3, v4  }
0x1b: {  	v3 =	vld [tilespmem:s18+$0x10];
	v5 =	vadd.f32 v7, v5  }
0x1c: {  	v8 =	vld [tilespmem:s18+$0x20];
	s17 =	simm.s32 $0x0  }
0x1d: {  	s18 =	sand.u32 $0x40, s17;
	s19 =	sand.u32 $0x3C00, s17  }
0x1e: {  	s20 =	sor.u32 s18, s19  }
0x1f: {  	v7 =	vld [tilespmem:s20+$0xB0]  }
0x20: {  	v0 =	vadd.f32 v1, v0;
	v1 =	vadd.f32 v2, v6;
	v6 =	vld [tilespmem:s20+$0x80]  }
0x21: {  	s21 =	simm.s32 $0x40;
	s22 =	simm.s32 $0x0;
	v2 =	vadd.f32 v3, v4;
	v4 =	vadd.f32 v8, v5;
	v5 =	vld [tilespmem:s20+$0x90]  }
.LBB2_4:
0x22: {  	s23 =	sand.u32 $0x40, s21;
	v3 =	vld [tilespmem:s20+$0xA0];
	s22 =	sadd.s32 $0x200, s22;
	p0 =	sne.s32 s21, $0x7C0  }
.Ltmp1:
0x23: {  	s21 =	sadd.s32 $0x40, s21;
	s20 =	sand.u32 $0x3C00, s22;
	(pc) =	sbr.rel @p0 .LBB2_4-.Ltmp1, $4  }
0x24: {  	s20 =	sor.u32 s23, s20;
	v0 =	vadd.f32 v7, v0  }
0x25: {  	v7 =	vld [tilespmem:s20+$0xB0];
	v1 =	vadd.f32 v6, v1  }
0x26: {  	v6 =	vld [tilespmem:s20+$0x80];
	v2 =	vadd.f32 v5, v2  }
0x27: {  	v5 =	vld [tilespmem:s20+$0x90];
	v4 =	vadd.f32 v3, v4  }
0x28: {  	v8 =	vld [tilespmem:s20+$0xA0];
	_ =	sdelay $0x1  }
0x29: {  	s18 =	sor.u32 s18, s19  }
0x2a: {  	v3 =	vld [tilespmem:s18+$0x130]  }
0x2b: {  	v0 =	vadd.f32 v7, v0;
	v7 =	vld [tilespmem:s18+$0x100];
	v1 =	vadd.f32 v6, v1  }
0x2c: {  	s19 =	simm.s32 $0x40;
	v2 =	vadd.f32 v5, v2;
	v6 =	vadd.f32 v8, v4;
	v8 =	vld [tilespmem:s18+$0x110]  }
.LBB2_6:
0x2d: {  	s20 =	sand.u32 $0x40, s19;
	v4 =	vld [tilespmem:s18+$0x120];
	s17 =	sadd.s32 $0x200, s17;
	p0 =	sne.s32 s19, $0x7C0  }
.Ltmp2:
0x2e: {  	s19 =	sadd.s32 $0x40, s19;
	s18 =	sand.u32 $0x3C00, s17;
	(pc) =	sbr.rel @p0 .LBB2_6-.Ltmp2, $4  }
0x2f: {  	s18 =	sor.u32 s20, s18;
	v0 =	vadd.f32 v3, v0  }
0x30: {  	v3 =	vld [tilespmem:s18+$0x130];
	v1 =	vadd.f32 v7, v1  }
0x31: {  	v7 =	vld [tilespmem:s18+$0x100];
	v2 =	vadd.f32 v8, v2  }
0x32: {  	v8 =	vld [tilespmem:s18+$0x110];
	v6 =	vadd.f32 v4, v6  }
0x33: {  	v9 =	vld [tilespmem:s18+$0x120];
	s17 =	simm.s32 $0x0  }
0x34: {  	s31 =	sand.u32 $0x40, s17;
	s19 =	sand.u32 $0x3C00, s17  }
0x35: {  	s19 =	sor.u32 s31, s19  }
0x36: {  	v5 =	vld [tilespmem:s19+$0x1B0]  }
0x37: {  	v3 =	vadd.f32 v3, v0;
	v1 =	vadd.f32 v7, v1;
	v4 =	vld [tilespmem:s19+$0x180]  }
0x38: {  	s18 =	simm.s32 $0x40;
	v2 =	vadd.f32 v8, v2;
	v0 =	vadd.f32 v9, v6;
	v6 =	vld [tilespmem:s19+$0x190]  }
.LBB2_8:
0x39: {  	s20 =	sand.u32 $0x40, s18;
	v7 =	vld [tilespmem:s19+$0x1A0];
	s17 =	sadd.s32 $0x200, s17;
	p1 =	sne.s32 s18, $0x7C0  }
.Ltmp3:
0x3a: {  	s18 =	sadd.s32 $0x40, s18;
	s19 =	sand.u32 $0x3C00, s17;
	(pc) =	sbr.rel @p1 .LBB2_8-.Ltmp3, $4  }
0x3b: {  	p0 =	por $0x0, $0x0;
	s19 =	sor.u32 s20, s19;
	v3 =	vadd.f32 v5, v3  }
0x3c: {  	v5 =	vld [tilespmem:s19+$0x1B0];
	v1 =	vadd.f32 v4, v1  }
0x3d: {  	v4 =	vld [tilespmem:s19+$0x180];
	v2 =	vadd.f32 v6, v2  }
0x3e: {  	v6 =	vld [tilespmem:s19+$0x190];
	v0 =	vadd.f32 v7, v0  }
0x3f: {  	s17 =	simm.s32 $0x1  }
0x40: {  	s17 =	simm.s32 @!p0 $0x0  }
0x41: {  	s18 =	sshll.u32 s17, $0x6  }
0x42: {  	s20 =	sadd.s32 $0x0, s18  }
0x43: {  	v7 =	vld [tilespmem:s19+$0x1A0];
	s28 =	sor.u32 $0x230, s20  }
0x44: {  	s29 =	sor.u32 $0x200, s20;
	v8 =	vld [tilespmem:s28+$0x0]  }
0x45: {  	s19 =	simm.s32 $0x1;
	p0 =	por !p0, !p0;
	s30 =	sor.u32 $0x210, s20;
	v9 =	vld [tilespmem:s29+$0x0]  }
0x46: {  	s19 =	simm.s32 @!p0 $0x0;
	v10 =	vld [tilespmem:s30+$0x0]  }
0x47: {  	s17 =	sshll.u32 s19, $0x6;
	s31 =	sor.u32 $0x220, s20  }
0x48: {  	v3 =	vadd.f32 v5, v3;
	v4 =	vadd.f32 v4, v1;
	s22 =	sadd.s32 $0x200, s17;
	v1 =	vld [tilespmem:s31+$0x0]  }
0x49: {  	v11 =	vadd.f32 v6, v2;
	s21 =	sor.u32 $0x230, s22  }
0x4a: {  	p1 =	por !p0, !p0;
	s19 =	simm.s32 $0x80;
	v0 =	vadd.f32 v7, v0;
	s23 =	sor.u32 $0x200, s22;
	v5 =	vld [tilespmem:s21+$0x0];
	v2 =	vadd.f32 v8, v3  }
0x4b: {  	s20 =	simm.s32 $0x200;
	s21 =	sor.u32 $0x210, s22;
	s22 =	sor.u32 $0x220, s22;
	v6 =	vld [tilespmem:s23+$0x0];
	v4 =	vadd.f32 v9, v4;
	v3 =	vadd.f32 v10, v11  }
.LBB2_10:
0x4c: {  	s23 =	simm.s32 $0x1  }
0x4d: {  	p2 =	sne.s32 s19, $0x7C0;
	s19 =	sadd.s32 $0x40, s19;
	v7 =	vld [tilespmem:s21+$0x0];
	v0 =	vadd.f32 v1, v0;
	s23 =	simm.s32 @!p1 $0x0  }
.Ltmp4:
0x4e: {  	s20 =	sadd.s32 $0x200, s20;
	s21 =	sshll.u32 s23, $0x6;
	v1 =	vld [tilespmem:s22+$0x0];
	(pc) =	sbr.rel @p2 .LBB2_10-.Ltmp4, $4  }
0x4f: {  	s22 =	sadd.s32 s21, s20  }
0x50: {  	v2 =	vadd.f32 v5, v2;
	s23 =	sor.u32 $0x200, s22;
	s21 =	sor.u32 $0x210, s22;
	s24 =	sor.u32 $0x230, s22  }
0x51: {  	s22 =	sor.u32 $0x220, s22;
	v4 =	vadd.f32 v6, v4;
	v5 =	vld [tilespmem:s24+$0x0]  }
0x52: {  	p1 =	por !p1, !p1;
	v3 =	vadd.f32 v7, v3;
	v6 =	vld [tilespmem:s23+$0x0]  }
0x53: {  	v7 =	vld [tilespmem:s21+$0x0]  }
0x54: {  	v8 =	vld [tilespmem:s22+$0x0];
	p1 =	por $0x1, $0x1  }
.Ltmp5:
0x55: {  	_ = 	snop;
	(pc) =	sbr.rel @!p1 .LBB2_12-.Ltmp5, $4  }
0x56: {  	s18 =	sadd.s32 $0x0, s18  }
0x57: {  	v9 =	vadd.f32 v1, v0;
	s19 =	sor.u32 $0x2B0, s18  }
0x58: {  	s20 =	sor.u32 $0x280, s18;
	v1 =	vld [tilespmem:s19+$0x0];
	v0 =	vadd.f32 v5, v2;
	v2 =	vadd.f32 v6, v4  }
0x59: {  	p3 =	por $0x0, $0x0;
	s19 =	sor.u32 $0x290, s18;
	s18 =	sor.u32 $0x2A0, s18;
	v5 =	vld [tilespmem:s20+$0x0];
	v3 =	vadd.f32 v7, v3;
	v4 =	vadd.f32 v8, v9  }
0x5a: {  	v7 =	vld [tilespmem:s19+$0x0];
	p2 =	por $0x1, $0x1  }
.Ltmp6:
0x5b: {  	_ = 	snop;
	(pc) =	sbr.rel @!p2 .LBB2_14-.Ltmp6, $4  }
0x5c: {  	s21 =	sadd.s32 $0x200, s17;
	v6 =	vld [tilespmem:s18+$0x0]  }
0x5d: {  	s17 =	simm.s32 $0x80;
	s31 =	sor.u32 $0x2B0, s21  }
0x5e: {  	s20 =	simm.s32 $0x200;
	p0 =	por !p0, !p0;
	s22 =	sor.u32 $0x280, s21;
	v0 =	vadd.f32 v1, v0;
	v1 =	vld [tilespmem:s31+$0x0]  }
0x5f: {  	p3 =	por $0x1, $0x1;
	s19 =	sor.u32 $0x290, s21;
	s18 =	sor.u32 $0x2A0, s21;
	v2 =	vadd.f32 v5, v2;
	v5 =	vld [tilespmem:s22+$0x0];
	v3 =	vadd.f32 v7, v3;
	v7 =	vmov v4  }
.LBB2_15:
0x60: {  	s21 =	simm.s32 $0x1  }
0x61: {  	p2 =	sne.s32 s17, $0x7C0;
	s17 =	sadd.s32 $0x40, s17;
	v8 =	vld [tilespmem:s19+$0x0];
	v7 =	vadd.f32 v6, v7;
	s21 =	simm.s32 @!p0 $0x0  }
.Ltmp7:
0x62: {  	s20 =	sadd.s32 $0x200, s20;
	s19 =	sshll.u32 s21, $0x6;
	v6 =	vld [tilespmem:s18+$0x0];
	(pc) =	sbr.rel @p2 .LBB2_15-.Ltmp7, $4  }
0x63: {  	s18 =	sadd.s32 s19, s20  }
0x64: {  	v0 =	vadd.f32 v1, v0;
	s21 =	sor.u32 $0x280, s18;
	s19 =	sor.u32 $0x290, s18;
	s22 =	sor.u32 $0x2B0, s18  }
0x65: {  	s18 =	sor.u32 $0x2A0, s18;
	v2 =	vadd.f32 v5, v2;
	v1 =	vld [tilespmem:s22+$0x0]  }
0x66: {  	p0 =	por !p0, !p0;
	v3 =	vadd.f32 v8, v3;
	v5 =	vld [tilespmem:s21+$0x0]  }
.LBB2_16:
0x67: {  	v8 =	vld [tilespmem:s19+$0x0];
	p2 =	por $0x0, $0x0;
	s17 =	simm.s32 $0x1  }
0x68: {  	v9 =	vld [tilespmem:s18+$0x0];
	s17 =	simm.s32 @!p2 $0x0  }
.Ltmp8:
0x69: {  	s17 =	sshll.u32 s17, $0x6;
	(pc) =	sbr.rel @!p1 .LBB2_17-.Ltmp8, $4  }
0x6a: {  	v6 =	vadd.f32 @p3 v6, v7;
	s30 =	sadd.s32 $0x0, s17  }
0x6b: {  	s31 =	sor.u32 $0x330, s30  }
0x6c: {  	v1 =	vadd.f32 v1, v0;
	v0 =	vadd.f32 v5, v2;
	v2 =	vpsel p3, v6, v4;
	s20 =	sor.u32 $0x300, s30;
	v5 =	vld [tilespmem:s31+$0x0]  }
0x6d: {  	p0 =	por !p2, !p2;
	s19 =	sor.u32 $0x310, s30;
	s18 =	sor.u32 $0x320, s30;
	v3 =	vadd.f32 v8, v3;
	v2 =	vadd.f32 v9, v2;
	v4 =	vld [tilespmem:s20+$0x0]  }
0x6e: {  	s20 =	simm.s32 $0x1  }
0x6f: {  	v7 =	vld [tilespmem:s19+$0x0];
	p3 =	por $0x1, $0x1;
	s20 =	simm.s32 @!p0 $0x0  }
.Ltmp9:
0x70: {  	s30 =	sshll.u32 s20, $0x6;
	(pc) =	sbr.rel @!p3 .LBB2_19-.Ltmp9, $4  }
0x71: {  	v6 =	vld [tilespmem:s18+$0x0];
	s22 =	sadd.s32 $0x200, s30  }
0x72: {  	s21 =	simm.s32 $0x200;
	s31 =	sor.u32 $0x330, s22  }
0x73: {  	p1 =	por !p0, !p0;
	p2 =	por $0x1, $0x1;
	v1 =	vadd.f32 v5, v1;
	s23 =	sor.u32 $0x300, s22;
	v5 =	vld [tilespmem:s31+$0x0]  }
0x74: {  	s20 =	simm.s32 $0x80;
	s19 =	sor.u32 $0x310, s22;
	v0 =	vadd.f32 v4, v0;
	s18 =	sor.u32 $0x320, s22;
	v4 =	vld [tilespmem:s23+$0x0];
	v3 =	vadd.f32 v7, v3;
	v7 =	vmov v2  }
.LBB2_20:
0x75: {  	s22 =	simm.s32 $0x1  }
0x76: {  	p3 =	sne.s32 s20, $0x7C0;
	s20 =	sadd.s32 $0x40, s20;
	v8 =	vld [tilespmem:s19+$0x0];
	v7 =	vadd.f32 v6, v7;
	s22 =	simm.s32 @!p1 $0x0  }
.Ltmp10:
0x77: {  	s21 =	sadd.s32 $0x200, s21;
	s19 =	sshll.u32 s22, $0x6;
	v6 =	vld [tilespmem:s18+$0x0];
	(pc) =	sbr.rel @p3 .LBB2_20-.Ltmp10, $4  }
0x78: {  	s18 =	sadd.s32 s19, s21  }
0x79: {  	v1 =	vadd.f32 v5, v1;
	s22 =	sor.u32 $0x300, s18;
	s19 =	sor.u32 $0x310, s18;
	s23 =	sor.u32 $0x330, s18  }
0x7a: {  	s18 =	sor.u32 $0x320, s18;
	v0 =	vadd.f32 v4, v0;
	v5 =	vld [tilespmem:s23+$0x0]  }
0x7b: {  	p1 =	por !p1, !p1;
	v3 =	vadd.f32 v8, v3;
	v4 =	vld [tilespmem:s22+$0x0]  }
.LBB2_21:
0x7c: {  	v8 =	vld [tilespmem:s19+$0x0];
	s17 =	sadd.s32 $0x0, s17  }
0x7d: {  	v9 =	vld [tilespmem:s18+$0x0];
	s26 =	sor.u32 $0x3B0, s17  }
0x7e: {  	s28 =	sor.u32 $0x380, s17;
	v10 =	vld [tilespmem:s26+$0x0]  }
0x7f: {  	s19 =	simm.s32 $0x1;
	s29 =	sor.u32 $0x390, s17;
	v11 =	vld [tilespmem:s28+$0x0]  }
0x80: {  	s19 =	simm.s32 @!p0 $0x0;
	v12 =	vld [tilespmem:s29+$0x0]  }
0x81: {  	v6 =	vadd.f32 @p2 v6, v7;
	s17 =	sor.u32 $0x3A0, s17;
	s30 =	sshll.u32 s19, $0x6  }
0x82: {  	v5 =	vadd.f32 v5, v1;
	s20 =	sadd.s32 $0x200, s30;
	v1 =	vld [tilespmem:s17+$0x0]  }
0x83: {  	v7 =	vadd.f32 v4, v0;
	v0 =	vpsel p2, v6, v2;
	s31 =	sor.u32 $0x3B0, s20;
	v8 =	vadd.f32 v8, v3  }
0x84: {  	s18 =	simm.s32 $0x200;
	p0 =	por !p0, !p0;
	s21 =	sor.u32 $0x380, s20;
	v0 =	vadd.f32 v9, v0;
	v4 =	vld [tilespmem:s31+$0x0];
	v2 =	vadd.f32 v10, v5  }
0x85: {  	s17 =	simm.s32 $0x80;
	s19 =	sor.u32 $0x390, s20;
	s20 =	sor.u32 $0x3A0, s20;
	v6 =	vld [tilespmem:s21+$0x0];
	v3 =	vadd.f32 v11, v7;
	v5 =	vadd.f32 v12, v8  }
.LBB2_22:
0x86: {  	s21 =	simm.s32 $0x1  }
0x87: {  	p1 =	sne.s32 s17, $0x7C0;
	s17 =	sadd.s32 $0x40, s17;
	v7 =	vld [tilespmem:s19+$0x0];
	v0 =	vadd.f32 v1, v0;
	s21 =	simm.s32 @!p0 $0x0  }
.Ltmp11:
0x88: {  	s18 =	sadd.s32 $0x200, s18;
	s19 =	sshll.u32 s21, $0x6;
	v1 =	vld [tilespmem:s20+$0x0];
	(pc) =	sbr.rel @p1 .LBB2_22-.Ltmp11, $4  }
0x89: {  	s20 =	sadd.s32 s19, s18  }
0x8a: {  	v2 =	vadd.f32 v4, v2;
	s21 =	sor.u32 $0x380, s20;
	s19 =	sor.u32 $0x390, s20;
	s22 =	sor.u32 $0x3B0, s20  }
0x8b: {  	s20 =	sor.u32 $0x3A0, s20;
	v3 =	vadd.f32 v6, v3;
	v4 =	vld [tilespmem:s22+$0x0]  }
0x8c: {  	p0 =	por !p0, !p0;
	v5 =	vadd.f32 v7, v5;
	v6 =	vld [tilespmem:s21+$0x0]  }
0x8d: {  	v8 =	vld [tilespmem:s19+$0x0];
	s17 =	simm.s32 $0x0  }
0x8e: {  	v9 =	vld [tilespmem:s20+$0x0];
	[tilespmem:s17], [sflag:$0x1] =	stream.linear.gather [hbm4b:s5+s17], $0x4000, $0x38  }
0x8f: {  	_ =	swait.ge [sflag:s13], $0x4000  }
0x90: {  	s18 =	sand.u32 $0x40, s17;
	s19 =	sand.u32 $0x3C00, s17;
	[sflag:s13] =	ssyncset.done $0x0  }
0x91: {  	s20 =	sor.u32 s18, s19;
	[sflag:s13] =	ssyncadd.s32 $0xFFFFC000  }
0x92: {  	v10 =	vadd.f32 v1, v0;
	v7 =	vld [tilespmem:s20+$0x4030]  }
0x93: {  	v0 =	vadd.f32 v4, v2;
	v1 =	vadd.f32 v6, v3;
	v6 =	vld [tilespmem:s20+$0x4000]  }
0x94: {  	s21 =	simm.s32 $0x40;
	s22 =	simm.s32 $0x0;
	v2 =	vadd.f32 v8, v5;
	v3 =	vadd.f32 v9, v10;
	v8 =	vld [tilespmem:s20+$0x4010]  }
.LBB2_24:
0x95: {  	s23 =	sand.u32 $0x40, s21;
	v4 =	vld [tilespmem:s20+$0x4020];
	s22 =	sadd.s32 $0x200, s22;
	p0 =	sne.s32 s21, $0x7C0  }
.Ltmp12:
0x96: {  	s21 =	sadd.s32 $0x40, s21;
	s20 =	sand.u32 $0x3C00, s22;
	(pc) =	sbr.rel @p0 .LBB2_24-.Ltmp12, $4  }
0x97: {  	s20 =	sor.u32 s23, s20;
	v0 =	vadd.f32 v7, v0  }
0x98: {  	v7 =	vld [tilespmem:s20+$0x4030];
	v1 =	vadd.f32 v6, v1  }
0x99: {  	v6 =	vld [tilespmem:s20+$0x4000];
	v2 =	vadd.f32 v8, v2  }
0x9a: {  	v8 =	vld [tilespmem:s20+$0x4010];
	v3 =	vadd.f32 v4, v3  }
0x9b: {  	v9 =	vld [tilespmem:s20+$0x4020];
	_ =	sdelay $0x1  }
0x9c: {  	s18 =	sor.u32 s18, s19  }
0x9d: {  	v4 =	vld [tilespmem:s18+$0x40B0]  }
0x9e: {  	v5 =	vld [tilespmem:s18+$0x4080];
	v0 =	vadd.f32 v7, v0;
	v1 =	vadd.f32 v6, v1  }
0x9f: {  	s19 =	simm.s32 $0x40;
	v6 =	vld [tilespmem:s18+$0x4090];
	v2 =	vadd.f32 v8, v2;
	v3 =	vadd.f32 v9, v3  }
.LBB2_26:
0xa0: {  	s20 =	sand.u32 $0x40, s19;
	v7 =	vld [tilespmem:s18+$0x40A0];
	s17 =	sadd.s32 $0x200, s17;
	p0 =	sne.s32 s19, $0x7C0  }
.Ltmp13:
0xa1: {  	s19 =	sadd.s32 $0x40, s19;
	s18 =	sand.u32 $0x3C00, s17;
	(pc) =	sbr.rel @p0 .LBB2_26-.Ltmp13, $4  }
0xa2: {  	s18 =	sor.u32 s20, s18;
	v0 =	vadd.f32 v4, v0  }
0xa3: {  	v4 =	vld [tilespmem:s18+$0x40B0];
	v1 =	vadd.f32 v5, v1  }
0xa4: {  	v5 =	vld [tilespmem:s18+$0x4080];
	v2 =	vadd.f32 v6, v2  }
0xa5: {  	v6 =	vld [tilespmem:s18+$0x4090];
	v3 =	vadd.f32 v7, v3  }
0xa6: {  	v8 =	vld [tilespmem:s18+$0x40A0];
	s17 =	simm.s32 $0x0  }
0xa7: {  	s18 =	sand.u32 $0x40, s17;
	s19 =	sand.u32 $0x3C00, s17  }
0xa8: {  	s20 =	sor.u32 s18, s19  }
0xa9: {  	v7 =	vld [tilespmem:s20+$0x4130]  }
0xaa: {  	v0 =	vadd.f32 v4, v0;
	v1 =	vadd.f32 v5, v1;
	v5 =	vld [tilespmem:s20+$0x4100]  }
0xab: {  	s21 =	simm.s32 $0x40;
	s22 =	simm.s32 $0x0;
	v2 =	vadd.f32 v6, v2;
	v6 =	vadd.f32 v8, v3;
	v8 =	vld [tilespmem:s20+$0x4110]  }
.LBB2_28:
0xac: {  	s23 =	sand.u32 $0x40, s21;
	v3 =	vld [tilespmem:s20+$0x4120];
	s22 =	sadd.s32 $0x200, s22;
	p0 =	sne.s32 s21, $0x7C0  }
.Ltmp14:
0xad: {  	s21 =	sadd.s32 $0x40, s21;
	s20 =	sand.u32 $0x3C00, s22;
	(pc) =	sbr.rel @p0 .LBB2_28-.Ltmp14, $4  }
0xae: {  	s20 =	sor.u32 s23, s20;
	v0 =	vadd.f32 v7, v0  }
0xaf: {  	v7 =	vld [tilespmem:s20+$0x4130];
	v1 =	vadd.f32 v5, v1  }
0xb0: {  	v5 =	vld [tilespmem:s20+$0x4100];
	v2 =	vadd.f32 v8, v2  }
0xb1: {  	v8 =	vld [tilespmem:s20+$0x4110];
	v6 =	vadd.f32 v3, v6  }
0xb2: {  	v9 =	vld [tilespmem:s20+$0x4120];
	_ =	sdelay $0x1  }
0xb3: {  	s18 =	sor.u32 s18, s19  }
0xb4: {  	v4 =	vld [tilespmem:s18+$0x41B0]  }
0xb5: {  	v3 =	vadd.f32 v7, v0;
	v1 =	vadd.f32 v5, v1;
	v5 =	vld [tilespmem:s18+$0x4180]  }
0xb6: {  	s19 =	simm.s32 $0x40;
	v2 =	vadd.f32 v8, v2;
	v0 =	vadd.f32 v9, v6;
	v6 =	vld [tilespmem:s18+$0x4190]  }
.LBB2_30:
0xb7: {  	s20 =	sand.u32 $0x40, s19;
	v7 =	vld [tilespmem:s18+$0x41A0];
	s17 =	sadd.s32 $0x200, s17;
	p0 =	sne.s32 s19, $0x7C0  }
.Ltmp15:
0xb8: {  	s19 =	sadd.s32 $0x40, s19;
	s18 =	sand.u32 $0x3C00, s17;
	(pc) =	sbr.rel @p0 .LBB2_30-.Ltmp15, $4  }
0xb9: {  	s18 =	sor.u32 s20, s18;
	v3 =	vadd.f32 v4, v3  }
0xba: {  	v4 =	vld [tilespmem:s18+$0x41B0];
	v1 =	vadd.f32 v5, v1  }
0xbb: {  	v5 =	vld [tilespmem:s18+$0x4180];
	v2 =	vadd.f32 v6, v2  }
0xbc: {  	v6 =	vld [tilespmem:s18+$0x4190];
	v0 =	vadd.f32 v7, v0  }
0xbd: {  	p0 =	por $0x0, $0x0;
	s17 =	simm.s32 $0x1  }
0xbe: {  	s17 =	simm.s32 @!p0 $0x0  }
0xbf: {  	s17 =	sshll.u32 s17, $0x6  }
0xc0: {  	s17 =	sadd.s32 $0x0, s17  }
0xc1: {  	v7 =	vld [tilespmem:s18+$0x41A0];
	s29 =	sor.u32 $0x230, s17  }
0xc2: {  	s19 =	sor.u32 $0x200, s17;
	v8 =	vld [tilespmem:s29+$0x4000]  }
0xc3: {  	p0 =	por !p0, !p0;
	s30 =	sor.u32 $0x210, s17;
	v9 =	vld [tilespmem:s19+$0x4000];
	s19 =	simm.s32 $0x1  }
0xc4: {  	v10 =	vld [tilespmem:s30+$0x4000];
	s19 =	simm.s32 @!p0 $0x0  }
0xc5: {  	s31 =	sor.u32 $0x220, s17;
	s18 =	sshll.u32 s19, $0x6  }
0xc6: {  	v3 =	vadd.f32 v4, v3;
	v4 =	vadd.f32 v5, v1;
	v1 =	vld [tilespmem:s31+$0x4000];
	s22 =	sadd.s32 $0x200, s18  }
0xc7: {  	v11 =	vadd.f32 v6, v2;
	s21 =	sor.u32 $0x230, s22  }
0xc8: {  	s20 =	simm.s32 $0x200;
	p1 =	por !p0, !p0;
	v0 =	vadd.f32 v7, v0;
	s23 =	sor.u32 $0x200, s22;
	v2 =	vadd.f32 v8, v3;
	v5 =	vld [tilespmem:s21+$0x4000]  }
0xc9: {  	s19 =	simm.s32 $0x80;
	s21 =	sor.u32 $0x210, s22;
	s22 =	sor.u32 $0x220, s22;
	v3 =	vadd.f32 v9, v4;
	v6 =	vld [tilespmem:s23+$0x4000];
	v4 =	vadd.f32 v10, v11  }
.LBB2_32:
0xca: {  	s23 =	simm.s32 $0x1  }
0xcb: {  	p2 =	sne.s32 s19, $0x7C0;
	s19 =	sadd.s32 $0x40, s19;
	v7 =	vld [tilespmem:s21+$0x4000];
	v0 =	vadd.f32 v1, v0;
	s23 =	simm.s32 @!p1 $0x0  }
.Ltmp16:
0xcc: {  	s20 =	sadd.s32 $0x200, s20;
	s21 =	sshll.u32 s23, $0x6;
	v1 =	vld [tilespmem:s22+$0x4000];
	(pc) =	sbr.rel @p2 .LBB2_32-.Ltmp16, $4  }
0xcd: {  	s22 =	sadd.s32 s21, s20  }
0xce: {  	v2 =	vadd.f32 v5, v2;
	s23 =	sor.u32 $0x200, s22;
	s21 =	sor.u32 $0x210, s22;
	s24 =	sor.u32 $0x230, s22  }
0xcf: {  	s22 =	sor.u32 $0x220, s22;
	v3 =	vadd.f32 v6, v3;
	v5 =	vld [tilespmem:s24+$0x4000]  }
0xd0: {  	p1 =	por !p1, !p1;
	v4 =	vadd.f32 v7, v4;
	v6 =	vld [tilespmem:s23+$0x4000]  }
0xd1: {  	v7 =	vld [tilespmem:s21+$0x4000]  }
0xd2: {  	v8 =	vld [tilespmem:s22+$0x4000];
	s19 =	sor.u32 $0x2B0, s17  }
0xd3: {  	s20 =	sor.u32 $0x280, s17;
	v9 =	vld [tilespmem:s19+$0x4000]  }
0xd4: {  	s26 =	sor.u32 $0x290, s17;
	v10 =	vld [tilespmem:s20+$0x4000]  }
0xd5: {  	v11 =	vld [tilespmem:s26+$0x4000]  }
0xd6: {  	s28 =	sor.u32 $0x2A0, s17  }
0xd7: {  	v0 =	vadd.f32 v1, v0;
	s29 =	sadd.s32 $0x200, s18;
	v1 =	vld [tilespmem:s28+$0x4000];
	v2 =	vadd.f32 v5, v2  }
0xd8: {  	s30 =	sor.u32 $0x2B0, s29;
	v3 =	vadd.f32 v6, v3;
	v7 =	vadd.f32 v7, v4  }
0xd9: {  	s17 =	simm.s32 $0x80;
	s18 =	simm.s32 $0x200;
	s31 =	sor.u32 $0x280, s29;
	v5 =	vld [tilespmem:s30+$0x4000];
	v0 =	vadd.f32 v8, v0;
	v2 =	vadd.f32 v9, v2  }
0xda: {  	p0 =	por !p0, !p0;
	s20 =	sor.u32 $0x290, s29;
	s19 =	sor.u32 $0x2A0, s29;
	v6 =	vld [tilespmem:s31+$0x4000];
	v4 =	vadd.f32 v10, v3;
	v3 =	vadd.f32 v11, v7  }
.LBB2_34:
0xdb: {  	s21 =	simm.s32 $0x1  }
0xdc: {  	p1 =	sne.s32 s17, $0x7C0;
	s17 =	sadd.s32 $0x40, s17;
	v7 =	vld [tilespmem:s20+$0x4000];
	v0 =	vadd.f32 v1, v0;
	s21 =	simm.s32 @!p0 $0x0  }
.Ltmp17:
0xdd: {  	s18 =	sadd.s32 $0x200, s18;
	s20 =	sshll.u32 s21, $0x6;
	v1 =	vld [tilespmem:s19+$0x4000];
	(pc) =	sbr.rel @p1 .LBB2_34-.Ltmp17, $4  }
0xde: {  	s19 =	sadd.s32 s20, s18  }
0xdf: {  	v2 =	vadd.f32 v5, v2;
	s21 =	sor.u32 $0x280, s19;
	s20 =	sor.u32 $0x290, s19;
	s22 =	sor.u32 $0x2B0, s19  }
0xe0: {  	s19 =	sor.u32 $0x2A0, s19;
	v4 =	vadd.f32 v6, v4;
	v5 =	vld [tilespmem:s22+$0x4000]  }
0xe1: {  	p0 =	por !p0, !p0;
	v3 =	vadd.f32 v7, v3;
	v6 =	vld [tilespmem:s21+$0x4000]  }
0xe2: {  	v7 =	vld [tilespmem:s20+$0x4000];
	p0 =	por $0x0, $0x0;
	s17 =	simm.s32 $0x1  }
0xe3: {  	v8 =	vld [tilespmem:s19+$0x4000];
	p2 =	por $0x1, $0x1;
	s17 =	simm.s32 @!p0 $0x0  }
.Ltmp18:
0xe4: {  	s17 =	sshll.u32 s17, $0x6;
	(pc) =	sbr.rel @!p2 .LBB2_36-.Ltmp18, $4  }
0xe5: {  	s17 =	sadd.s32 $0x0, s17  }
0xe6: {  	v9 =	vadd.f32 v1, v0;
	s18 =	sor.u32 $0x330, s17  }
0xe7: {  	v0 =	vadd.f32 v5, v2;
	v1 =	vadd.f32 v6, v4;
	s31 =	sor.u32 $0x300, s17;
	v4 =	vld [tilespmem:s18+$0x4000]  }
0xe8: {  	p1 =	por !p0, !p0;
	s19 =	sor.u32 $0x310, s17;
	v2 =	vadd.f32 v7, v3;
	v3 =	vadd.f32 v8, v9;
	s18 =	sor.u32 $0x320, s17;
	v5 =	vld [tilespmem:s31+$0x4000]  }
0xe9: {  	s20 =	simm.s32 $0x1  }
0xea: {  	v7 =	vld [tilespmem:s19+$0x4000];
	p5 =	por $0x1, $0x1;
	s20 =	simm.s32 @!p1 $0x0  }
.Ltmp19:
0xeb: {  	s30 =	sshll.u32 s20, $0x6;
	(pc) =	sbr.rel @!p5 .LBB2_38-.Ltmp19, $4  }
0xec: {  	v6 =	vld [tilespmem:s18+$0x4000];
	s22 =	sadd.s32 $0x200, s30  }
0xed: {  	s21 =	simm.s32 $0x200;
	s31 =	sor.u32 $0x330, s22  }
0xee: {  	p4 =	por !p1, !p1;
	p3 =	por $0x1, $0x1;
	v0 =	vadd.f32 v4, v0;
	s23 =	sor.u32 $0x300, s22;
	v4 =	vld [tilespmem:s31+$0x4000]  }
0xef: {  	s20 =	simm.s32 $0x80;
	s19 =	sor.u32 $0x310, s22;
	v1 =	vadd.f32 v5, v1;
	s18 =	sor.u32 $0x320, s22;
	v5 =	vld [tilespmem:s23+$0x4000];
	v2 =	vadd.f32 v7, v2;
	v7 =	vmov v3  }
.LBB2_39:
0xf0: {  	s22 =	simm.s32 $0x1  }
0xf1: {  	p5 =	sne.s32 s20, $0x7C0;
	s20 =	sadd.s32 $0x40, s20;
	v8 =	vld [tilespmem:s19+$0x4000];
	v7 =	vadd.f32 v6, v7;
	s22 =	simm.s32 @!p4 $0x0  }
.Ltmp20:
0xf2: {  	s21 =	sadd.s32 $0x200, s21;
	s19 =	sshll.u32 s22, $0x6;
	v6 =	vld [tilespmem:s18+$0x4000];
	(pc) =	sbr.rel @p5 .LBB2_39-.Ltmp20, $4  }
0xf3: {  	s18 =	sadd.s32 s19, s21  }
0xf4: {  	v0 =	vadd.f32 v4, v0;
	s22 =	sor.u32 $0x300, s18;
	s19 =	sor.u32 $0x310, s18;
	s23 =	sor.u32 $0x330, s18  }
0xf5: {  	s18 =	sor.u32 $0x320, s18;
	v1 =	vadd.f32 v5, v1;
	v4 =	vld [tilespmem:s23+$0x4000]  }
0xf6: {  	p4 =	por !p4, !p4;
	v2 =	vadd.f32 v8, v2;
	v5 =	vld [tilespmem:s22+$0x4000]  }
.LBB2_40:
0xf7: {  	v8 =	vld [tilespmem:s19+$0x4000]  }
0xf8: {  	v9 =	vld [tilespmem:s18+$0x4000]  }
.Ltmp21:
0xf9: {  	_ = 	snop;
	(pc) =	sbr.rel @!p2 .LBB2_41-.Ltmp21, $4  }
0xfa: {  	v6 =	vadd.f32 @p3 v6, v7  }
0xfb: {  	s30 =	sor.u32 $0x3B0, s17  }
0xfc: {  	s31 =	sor.u32 $0x380, s17;
	v3 =	vpsel p3, v6, v3;
	v0 =	vadd.f32 v4, v0;
	v4 =	vld [tilespmem:s30+$0x4000];
	v1 =	vadd.f32 v5, v1  }
0xfd: {  	s18 =	sor.u32 $0x390, s17;
	s17 =	sor.u32 $0x3A0, s17;
	v5 =	vld [tilespmem:s31+$0x4000];
	v2 =	vadd.f32 v8, v2;
	v3 =	vadd.f32 v9, v3  }
0xfe: {  	s19 =	simm.s32 $0x1  }
0xff: {  	v7 =	vld [tilespmem:s18+$0x4000];
	p2 =	por $0x1, $0x1;
	s19 =	simm.s32 @!p1 $0x0  }
.Ltmp22:
0x100: {  	s30 =	sshll.u32 s19, $0x6;
	(pc) =	sbr.rel @!p2 .LBB2_43-.Ltmp22, $4  }
0x101: {  	v6 =	vld [tilespmem:s17+$0x4000];
	s21 =	sadd.s32 $0x200, s30  }
0x102: {  	s20 =	simm.s32 $0x200;
	s31 =	sor.u32 $0x3B0, s21  }
0x103: {  	p0 =	por $0x1, $0x1;
	p1 =	por !p1, !p1;
	v0 =	vadd.f32 v4, v0;
	s22 =	sor.u32 $0x380, s21;
	v4 =	vld [tilespmem:s31+$0x4000]  }
0x104: {  	s19 =	simm.s32 $0x80;
	s18 =	sor.u32 $0x390, s21;
	v1 =	vadd.f32 v5, v1;
	s17 =	sor.u32 $0x3A0, s21;
	v5 =	vld [tilespmem:s22+$0x4000];
	v2 =	vadd.f32 v7, v2;
	v7 =	vmov v3  }
.LBB2_44:
0x105: {  	s21 =	simm.s32 $0x1  }
0x106: {  	p2 =	sne.s32 s19, $0x7C0;
	s19 =	sadd.s32 $0x40, s19;
	v8 =	vld [tilespmem:s18+$0x4000];
	v7 =	vadd.f32 v6, v7;
	s21 =	simm.s32 @!p1 $0x0  }
.Ltmp23:
0x107: {  	s20 =	sadd.s32 $0x200, s20;
	s18 =	sshll.u32 s21, $0x6;
	v6 =	vld [tilespmem:s17+$0x4000];
	(pc) =	sbr.rel @p2 .LBB2_44-.Ltmp23, $4  }
0x108: {  	s17 =	sadd.s32 s18, s20  }
0x109: {  	v0 =	vadd.f32 v4, v0;
	s21 =	sor.u32 $0x380, s17;
	s18 =	sor.u32 $0x390, s17;
	s22 =	sor.u32 $0x3B0, s17  }
0x10a: {  	s17 =	sor.u32 $0x3A0, s17;
	v1 =	vadd.f32 v5, v1;
	v4 =	vld [tilespmem:s22+$0x4000]  }
0x10b: {  	p1 =	por !p1, !p1;
	v2 =	vadd.f32 v8, v2;
	v5 =	vld [tilespmem:s21+$0x4000]  }
.LBB2_45:
0x10c: {  	v9 =	vld [tilespmem:s17+$0x4000];
	s17 =	simm.s32 $0x0  }
0x10d: {  	v8 =	vld [tilespmem:s18+$0x4000];
	[tilespmem:s11], [sflag:$0x2] =	stream.linear.gather [hbm4b:s6+s17], $0x4000, $0x38  }
0x10e: {  	_ =	swait.ge [sflag:s12], $0x4000  }
0x10f: {  	s18 =	sand.u32 $0x40, s17;
	s19 =	sand.u32 $0x3C00, s17;
	[sflag:s12] =	ssyncset.done $0x0  }
0x110: {  	v7 =	vadd.f32 @p0 v6, v7;
	s20 =	sor.u32 s18, s19;
	[sflag:s12] =	ssyncadd.s32 $0xFFFFC000  }
0x111: {  	v6 =	vld [tilespmem:s20+$0x30]  }
0x112: {  	v3 =	vpsel p0, v7, v3;
	v0 =	vadd.f32 v4, v0;
	v1 =	vadd.f32 v5, v1;
	v5 =	vld [tilespmem:s20+$0x0]  }
0x113: {  	s21 =	simm.s32 $0x40;
	s22 =	simm.s32 $0x0;
	v2 =	vadd.f32 v8, v2;
	v3 =	vadd.f32 v9, v3;
	v7 =	vld [tilespmem:s20+$0x10]  }
.LBB2_46:
0x114: {  	s23 =	sand.u32 $0x40, s21;
	v4 =	vld [tilespmem:s20+$0x20];
	s22 =	sadd.s32 $0x200, s22;
	p0 =	sne.s32 s21, $0x7C0  }
.Ltmp24:
0x115: {  	s21 =	sadd.s32 $0x40, s21;
	s20 =	sand.u32 $0x3C00, s22;
	(pc) =	sbr.rel @p0 .LBB2_46-.Ltmp24, $4  }
0x116: {  	s20 =	sor.u32 s23, s20;
	v0 =	vadd.f32 v6, v0  }
0x117: {  	v6 =	vld [tilespmem:s20+$0x30];
	v1 =	vadd.f32 v5, v1  }
0x118: {  	v5 =	vld [tilespmem:s20+$0x0];
	v2 =	vadd.f32 v7, v2  }
0x119: {  	v7 =	vld [tilespmem:s20+$0x10];
	v3 =	vadd.f32 v4, v3  }
0x11a: {  	v8 =	vld [tilespmem:s20+$0x20];
	_ =	sdelay $0x1  }
0x11b: {  	s18 =	sor.u32 s18, s19  }
0x11c: {  	v4 =	vld [tilespmem:s18+$0xB0]  }
0x11d: {  	v0 =	vadd.f32 v6, v0;
	v1 =	vadd.f32 v5, v1;
	v5 =	vld [tilespmem:s18+$0x80]  }
0x11e: {  	s19 =	simm.s32 $0x40;
	v6 =	vld [tilespmem:s18+$0x90];
	v2 =	vadd.f32 v7, v2;
	v3 =	vadd.f32 v8, v3  }
.LBB2_48:
0x11f: {  	s20 =	sand.u32 $0x40, s19;
	v7 =	vld [tilespmem:s18+$0xA0];
	s17 =	sadd.s32 $0x200, s17;
	p0 =	sne.s32 s19, $0x7C0  }
.Ltmp25:
0x120: {  	s19 =	sadd.s32 $0x40, s19;
	s18 =	sand.u32 $0x3C00, s17;
	(pc) =	sbr.rel @p0 .LBB2_48-.Ltmp25, $4  }
0x121: {  	s18 =	sor.u32 s20, s18;
	v0 =	vadd.f32 v4, v0  }
0x122: {  	v4 =	vld [tilespmem:s18+$0xB0];
	v1 =	vadd.f32 v5, v1  }
0x123: {  	v5 =	vld [tilespmem:s18+$0x80];
	v2 =	vadd.f32 v6, v2  }
0x124: {  	v6 =	vld [tilespmem:s18+$0x90];
	v3 =	vadd.f32 v7, v3  }
0x125: {  	v8 =	vld [tilespmem:s18+$0xA0];
	s17 =	simm.s32 $0x0  }
0x126: {  	s18 =	sand.u32 $0x40, s17;
	s19 =	sand.u32 $0x3C00, s17  }
0x127: {  	s20 =	sor.u32 s18, s19  }
0x128: {  	v7 =	vld [tilespmem:s20+$0x130]  }
0x129: {  	v0 =	vadd.f32 v4, v0;
	v1 =	vadd.f32 v5, v1;
	v5 =	vld [tilespmem:s20+$0x100]  }
0x12a: {  	s21 =	simm.s32 $0x40;
	s22 =	simm.s32 $0x0;
	v2 =	vadd.f32 v6, v2;
	v6 =	vadd.f32 v8, v3;
	v8 =	vld [tilespmem:s20+$0x110]  }
.LBB2_50:
0x12b: {  	s23 =	sand.u32 $0x40, s21;
	v3 =	vld [tilespmem:s20+$0x120];
	s22 =	sadd.s32 $0x200, s22;
	p0 =	sne.s32 s21, $0x7C0  }
.Ltmp26:
0x12c: {  	s21 =	sadd.s32 $0x40, s21;
	s20 =	sand.u32 $0x3C00, s22;
	(pc) =	sbr.rel @p0 .LBB2_50-.Ltmp26, $4  }
0x12d: {  	s20 =	sor.u32 s23, s20;
	v0 =	vadd.f32 v7, v0  }
0x12e: {  	v7 =	vld [tilespmem:s20+$0x130];
	v1 =	vadd.f32 v5, v1  }
0x12f: {  	v5 =	vld [tilespmem:s20+$0x100];
	v2 =	vadd.f32 v8, v2  }
0x130: {  	v8 =	vld [tilespmem:s20+$0x110];
	v6 =	vadd.f32 v3, v6  }
0x131: {  	v9 =	vld [tilespmem:s20+$0x120];
	_ =	sdelay $0x1  }
0x132: {  	s18 =	sor.u32 s18, s19  }
0x133: {  	v4 =	vld [tilespmem:s18+$0x1B0]  }
0x134: {  	v3 =	vadd.f32 v7, v0;
	v1 =	vadd.f32 v5, v1;
	v5 =	vld [tilespmem:s18+$0x180]  }
0x135: {  	s19 =	simm.s32 $0x40;
	v2 =	vadd.f32 v8, v2;
	v0 =	vadd.f32 v9, v6;
	v6 =	vld [tilespmem:s18+$0x190]  }
.LBB2_52:
0x136: {  	s20 =	sand.u32 $0x40, s19;
	v7 =	vld [tilespmem:s18+$0x1A0];
	s17 =	sadd.s32 $0x200, s17;
	p0 =	sne.s32 s19, $0x7C0  }
.Ltmp27:
0x137: {  	s19 =	sadd.s32 $0x40, s19;
	s18 =	sand.u32 $0x3C00, s17;
	(pc) =	sbr.rel @p0 .LBB2_52-.Ltmp27, $4  }
0x138: {  	s18 =	sor.u32 s20, s18;
	v3 =	vadd.f32 v4, v3  }
0x139: {  	v4 =	vld [tilespmem:s18+$0x1B0];
	v1 =	vadd.f32 v5, v1  }
0x13a: {  	v5 =	vld [tilespmem:s18+$0x180];
	v2 =	vadd.f32 v6, v2  }
0x13b: {  	v6 =	vld [tilespmem:s18+$0x190];
	v0 =	vadd.f32 v7, v0  }
0x13c: {  	p0 =	por $0x0, $0x0;
	s17 =	simm.s32 $0x1  }
0x13d: {  	s17 =	simm.s32 @!p0 $0x0  }
0x13e: {  	s17 =	sshll.u32 s17, $0x6  }
0x13f: {  	s17 =	sadd.s32 $0x0, s17  }
0x140: {  	v7 =	vld [tilespmem:s18+$0x1A0];
	s29 =	sor.u32 $0x230, s17  }
0x141: {  	s19 =	sor.u32 $0x200, s17;
	v8 =	vld [tilespmem:s29+$0x0]  }
0x142: {  	p0 =	por !p0, !p0;
	s30 =	sor.u32 $0x210, s17;
	v9 =	vld [tilespmem:s19+$0x0];
	s19 =	simm.s32 $0x1  }
0x143: {  	v10 =	vld [tilespmem:s30+$0x0];
	s19 =	simm.s32 @!p0 $0x0  }
0x144: {  	s31 =	sor.u32 $0x220, s17;
	s18 =	sshll.u32 s19, $0x6  }
0x145: {  	v3 =	vadd.f32 v4, v3;
	v4 =	vadd.f32 v5, v1;
	v1 =	vld [tilespmem:s31+$0x0];
	s22 =	sadd.s32 $0x200, s18  }
0x146: {  	v11 =	vadd.f32 v6, v2;
	s21 =	sor.u32 $0x230, s22  }
0x147: {  	s20 =	simm.s32 $0x200;
	p1 =	por !p0, !p0;
	v0 =	vadd.f32 v7, v0;
	s23 =	sor.u32 $0x200, s22;
	v2 =	vadd.f32 v8, v3;
	v5 =	vld [tilespmem:s21+$0x0]  }
0x148: {  	s19 =	simm.s32 $0x80;
	s21 =	sor.u32 $0x210, s22;
	s22 =	sor.u32 $0x220, s22;
	v3 =	vadd.f32 v9, v4;
	v6 =	vld [tilespmem:s23+$0x0];
	v4 =	vadd.f32 v10, v11  }
.LBB2_54:
0x149: {  	s23 =	simm.s32 $0x1  }
0x14a: {  	p2 =	sne.s32 s19, $0x7C0;
	s19 =	sadd.s32 $0x40, s19;
	v7 =	vld [tilespmem:s21+$0x0];
	v0 =	vadd.f32 v1, v0;
	s23 =	simm.s32 @!p1 $0x0  }
.Ltmp28:
0x14b: {  	s20 =	sadd.s32 $0x200, s20;
	s21 =	sshll.u32 s23, $0x6;
	v1 =	vld [tilespmem:s22+$0x0];
	(pc) =	sbr.rel @p2 .LBB2_54-.Ltmp28, $4  }
0x14c: {  	s22 =	sadd.s32 s21, s20  }
0x14d: {  	v2 =	vadd.f32 v5, v2;
	s23 =	sor.u32 $0x200, s22;
	s21 =	sor.u32 $0x210, s22;
	s24 =	sor.u32 $0x230, s22  }
0x14e: {  	s22 =	sor.u32 $0x220, s22;
	v3 =	vadd.f32 v6, v3;
	v5 =	vld [tilespmem:s24+$0x0]  }
0x14f: {  	p1 =	por !p1, !p1;
	v4 =	vadd.f32 v7, v4;
	v6 =	vld [tilespmem:s23+$0x0]  }
0x150: {  	v7 =	vld [tilespmem:s21+$0x0]  }
0x151: {  	v8 =	vld [tilespmem:s22+$0x0];
	s19 =	sor.u32 $0x2B0, s17  }
0x152: {  	s20 =	sor.u32 $0x280, s17;
	v9 =	vld [tilespmem:s19+$0x0]  }
0x153: {  	s26 =	sor.u32 $0x290, s17;
	v10 =	vld [tilespmem:s20+$0x0]  }
0x154: {  	v11 =	vld [tilespmem:s26+$0x0]  }
0x155: {  	s28 =	sor.u32 $0x2A0, s17  }
0x156: {  	v0 =	vadd.f32 v1, v0;
	s29 =	sadd.s32 $0x200, s18;
	v1 =	vld [tilespmem:s28+$0x0];
	v2 =	vadd.f32 v5, v2  }
0x157: {  	s30 =	sor.u32 $0x2B0, s29;
	v3 =	vadd.f32 v6, v3;
	v7 =	vadd.f32 v7, v4  }
0x158: {  	s17 =	simm.s32 $0x80;
	s18 =	simm.s32 $0x200;
	s31 =	sor.u32 $0x280, s29;
	v5 =	vld [tilespmem:s30+$0x0];
	v0 =	vadd.f32 v8, v0;
	v2 =	vadd.f32 v9, v2  }
0x159: {  	p0 =	por !p0, !p0;
	s20 =	sor.u32 $0x290, s29;
	s19 =	sor.u32 $0x2A0, s29;
	v6 =	vld [tilespmem:s31+$0x0];
	v4 =	vadd.f32 v10, v3;
	v3 =	vadd.f32 v11, v7  }
.LBB2_56:
0x15a: {  	s21 =	simm.s32 $0x1  }
0x15b: {  	p1 =	sne.s32 s17, $0x7C0;
	s17 =	sadd.s32 $0x40, s17;
	v7 =	vld [tilespmem:s20+$0x0];
	v0 =	vadd.f32 v1, v0;
	s21 =	simm.s32 @!p0 $0x0  }
.Ltmp29:
0x15c: {  	s18 =	sadd.s32 $0x200, s18;
	s20 =	sshll.u32 s21, $0x6;
	v1 =	vld [tilespmem:s19+$0x0];
	(pc) =	sbr.rel @p1 .LBB2_56-.Ltmp29, $4  }
0x15d: {  	s19 =	sadd.s32 s20, s18  }
0x15e: {  	v2 =	vadd.f32 v5, v2;
	s21 =	sor.u32 $0x280, s19;
	s20 =	sor.u32 $0x290, s19;
	s22 =	sor.u32 $0x2B0, s19  }
0x15f: {  	s19 =	sor.u32 $0x2A0, s19;
	v4 =	vadd.f32 v6, v4;
	v5 =	vld [tilespmem:s22+$0x0]  }
0x160: {  	p0 =	por !p0, !p0;
	v3 =	vadd.f32 v7, v3;
	v6 =	vld [tilespmem:s21+$0x0]  }
0x161: {  	v7 =	vld [tilespmem:s20+$0x0];
	p0 =	por $0x0, $0x0;
	s17 =	simm.s32 $0x1  }
0x162: {  	v8 =	vld [tilespmem:s19+$0x0];
	p2 =	por $0x1, $0x1;
	s17 =	simm.s32 @!p0 $0x0  }
.Ltmp30:
0x163: {  	s17 =	sshll.u32 s17, $0x6;
	(pc) =	sbr.rel @!p2 .LBB2_58-.Ltmp30, $4  }
0x164: {  	s17 =	sadd.s32 $0x0, s17  }
0x165: {  	v9 =	vadd.f32 v1, v0;
	s18 =	sor.u32 $0x330, s17  }
0x166: {  	v0 =	vadd.f32 v5, v2;
	v1 =	vadd.f32 v6, v4;
	s31 =	sor.u32 $0x300, s17;
	v4 =	vld [tilespmem:s18+$0x0]  }
0x167: {  	p1 =	por !p0, !p0;
	s19 =	sor.u32 $0x310, s17;
	v2 =	vadd.f32 v7, v3;
	v3 =	vadd.f32 v8, v9;
	s18 =	sor.u32 $0x320, s17;
	v5 =	vld [tilespmem:s31+$0x0]  }
0x168: {  	s20 =	simm.s32 $0x1  }
0x169: {  	v7 =	vld [tilespmem:s19+$0x0];
	p5 =	por $0x1, $0x1;
	s20 =	simm.s32 @!p1 $0x0  }
.Ltmp31:
0x16a: {  	s30 =	sshll.u32 s20, $0x6;
	(pc) =	sbr.rel @!p5 .LBB2_60-.Ltmp31, $4  }
0x16b: {  	v6 =	vld [tilespmem:s18+$0x0];
	s22 =	sadd.s32 $0x200, s30  }
0x16c: {  	s21 =	simm.s32 $0x200;
	s31 =	sor.u32 $0x330, s22  }
0x16d: {  	p4 =	por !p1, !p1;
	p3 =	por $0x1, $0x1;
	v0 =	vadd.f32 v4, v0;
	s23 =	sor.u32 $0x300, s22;
	v4 =	vld [tilespmem:s31+$0x0]  }
0x16e: {  	s20 =	simm.s32 $0x80;
	s19 =	sor.u32 $0x310, s22;
	v1 =	vadd.f32 v5, v1;
	s18 =	sor.u32 $0x320, s22;
	v5 =	vld [tilespmem:s23+$0x0];
	v2 =	vadd.f32 v7, v2;
	v7 =	vmov v3  }
.LBB2_61:
0x16f: {  	s22 =	simm.s32 $0x1  }
0x170: {  	p5 =	sne.s32 s20, $0x7C0;
	s20 =	sadd.s32 $0x40, s20;
	v8 =	vld [tilespmem:s19+$0x0];
	v7 =	vadd.f32 v6, v7;
	s22 =	simm.s32 @!p4 $0x0  }
.Ltmp32:
0x171: {  	s21 =	sadd.s32 $0x200, s21;
	s19 =	sshll.u32 s22, $0x6;
	v6 =	vld [tilespmem:s18+$0x0];
	(pc) =	sbr.rel @p5 .LBB2_61-.Ltmp32, $4  }
0x172: {  	s18 =	sadd.s32 s19, s21  }
0x173: {  	v0 =	vadd.f32 v4, v0;
	s22 =	sor.u32 $0x300, s18;
	s19 =	sor.u32 $0x310, s18;
	s23 =	sor.u32 $0x330, s18  }
0x174: {  	s18 =	sor.u32 $0x320, s18;
	v1 =	vadd.f32 v5, v1;
	v4 =	vld [tilespmem:s23+$0x0]  }
0x175: {  	p4 =	por !p4, !p4;
	v2 =	vadd.f32 v8, v2;
	v5 =	vld [tilespmem:s22+$0x0]  }
.LBB2_62:
0x176: {  	v8 =	vld [tilespmem:s19+$0x0]  }
0x177: {  	v9 =	vld [tilespmem:s18+$0x0]  }
.Ltmp33:
0x178: {  	_ = 	snop;
	(pc) =	sbr.rel @!p2 .LBB2_63-.Ltmp33, $4  }
0x179: {  	v6 =	vadd.f32 @p3 v6, v7  }
0x17a: {  	s30 =	sor.u32 $0x3B0, s17  }
0x17b: {  	s31 =	sor.u32 $0x380, s17;
	v3 =	vpsel p3, v6, v3;
	v0 =	vadd.f32 v4, v0;
	v4 =	vld [tilespmem:s30+$0x0];
	v1 =	vadd.f32 v5, v1  }
0x17c: {  	s18 =	sor.u32 $0x390, s17;
	s17 =	sor.u32 $0x3A0, s17;
	v5 =	vld [tilespmem:s31+$0x0];
	v2 =	vadd.f32 v8, v2;
	v3 =	vadd.f32 v9, v3  }
0x17d: {  	s19 =	simm.s32 $0x1  }
0x17e: {  	v7 =	vld [tilespmem:s18+$0x0];
	p2 =	por $0x1, $0x1;
	s19 =	simm.s32 @!p1 $0x0  }
.Ltmp34:
0x17f: {  	s30 =	sshll.u32 s19, $0x6;
	(pc) =	sbr.rel @!p2 .LBB2_65-.Ltmp34, $4  }
0x180: {  	v6 =	vld [tilespmem:s17+$0x0];
	s21 =	sadd.s32 $0x200, s30  }
0x181: {  	s20 =	simm.s32 $0x200;
	s31 =	sor.u32 $0x3B0, s21  }
0x182: {  	p0 =	por $0x1, $0x1;
	p1 =	por !p1, !p1;
	v0 =	vadd.f32 v4, v0;
	s22 =	sor.u32 $0x380, s21;
	v4 =	vld [tilespmem:s31+$0x0]  }
0x183: {  	s19 =	simm.s32 $0x80;
	s18 =	sor.u32 $0x390, s21;
	v1 =	vadd.f32 v5, v1;
	s17 =	sor.u32 $0x3A0, s21;
	v5 =	vld [tilespmem:s22+$0x0];
	v2 =	vadd.f32 v7, v2;
	v7 =	vmov v3  }
.LBB2_66:
0x184: {  	s21 =	simm.s32 $0x1  }
0x185: {  	p2 =	sne.s32 s19, $0x7C0;
	s19 =	sadd.s32 $0x40, s19;
	v8 =	vld [tilespmem:s18+$0x0];
	v7 =	vadd.f32 v6, v7;
	s21 =	simm.s32 @!p1 $0x0  }
.Ltmp35:
0x186: {  	s20 =	sadd.s32 $0x200, s20;
	s18 =	sshll.u32 s21, $0x6;
	v6 =	vld [tilespmem:s17+$0x0];
	(pc) =	sbr.rel @p2 .LBB2_66-.Ltmp35, $4  }
0x187: {  	s17 =	sadd.s32 s18, s20  }
0x188: {  	v0 =	vadd.f32 v4, v0;
	s21 =	sor.u32 $0x380, s17;
	s18 =	sor.u32 $0x390, s17;
	s22 =	sor.u32 $0x3B0, s17  }
0x189: {  	s17 =	sor.u32 $0x3A0, s17;
	v1 =	vadd.f32 v5, v1;
	v4 =	vld [tilespmem:s22+$0x0]  }
0x18a: {  	p1 =	por !p1, !p1;
	v2 =	vadd.f32 v8, v2;
	v5 =	vld [tilespmem:s21+$0x0]  }
.LBB2_67:
0x18b: {  	v9 =	vld [tilespmem:s17+$0x0];
	s17 =	simm.s32 $0x0  }
0x18c: {  	v8 =	vld [tilespmem:s18+$0x0];
	[tilespmem:s17], [sflag:$0x1] =	stream.linear.gather [hbm4b:s7+s17], $0x4000, $0x38  }
0x18d: {  	_ =	swait.ge [sflag:s13], $0x4000  }
0x18e: {  	s18 =	sand.u32 $0x40, s17;
	s19 =	sand.u32 $0x3C00, s17;
	[sflag:s13] =	ssyncset.done $0x0  }
0x18f: {  	v7 =	vadd.f32 @p0 v6, v7;
	s20 =	sor.u32 s18, s19;
	[sflag:s13] =	ssyncadd.s32 $0xFFFFC000  }
0x190: {  	v6 =	vld [tilespmem:s20+$0x4030]  }
0x191: {  	v3 =	vpsel p0, v7, v3;
	v0 =	vadd.f32 v4, v0;
	v1 =	vadd.f32 v5, v1;
	v5 =	vld [tilespmem:s20+$0x4000]  }
0x192: {  	s21 =	simm.s32 $0x40;
	s22 =	simm.s32 $0x0;
	v2 =	vadd.f32 v8, v2;
	v3 =	vadd.f32 v9, v3;
	v7 =	vld [tilespmem:s20+$0x4010]  }
.LBB2_68:
0x193: {  	s23 =	sand.u32 $0x40, s21;
	v4 =	vld [tilespmem:s20+$0x4020];
	s22 =	sadd.s32 $0x200, s22;
	p0 =	sne.s32 s21, $0x7C0  }
.Ltmp36:
0x194: {  	s21 =	sadd.s32 $0x40, s21;
	s20 =	sand.u32 $0x3C00, s22;
	(pc) =	sbr.rel @p0 .LBB2_68-.Ltmp36, $4  }
0x195: {  	s20 =	sor.u32 s23, s20;
	v0 =	vadd.f32 v6, v0  }
0x196: {  	v6 =	vld [tilespmem:s20+$0x4030];
	v1 =	vadd.f32 v5, v1  }
0x197: {  	v5 =	vld [tilespmem:s20+$0x4000];
	v2 =	vadd.f32 v7, v2  }
0x198: {  	v7 =	vld [tilespmem:s20+$0x4010];
	v3 =	vadd.f32 v4, v3  }
0x199: {  	v8 =	vld [tilespmem:s20+$0x4020];
	_ =	sdelay $0x1  }
0x19a: {  	s18 =	sor.u32 s18, s19  }
0x19b: {  	v4 =	vld [tilespmem:s18+$0x40B0]  }
0x19c: {  	v0 =	vadd.f32 v6, v0;
	v1 =	vadd.f32 v5, v1;
	v5 =	vld [tilespmem:s18+$0x4080]  }
0x19d: {  	s19 =	simm.s32 $0x40;
	v6 =	vld [tilespmem:s18+$0x4090];
	v2 =	vadd.f32 v7, v2;
	v3 =	vadd.f32 v8, v3  }
.LBB2_70:
0x19e: {  	s20 =	sand.u32 $0x40, s19;
	v7 =	vld [tilespmem:s18+$0x40A0];
	s17 =	sadd.s32 $0x200, s17;
	p0 =	sne.s32 s19, $0x7C0  }
.Ltmp37:
0x19f: {  	s19 =	sadd.s32 $0x40, s19;
	s18 =	sand.u32 $0x3C00, s17;
	(pc) =	sbr.rel @p0 .LBB2_70-.Ltmp37, $4  }
0x1a0: {  	s18 =	sor.u32 s20, s18;
	v0 =	vadd.f32 v4, v0  }
0x1a1: {  	v4 =	vld [tilespmem:s18+$0x40B0];
	v1 =	vadd.f32 v5, v1  }
0x1a2: {  	v5 =	vld [tilespmem:s18+$0x4080];
	v2 =	vadd.f32 v6, v2  }
0x1a3: {  	v6 =	vld [tilespmem:s18+$0x4090];
	v3 =	vadd.f32 v7, v3  }
0x1a4: {  	v8 =	vld [tilespmem:s18+$0x40A0];
	s17 =	simm.s32 $0x0  }
0x1a5: {  	s18 =	sand.u32 $0x40, s17;
	s19 =	sand.u32 $0x3C00, s17  }
0x1a6: {  	s20 =	sor.u32 s18, s19  }
0x1a7: {  	v7 =	vld [tilespmem:s20+$0x4130]  }
0x1a8: {  	v0 =	vadd.f32 v4, v0;
	v1 =	vadd.f32 v5, v1;
	v5 =	vld [tilespmem:s20+$0x4100]  }
0x1a9: {  	s21 =	simm.s32 $0x40;
	s22 =	simm.s32 $0x0;
	v2 =	vadd.f32 v6, v2;
	v6 =	vadd.f32 v8, v3;
	v8 =	vld [tilespmem:s20+$0x4110]  }
.LBB2_72:
0x1aa: {  	s23 =	sand.u32 $0x40, s21;
	v3 =	vld [tilespmem:s20+$0x4120];
	s22 =	sadd.s32 $0x200, s22;
	p0 =	sne.s32 s21, $0x7C0  }
.Ltmp38:
0x1ab: {  	s21 =	sadd.s32 $0x40, s21;
	s20 =	sand.u32 $0x3C00, s22;
	(pc) =	sbr.rel @p0 .LBB2_72-.Ltmp38, $4  }
0x1ac: {  	s20 =	sor.u32 s23, s20;
	v0 =	vadd.f32 v7, v0  }
0x1ad: {  	v7 =	vld [tilespmem:s20+$0x4130];
	v1 =	vadd.f32 v5, v1  }
0x1ae: {  	v5 =	vld [tilespmem:s20+$0x4100];
	v2 =	vadd.f32 v8, v2  }
0x1af: {  	v8 =	vld [tilespmem:s20+$0x4110];
	v6 =	vadd.f32 v3, v6  }
0x1b0: {  	v9 =	vld [tilespmem:s20+$0x4120];
	_ =	sdelay $0x1  }
0x1b1: {  	s18 =	sor.u32 s18, s19  }
0x1b2: {  	v4 =	vld [tilespmem:s18+$0x41B0]  }
0x1b3: {  	v3 =	vadd.f32 v7, v0;
	v1 =	vadd.f32 v5, v1;
	v5 =	vld [tilespmem:s18+$0x4180]  }
0x1b4: {  	s19 =	simm.s32 $0x40;
	v2 =	vadd.f32 v8, v2;
	v0 =	vadd.f32 v9, v6;
	v6 =	vld [tilespmem:s18+$0x4190]  }
.LBB2_74:
0x1b5: {  	s20 =	sand.u32 $0x40, s19;
	v7 =	vld [tilespmem:s18+$0x41A0];
	s17 =	sadd.s32 $0x200, s17;
	p0 =	sne.s32 s19, $0x7C0  }
.Ltmp39:
0x1b6: {  	s19 =	sadd.s32 $0x40, s19;
	s18 =	sand.u32 $0x3C00, s17;
	(pc) =	sbr.rel @p0 .LBB2_74-.Ltmp39, $4  }
0x1b7: {  	s18 =	sor.u32 s20, s18;
	v3 =	vadd.f32 v4, v3  }
0x1b8: {  	v4 =	vld [tilespmem:s18+$0x41B0];
	v1 =	vadd.f32 v5, v1  }
0x1b9: {  	v5 =	vld [tilespmem:s18+$0x4180];
	v2 =	vadd.f32 v6, v2  }
0x1ba: {  	v6 =	vld [tilespmem:s18+$0x4190];
	v0 =	vadd.f32 v7, v0  }
0x1bb: {  	p0 =	por $0x0, $0x0;
	s17 =	simm.s32 $0x1  }
0x1bc: {  	s17 =	simm.s32 @!p0 $0x0  }
0x1bd: {  	s17 =	sshll.u32 s17, $0x6  }
0x1be: {  	s17 =	sadd.s32 $0x0, s17  }
0x1bf: {  	v7 =	vld [tilespmem:s18+$0x41A0];
	s29 =	sor.u32 $0x230, s17  }
0x1c0: {  	s19 =	sor.u32 $0x200, s17;
	v8 =	vld [tilespmem:s29+$0x4000]  }
0x1c1: {  	p0 =	por !p0, !p0;
	s30 =	sor.u32 $0x210, s17;
	v9 =	vld [tilespmem:s19+$0x4000];
	s19 =	simm.s32 $0x1  }
0x1c2: {  	v10 =	vld [tilespmem:s30+$0x4000];
	s19 =	simm.s32 @!p0 $0x0  }
0x1c3: {  	s31 =	sor.u32 $0x220, s17;
	s18 =	sshll.u32 s19, $0x6  }
0x1c4: {  	v3 =	vadd.f32 v4, v3;
	v4 =	vadd.f32 v5, v1;
	v1 =	vld [tilespmem:s31+$0x4000];
	s22 =	sadd.s32 $0x200, s18  }
0x1c5: {  	v11 =	vadd.f32 v6, v2;
	s21 =	sor.u32 $0x230, s22  }
0x1c6: {  	s20 =	simm.s32 $0x200;
	p1 =	por !p0, !p0;
	v0 =	vadd.f32 v7, v0;
	s23 =	sor.u32 $0x200, s22;
	v2 =	vadd.f32 v8, v3;
	v5 =	vld [tilespmem:s21+$0x4000]  }
0x1c7: {  	s19 =	simm.s32 $0x80;
	s21 =	sor.u32 $0x210, s22;
	s22 =	sor.u32 $0x220, s22;
	v3 =	vadd.f32 v9, v4;
	v6 =	vld [tilespmem:s23+$0x4000];
	v4 =	vadd.f32 v10, v11  }
.LBB2_76:
0x1c8: {  	s23 =	simm.s32 $0x1  }
0x1c9: {  	p2 =	sne.s32 s19, $0x7C0;
	s19 =	sadd.s32 $0x40, s19;
	v7 =	vld [tilespmem:s21+$0x4000];
	v0 =	vadd.f32 v1, v0;
	s23 =	simm.s32 @!p1 $0x0  }
.Ltmp40:
0x1ca: {  	s20 =	sadd.s32 $0x200, s20;
	s21 =	sshll.u32 s23, $0x6;
	v1 =	vld [tilespmem:s22+$0x4000];
	(pc) =	sbr.rel @p2 .LBB2_76-.Ltmp40, $4  }
0x1cb: {  	s22 =	sadd.s32 s21, s20  }
0x1cc: {  	v2 =	vadd.f32 v5, v2;
	s23 =	sor.u32 $0x200, s22;
	s21 =	sor.u32 $0x210, s22;
	s24 =	sor.u32 $0x230, s22  }
0x1cd: {  	s22 =	sor.u32 $0x220, s22;
	v3 =	vadd.f32 v6, v3;
	v5 =	vld [tilespmem:s24+$0x4000]  }
0x1ce: {  	p1 =	por !p1, !p1;
	v4 =	vadd.f32 v7, v4;
	v6 =	vld [tilespmem:s23+$0x4000]  }
0x1cf: {  	v7 =	vld [tilespmem:s21+$0x4000]  }
0x1d0: {  	v8 =	vld [tilespmem:s22+$0x4000];
	s19 =	sor.u32 $0x2B0, s17  }
0x1d1: {  	s20 =	sor.u32 $0x280, s17;
	v9 =	vld [tilespmem:s19+$0x4000]  }
0x1d2: {  	s26 =	sor.u32 $0x290, s17;
	v10 =	vld [tilespmem:s20+$0x4000]  }
0x1d3: {  	v11 =	vld [tilespmem:s26+$0x4000]  }
0x1d4: {  	s28 =	sor.u32 $0x2A0, s17  }
0x1d5: {  	v0 =	vadd.f32 v1, v0;
	s29 =	sadd.s32 $0x200, s18;
	v1 =	vld [tilespmem:s28+$0x4000];
	v2 =	vadd.f32 v5, v2  }
0x1d6: {  	s30 =	sor.u32 $0x2B0, s29;
	v3 =	vadd.f32 v6, v3;
	v7 =	vadd.f32 v7, v4  }
0x1d7: {  	s17 =	simm.s32 $0x80;
	s18 =	simm.s32 $0x200;
	s31 =	sor.u32 $0x280, s29;
	v5 =	vld [tilespmem:s30+$0x4000];
	v0 =	vadd.f32 v8, v0;
	v2 =	vadd.f32 v9, v2  }
0x1d8: {  	p0 =	por !p0, !p0;
	s20 =	sor.u32 $0x290, s29;
	s19 =	sor.u32 $0x2A0, s29;
	v6 =	vld [tilespmem:s31+$0x4000];
	v4 =	vadd.f32 v10, v3;
	v3 =	vadd.f32 v11, v7  }
.LBB2_78:
0x1d9: {  	s21 =	simm.s32 $0x1  }
0x1da: {  	p1 =	sne.s32 s17, $0x7C0;
	s17 =	sadd.s32 $0x40, s17;
	v7 =	vld [tilespmem:s20+$0x4000];
	v0 =	vadd.f32 v1, v0;
	s21 =	simm.s32 @!p0 $0x0  }
.Ltmp41:
0x1db: {  	s18 =	sadd.s32 $0x200, s18;
	s20 =	sshll.u32 s21, $0x6;
	v1 =	vld [tilespmem:s19+$0x4000];
	(pc) =	sbr.rel @p1 .LBB2_78-.Ltmp41, $4  }
0x1dc: {  	s19 =	sadd.s32 s20, s18  }
0x1dd: {  	v2 =	vadd.f32 v5, v2;
	s21 =	sor.u32 $0x280, s19;
	s20 =	sor.u32 $0x290, s19;
	s22 =	sor.u32 $0x2B0, s19  }
0x1de: {  	s19 =	sor.u32 $0x2A0, s19;
	v4 =	vadd.f32 v6, v4;
	v5 =	vld [tilespmem:s22+$0x4000]  }
0x1df: {  	p0 =	por !p0, !p0;
	v3 =	vadd.f32 v7, v3;
	v6 =	vld [tilespmem:s21+$0x4000]  }
0x1e0: {  	v7 =	vld [tilespmem:s20+$0x4000];
	p0 =	por $0x0, $0x0;
	s17 =	simm.s32 $0x1  }
0x1e1: {  	v8 =	vld [tilespmem:s19+$0x4000];
	p2 =	por $0x1, $0x1;
	s17 =	simm.s32 @!p0 $0x0  }
.Ltmp42:
0x1e2: {  	s17 =	sshll.u32 s17, $0x6;
	(pc) =	sbr.rel @!p2 .LBB2_80-.Ltmp42, $4  }
0x1e3: {  	s17 =	sadd.s32 $0x0, s17  }
0x1e4: {  	v9 =	vadd.f32 v1, v0;
	s18 =	sor.u32 $0x330, s17  }
0x1e5: {  	v0 =	vadd.f32 v5, v2;
	v1 =	vadd.f32 v6, v4;
	s31 =	sor.u32 $0x300, s17;
	v4 =	vld [tilespmem:s18+$0x4000]  }
0x1e6: {  	p1 =	por !p0, !p0;
	s19 =	sor.u32 $0x310, s17;
	v2 =	vadd.f32 v7, v3;
	v3 =	vadd.f32 v8, v9;
	s18 =	sor.u32 $0x320, s17;
	v5 =	vld [tilespmem:s31+$0x4000]  }
0x1e7: {  	s20 =	simm.s32 $0x1  }
0x1e8: {  	v7 =	vld [tilespmem:s19+$0x4000];
	p5 =	por $0x1, $0x1;
	s20 =	simm.s32 @!p1 $0x0  }
.Ltmp43:
0x1e9: {  	s30 =	sshll.u32 s20, $0x6;
	(pc) =	sbr.rel @!p5 .LBB2_82-.Ltmp43, $4  }
0x1ea: {  	v6 =	vld [tilespmem:s18+$0x4000];
	s22 =	sadd.s32 $0x200, s30  }
0x1eb: {  	s21 =	simm.s32 $0x200;
	s31 =	sor.u32 $0x330, s22  }
0x1ec: {  	p4 =	por !p1, !p1;
	p3 =	por $0x1, $0x1;
	v0 =	vadd.f32 v4, v0;
	s23 =	sor.u32 $0x300, s22;
	v4 =	vld [tilespmem:s31+$0x4000]  }
0x1ed: {  	s20 =	simm.s32 $0x80;
	s19 =	sor.u32 $0x310, s22;
	v1 =	vadd.f32 v5, v1;
	s18 =	sor.u32 $0x320, s22;
	v5 =	vld [tilespmem:s23+$0x4000];
	v2 =	vadd.f32 v7, v2;
	v7 =	vmov v3  }
.LBB2_83:
0x1ee: {  	s22 =	simm.s32 $0x1  }
0x1ef: {  	p5 =	sne.s32 s20, $0x7C0;
	s20 =	sadd.s32 $0x40, s20;
	v8 =	vld [tilespmem:s19+$0x4000];
	v7 =	vadd.f32 v6, v7;
	s22 =	simm.s32 @!p4 $0x0  }
.Ltmp44:
0x1f0: {  	s21 =	sadd.s32 $0x200, s21;
	s19 =	sshll.u32 s22, $0x6;
	v6 =	vld [tilespmem:s18+$0x4000];
	(pc) =	sbr.rel @p5 .LBB2_83-.Ltmp44, $4  }
0x1f1: {  	s18 =	sadd.s32 s19, s21  }
0x1f2: {  	v0 =	vadd.f32 v4, v0;
	s22 =	sor.u32 $0x300, s18;
	s19 =	sor.u32 $0x310, s18;
	s23 =	sor.u32 $0x330, s18  }
0x1f3: {  	s18 =	sor.u32 $0x320, s18;
	v1 =	vadd.f32 v5, v1;
	v4 =	vld [tilespmem:s23+$0x4000]  }
0x1f4: {  	p4 =	por !p4, !p4;
	v2 =	vadd.f32 v8, v2;
	v5 =	vld [tilespmem:s22+$0x4000]  }
.LBB2_84:
0x1f5: {  	v8 =	vld [tilespmem:s19+$0x4000]  }
0x1f6: {  	v9 =	vld [tilespmem:s18+$0x4000]  }
.Ltmp45:
0x1f7: {  	_ = 	snop;
	(pc) =	sbr.rel @!p2 .LBB2_85-.Ltmp45, $4  }
0x1f8: {  	v6 =	vadd.f32 @p3 v6, v7  }
0x1f9: {  	s30 =	sor.u32 $0x3B0, s17  }
0x1fa: {  	s31 =	sor.u32 $0x380, s17;
	v3 =	vpsel p3, v6, v3;
	v0 =	vadd.f32 v4, v0;
	v4 =	vld [tilespmem:s30+$0x4000];
	v1 =	vadd.f32 v5, v1  }
0x1fb: {  	s18 =	sor.u32 $0x390, s17;
	s17 =	sor.u32 $0x3A0, s17;
	v5 =	vld [tilespmem:s31+$0x4000];
	v2 =	vadd.f32 v8, v2;
	v3 =	vadd.f32 v9, v3  }
0x1fc: {  	s19 =	simm.s32 $0x1  }
0x1fd: {  	v7 =	vld [tilespmem:s18+$0x4000];
	p2 =	por $0x1, $0x1;
	s19 =	simm.s32 @!p1 $0x0  }
.Ltmp46:
0x1fe: {  	s30 =	sshll.u32 s19, $0x6;
	(pc) =	sbr.rel @!p2 .LBB2_87-.Ltmp46, $4  }
0x1ff: {  	v6 =	vld [tilespmem:s17+$0x4000];
	s21 =	sadd.s32 $0x200, s30  }
0x200: {  	s20 =	simm.s32 $0x200;
	s31 =	sor.u32 $0x3B0, s21  }
0x201: {  	p0 =	por $0x1, $0x1;
	p1 =	por !p1, !p1;
	v0 =	vadd.f32 v4, v0;
	s22 =	sor.u32 $0x380, s21;
	v4 =	vld [tilespmem:s31+$0x4000]  }
0x202: {  	s19 =	simm.s32 $0x80;
	s18 =	sor.u32 $0x390, s21;
	v1 =	vadd.f32 v5, v1;
	s17 =	sor.u32 $0x3A0, s21;
	v5 =	vld [tilespmem:s22+$0x4000];
	v2 =	vadd.f32 v7, v2;
	v7 =	vmov v3  }
.LBB2_88:
0x203: {  	s21 =	simm.s32 $0x1  }
0x204: {  	p2 =	sne.s32 s19, $0x7C0;
	s19 =	sadd.s32 $0x40, s19;
	v8 =	vld [tilespmem:s18+$0x4000];
	v7 =	vadd.f32 v6, v7;
	s21 =	simm.s32 @!p1 $0x0  }
.Ltmp47:
0x205: {  	s20 =	sadd.s32 $0x200, s20;
	s18 =	sshll.u32 s21, $0x6;
	v6 =	vld [tilespmem:s17+$0x4000];
	(pc) =	sbr.rel @p2 .LBB2_88-.Ltmp47, $4  }
0x206: {  	s17 =	sadd.s32 s18, s20  }
0x207: {  	v0 =	vadd.f32 v4, v0;
	s21 =	sor.u32 $0x380, s17;
	s18 =	sor.u32 $0x390, s17;
	s22 =	sor.u32 $0x3B0, s17  }
0x208: {  	s17 =	sor.u32 $0x3A0, s17;
	v1 =	vadd.f32 v5, v1;
	v4 =	vld [tilespmem:s22+$0x4000]  }
0x209: {  	p1 =	por !p1, !p1;
	v2 =	vadd.f32 v8, v2;
	v5 =	vld [tilespmem:s21+$0x4000]  }
.LBB2_89:
0x20a: {  	v9 =	vld [tilespmem:s17+$0x4000];
	s17 =	simm.s32 $0x0  }
0x20b: {  	v8 =	vld [tilespmem:s18+$0x4000];
	[tilespmem:s11], [sflag:$0x2] =	stream.linear.gather [hbm4b:s8+s17], $0x4000, $0x38  }
0x20c: {  	_ =	swait.ge [sflag:s12], $0x4000  }
0x20d: {  	s18 =	sand.u32 $0x40, s17;
	s19 =	sand.u32 $0x3C00, s17;
	[sflag:s12] =	ssyncset.done $0x0  }
0x20e: {  	v7 =	vadd.f32 @p0 v6, v7;
	s20 =	sor.u32 s18, s19;
	[sflag:s12] =	ssyncadd.s32 $0xFFFFC000  }
0x20f: {  	v6 =	vld [tilespmem:s20+$0x30]  }
0x210: {  	v3 =	vpsel p0, v7, v3;
	v0 =	vadd.f32 v4, v0;
	v1 =	vadd.f32 v5, v1;
	v5 =	vld [tilespmem:s20+$0x0]  }
0x211: {  	s21 =	simm.s32 $0x40;
	s22 =	simm.s32 $0x0;
	v2 =	vadd.f32 v8, v2;
	v3 =	vadd.f32 v9, v3;
	v7 =	vld [tilespmem:s20+$0x10]  }
.LBB2_90:
0x212: {  	s23 =	sand.u32 $0x40, s21;
	v4 =	vld [tilespmem:s20+$0x20];
	s22 =	sadd.s32 $0x200, s22;
	p0 =	sne.s32 s21, $0x7C0  }
.Ltmp48:
0x213: {  	s21 =	sadd.s32 $0x40, s21;
	s20 =	sand.u32 $0x3C00, s22;
	(pc) =	sbr.rel @p0 .LBB2_90-.Ltmp48, $4  }
0x214: {  	s20 =	sor.u32 s23, s20;
	v0 =	vadd.f32 v6, v0  }
0x215: {  	v6 =	vld [tilespmem:s20+$0x30];
	v1 =	vadd.f32 v5, v1  }
0x216: {  	v5 =	vld [tilespmem:s20+$0x0];
	v2 =	vadd.f32 v7, v2  }
0x217: {  	v7 =	vld [tilespmem:s20+$0x10];
	v3 =	vadd.f32 v4, v3  }
0x218: {  	v8 =	vld [tilespmem:s20+$0x20];
	_ =	sdelay $0x1  }
0x219: {  	s18 =	sor.u32 s18, s19  }
0x21a: {  	v4 =	vld [tilespmem:s18+$0xB0]  }
0x21b: {  	v0 =	vadd.f32 v6, v0;
	v1 =	vadd.f32 v5, v1;
	v5 =	vld [tilespmem:s18+$0x80]  }
0x21c: {  	s19 =	simm.s32 $0x40;
	v6 =	vld [tilespmem:s18+$0x90];
	v2 =	vadd.f32 v7, v2;
	v3 =	vadd.f32 v8, v3  }
.LBB2_92:
0x21d: {  	s20 =	sand.u32 $0x40, s19;
	v7 =	vld [tilespmem:s18+$0xA0];
	s17 =	sadd.s32 $0x200, s17;
	p0 =	sne.s32 s19, $0x7C0  }
.Ltmp49:
0x21e: {  	s19 =	sadd.s32 $0x40, s19;
	s18 =	sand.u32 $0x3C00, s17;
	(pc) =	sbr.rel @p0 .LBB2_92-.Ltmp49, $4  }
0x21f: {  	s18 =	sor.u32 s20, s18;
	v0 =	vadd.f32 v4, v0  }
0x220: {  	v4 =	vld [tilespmem:s18+$0xB0];
	v1 =	vadd.f32 v5, v1  }
0x221: {  	v5 =	vld [tilespmem:s18+$0x80];
	v2 =	vadd.f32 v6, v2  }
0x222: {  	v6 =	vld [tilespmem:s18+$0x90];
	v3 =	vadd.f32 v7, v3  }
0x223: {  	v8 =	vld [tilespmem:s18+$0xA0];
	s17 =	simm.s32 $0x0  }
0x224: {  	s18 =	sand.u32 $0x40, s17;
	s19 =	sand.u32 $0x3C00, s17  }
0x225: {  	s20 =	sor.u32 s18, s19  }
0x226: {  	v7 =	vld [tilespmem:s20+$0x130]  }
0x227: {  	v0 =	vadd.f32 v4, v0;
	v1 =	vadd.f32 v5, v1;
	v5 =	vld [tilespmem:s20+$0x100]  }
0x228: {  	s21 =	simm.s32 $0x40;
	s22 =	simm.s32 $0x0;
	v2 =	vadd.f32 v6, v2;
	v6 =	vadd.f32 v8, v3;
	v8 =	vld [tilespmem:s20+$0x110]  }
.LBB2_94:
0x229: {  	s23 =	sand.u32 $0x40, s21;
	v3 =	vld [tilespmem:s20+$0x120];
	s22 =	sadd.s32 $0x200, s22;
	p0 =	sne.s32 s21, $0x7C0  }
.Ltmp50:
0x22a: {  	s21 =	sadd.s32 $0x40, s21;
	s20 =	sand.u32 $0x3C00, s22;
	(pc) =	sbr.rel @p0 .LBB2_94-.Ltmp50, $4  }
0x22b: {  	s20 =	sor.u32 s23, s20;
	v0 =	vadd.f32 v7, v0  }
0x22c: {  	v7 =	vld [tilespmem:s20+$0x130];
	v1 =	vadd.f32 v5, v1  }
0x22d: {  	v5 =	vld [tilespmem:s20+$0x100];
	v2 =	vadd.f32 v8, v2  }
0x22e: {  	v8 =	vld [tilespmem:s20+$0x110];
	v6 =	vadd.f32 v3, v6  }
0x22f: {  	v9 =	vld [tilespmem:s20+$0x120];
	_ =	sdelay $0x1  }
0x230: {  	s18 =	sor.u32 s18, s19  }
0x231: {  	v4 =	vld [tilespmem:s18+$0x1B0]  }
0x232: {  	v3 =	vadd.f32 v7, v0;
	v1 =	vadd.f32 v5, v1;
	v5 =	vld [tilespmem:s18+$0x180]  }
0x233: {  	s19 =	simm.s32 $0x40;
	v2 =	vadd.f32 v8, v2;
	v0 =	vadd.f32 v9, v6;
	v6 =	vld [tilespmem:s18+$0x190]  }
.LBB2_96:
0x234: {  	s20 =	sand.u32 $0x40, s19;
	v7 =	vld [tilespmem:s18+$0x1A0];
	s17 =	sadd.s32 $0x200, s17;
	p0 =	sne.s32 s19, $0x7C0  }
.Ltmp51:
0x235: {  	s19 =	sadd.s32 $0x40, s19;
	s18 =	sand.u32 $0x3C00, s17;
	(pc) =	sbr.rel @p0 .LBB2_96-.Ltmp51, $4  }
0x236: {  	s18 =	sor.u32 s20, s18;
	v3 =	vadd.f32 v4, v3  }
0x237: {  	v4 =	vld [tilespmem:s18+$0x1B0];
	v1 =	vadd.f32 v5, v1  }
0x238: {  	v5 =	vld [tilespmem:s18+$0x180];
	v2 =	vadd.f32 v6, v2  }
0x239: {  	v6 =	vld [tilespmem:s18+$0x190];
	v0 =	vadd.f32 v7, v0  }
0x23a: {  	p0 =	por $0x0, $0x0;
	s17 =	simm.s32 $0x1  }
0x23b: {  	s17 =	simm.s32 @!p0 $0x0  }
0x23c: {  	s17 =	sshll.u32 s17, $0x6  }
0x23d: {  	s17 =	sadd.s32 $0x0, s17  }
0x23e: {  	v7 =	vld [tilespmem:s18+$0x1A0];
	s29 =	sor.u32 $0x230, s17  }
0x23f: {  	s19 =	sor.u32 $0x200, s17;
	v8 =	vld [tilespmem:s29+$0x0]  }
0x240: {  	p0 =	por !p0, !p0;
	s30 =	sor.u32 $0x210, s17;
	v9 =	vld [tilespmem:s19+$0x0];
	s19 =	simm.s32 $0x1  }
0x241: {  	v10 =	vld [tilespmem:s30+$0x0];
	s19 =	simm.s32 @!p0 $0x0  }
0x242: {  	s31 =	sor.u32 $0x220, s17;
	s18 =	sshll.u32 s19, $0x6  }
0x243: {  	v3 =	vadd.f32 v4, v3;
	v4 =	vadd.f32 v5, v1;
	v1 =	vld [tilespmem:s31+$0x0];
	s22 =	sadd.s32 $0x200, s18  }
0x244: {  	v11 =	vadd.f32 v6, v2;
	s21 =	sor.u32 $0x230, s22  }
0x245: {  	s20 =	simm.s32 $0x200;
	p1 =	por !p0, !p0;
	v0 =	vadd.f32 v7, v0;
	s23 =	sor.u32 $0x200, s22;
	v2 =	vadd.f32 v8, v3;
	v5 =	vld [tilespmem:s21+$0x0]  }
0x246: {  	s19 =	simm.s32 $0x80;
	s21 =	sor.u32 $0x210, s22;
	s22 =	sor.u32 $0x220, s22;
	v3 =	vadd.f32 v9, v4;
	v6 =	vld [tilespmem:s23+$0x0];
	v4 =	vadd.f32 v10, v11  }
.LBB2_98:
0x247: {  	s23 =	simm.s32 $0x1  }
0x248: {  	p2 =	sne.s32 s19, $0x7C0;
	s19 =	sadd.s32 $0x40, s19;
	v7 =	vld [tilespmem:s21+$0x0];
	v0 =	vadd.f32 v1, v0;
	s23 =	simm.s32 @!p1 $0x0  }
.Ltmp52:
0x249: {  	s20 =	sadd.s32 $0x200, s20;
	s21 =	sshll.u32 s23, $0x6;
	v1 =	vld [tilespmem:s22+$0x0];
	(pc) =	sbr.rel @p2 .LBB2_98-.Ltmp52, $4  }
0x24a: {  	s22 =	sadd.s32 s21, s20  }
0x24b: {  	v2 =	vadd.f32 v5, v2;
	s23 =	sor.u32 $0x200, s22;
	s21 =	sor.u32 $0x210, s22;
	s24 =	sor.u32 $0x230, s22  }
0x24c: {  	s22 =	sor.u32 $0x220, s22;
	v3 =	vadd.f32 v6, v3;
	v5 =	vld [tilespmem:s24+$0x0]  }
0x24d: {  	p1 =	por !p1, !p1;
	v4 =	vadd.f32 v7, v4;
	v6 =	vld [tilespmem:s23+$0x0]  }
0x24e: {  	v7 =	vld [tilespmem:s21+$0x0]  }
0x24f: {  	v8 =	vld [tilespmem:s22+$0x0];
	s19 =	sor.u32 $0x2B0, s17  }
0x250: {  	s20 =	sor.u32 $0x280, s17;
	v9 =	vld [tilespmem:s19+$0x0]  }
0x251: {  	s26 =	sor.u32 $0x290, s17;
	v10 =	vld [tilespmem:s20+$0x0]  }
0x252: {  	v11 =	vld [tilespmem:s26+$0x0]  }
0x253: {  	s28 =	sor.u32 $0x2A0, s17  }
0x254: {  	v0 =	vadd.f32 v1, v0;
	s29 =	sadd.s32 $0x200, s18;
	v1 =	vld [tilespmem:s28+$0x0];
	v2 =	vadd.f32 v5, v2  }
0x255: {  	s30 =	sor.u32 $0x2B0, s29;
	v3 =	vadd.f32 v6, v3;
	v7 =	vadd.f32 v7, v4  }
0x256: {  	s17 =	simm.s32 $0x80;
	s18 =	simm.s32 $0x200;
	s31 =	sor.u32 $0x280, s29;
	v5 =	vld [tilespmem:s30+$0x0];
	v0 =	vadd.f32 v8, v0;
	v2 =	vadd.f32 v9, v2  }
0x257: {  	p0 =	por !p0, !p0;
	s20 =	sor.u32 $0x290, s29;
	s19 =	sor.u32 $0x2A0, s29;
	v6 =	vld [tilespmem:s31+$0x0];
	v4 =	vadd.f32 v10, v3;
	v3 =	vadd.f32 v11, v7  }
.LBB2_100:
0x258: {  	s21 =	simm.s32 $0x1  }
0x259: {  	p1 =	sne.s32 s17, $0x7C0;
	s17 =	sadd.s32 $0x40, s17;
	v7 =	vld [tilespmem:s20+$0x0];
	v0 =	vadd.f32 v1, v0;
	s21 =	simm.s32 @!p0 $0x0  }
.Ltmp53:
0x25a: {  	s18 =	sadd.s32 $0x200, s18;
	s20 =	sshll.u32 s21, $0x6;
	v1 =	vld [tilespmem:s19+$0x0];
	(pc) =	sbr.rel @p1 .LBB2_100-.Ltmp53, $4  }
0x25b: {  	s19 =	sadd.s32 s20, s18  }
0x25c: {  	v2 =	vadd.f32 v5, v2;
	s21 =	sor.u32 $0x280, s19;
	s20 =	sor.u32 $0x290, s19;
	s22 =	sor.u32 $0x2B0, s19  }
0x25d: {  	s19 =	sor.u32 $0x2A0, s19;
	v4 =	vadd.f32 v6, v4;
	v5 =	vld [tilespmem:s22+$0x0]  }
0x25e: {  	p0 =	por !p0, !p0;
	v3 =	vadd.f32 v7, v3;
	v6 =	vld [tilespmem:s21+$0x0]  }
0x25f: {  	v7 =	vld [tilespmem:s20+$0x0];
	p0 =	por $0x0, $0x0;
	s17 =	simm.s32 $0x1  }
0x260: {  	v8 =	vld [tilespmem:s19+$0x0];
	p2 =	por $0x1, $0x1;
	s17 =	simm.s32 @!p0 $0x0  }
.Ltmp54:
0x261: {  	s17 =	sshll.u32 s17, $0x6;
	(pc) =	sbr.rel @!p2 .LBB2_102-.Ltmp54, $4  }
0x262: {  	s17 =	sadd.s32 $0x0, s17  }
0x263: {  	v9 =	vadd.f32 v1, v0;
	s18 =	sor.u32 $0x330, s17  }
0x264: {  	v0 =	vadd.f32 v5, v2;
	v1 =	vadd.f32 v6, v4;
	s31 =	sor.u32 $0x300, s17;
	v4 =	vld [tilespmem:s18+$0x0]  }
0x265: {  	p1 =	por !p0, !p0;
	s19 =	sor.u32 $0x310, s17;
	v2 =	vadd.f32 v7, v3;
	v3 =	vadd.f32 v8, v9;
	s18 =	sor.u32 $0x320, s17;
	v5 =	vld [tilespmem:s31+$0x0]  }
0x266: {  	s20 =	simm.s32 $0x1  }
0x267: {  	v7 =	vld [tilespmem:s19+$0x0];
	p5 =	por $0x1, $0x1;
	s20 =	simm.s32 @!p1 $0x0  }
.Ltmp55:
0x268: {  	s30 =	sshll.u32 s20, $0x6;
	(pc) =	sbr.rel @!p5 .LBB2_104-.Ltmp55, $4  }
0x269: {  	v6 =	vld [tilespmem:s18+$0x0];
	s22 =	sadd.s32 $0x200, s30  }
0x26a: {  	s21 =	simm.s32 $0x200;
	s31 =	sor.u32 $0x330, s22  }
0x26b: {  	p4 =	por !p1, !p1;
	p3 =	por $0x1, $0x1;
	v0 =	vadd.f32 v4, v0;
	s23 =	sor.u32 $0x300, s22;
	v4 =	vld [tilespmem:s31+$0x0]  }
0x26c: {  	s20 =	simm.s32 $0x80;
	s19 =	sor.u32 $0x310, s22;
	v1 =	vadd.f32 v5, v1;
	s18 =	sor.u32 $0x320, s22;
	v5 =	vld [tilespmem:s23+$0x0];
	v2 =	vadd.f32 v7, v2;
	v7 =	vmov v3  }
.LBB2_105:
0x26d: {  	s22 =	simm.s32 $0x1  }
0x26e: {  	p5 =	sne.s32 s20, $0x7C0;
	s20 =	sadd.s32 $0x40, s20;
	v8 =	vld [tilespmem:s19+$0x0];
	v7 =	vadd.f32 v6, v7;
	s22 =	simm.s32 @!p4 $0x0  }
.Ltmp56:
0x26f: {  	s21 =	sadd.s32 $0x200, s21;
	s19 =	sshll.u32 s22, $0x6;
	v6 =	vld [tilespmem:s18+$0x0];
	(pc) =	sbr.rel @p5 .LBB2_105-.Ltmp56, $4  }
0x270: {  	s18 =	sadd.s32 s19, s21  }
0x271: {  	v0 =	vadd.f32 v4, v0;
	s22 =	sor.u32 $0x300, s18;
	s19 =	sor.u32 $0x310, s18;
	s23 =	sor.u32 $0x330, s18  }
0x272: {  	s18 =	sor.u32 $0x320, s18;
	v1 =	vadd.f32 v5, v1;
	v4 =	vld [tilespmem:s23+$0x0]  }
0x273: {  	p4 =	por !p4, !p4;
	v2 =	vadd.f32 v8, v2;
	v5 =	vld [tilespmem:s22+$0x0]  }
.LBB2_106:
0x274: {  	v8 =	vld [tilespmem:s19+$0x0]  }
0x275: {  	v9 =	vld [tilespmem:s18+$0x0]  }
.Ltmp57:
0x276: {  	_ = 	snop;
	(pc) =	sbr.rel @!p2 .LBB2_107-.Ltmp57, $4  }
0x277: {  	v6 =	vadd.f32 @p3 v6, v7  }
0x278: {  	s30 =	sor.u32 $0x3B0, s17  }
0x279: {  	s31 =	sor.u32 $0x380, s17;
	v3 =	vpsel p3, v6, v3;
	v0 =	vadd.f32 v4, v0;
	v4 =	vld [tilespmem:s30+$0x0];
	v1 =	vadd.f32 v5, v1  }
0x27a: {  	s18 =	sor.u32 $0x390, s17;
	s17 =	sor.u32 $0x3A0, s17;
	v5 =	vld [tilespmem:s31+$0x0];
	v2 =	vadd.f32 v8, v2;
	v3 =	vadd.f32 v9, v3  }
0x27b: {  	s19 =	simm.s32 $0x1  }
0x27c: {  	v7 =	vld [tilespmem:s18+$0x0];
	p2 =	por $0x1, $0x1;
	s19 =	simm.s32 @!p1 $0x0  }
.Ltmp58:
0x27d: {  	s30 =	sshll.u32 s19, $0x6;
	(pc) =	sbr.rel @!p2 .LBB2_109-.Ltmp58, $4  }
0x27e: {  	v6 =	vld [tilespmem:s17+$0x0];
	s21 =	sadd.s32 $0x200, s30  }
0x27f: {  	s20 =	simm.s32 $0x200;
	s31 =	sor.u32 $0x3B0, s21  }
0x280: {  	p0 =	por $0x1, $0x1;
	p1 =	por !p1, !p1;
	v0 =	vadd.f32 v4, v0;
	s22 =	sor.u32 $0x380, s21;
	v4 =	vld [tilespmem:s31+$0x0]  }
0x281: {  	s19 =	simm.s32 $0x80;
	s18 =	sor.u32 $0x390, s21;
	v1 =	vadd.f32 v5, v1;
	s17 =	sor.u32 $0x3A0, s21;
	v5 =	vld [tilespmem:s22+$0x0];
	v2 =	vadd.f32 v7, v2;
	v7 =	vmov v3  }
.LBB2_110:
0x282: {  	s21 =	simm.s32 $0x1  }
0x283: {  	p2 =	sne.s32 s19, $0x7C0;
	s19 =	sadd.s32 $0x40, s19;
	v8 =	vld [tilespmem:s18+$0x0];
	v7 =	vadd.f32 v6, v7;
	s21 =	simm.s32 @!p1 $0x0  }
.Ltmp59:
0x284: {  	s20 =	sadd.s32 $0x200, s20;
	s18 =	sshll.u32 s21, $0x6;
	v6 =	vld [tilespmem:s17+$0x0];
	(pc) =	sbr.rel @p2 .LBB2_110-.Ltmp59, $4  }
0x285: {  	s17 =	sadd.s32 s18, s20  }
0x286: {  	v0 =	vadd.f32 v4, v0;
	s21 =	sor.u32 $0x380, s17;
	s18 =	sor.u32 $0x390, s17;
	s22 =	sor.u32 $0x3B0, s17  }
0x287: {  	s17 =	sor.u32 $0x3A0, s17;
	v1 =	vadd.f32 v5, v1;
	v4 =	vld [tilespmem:s22+$0x0]  }
0x288: {  	p1 =	por !p1, !p1;
	v2 =	vadd.f32 v8, v2;
	v5 =	vld [tilespmem:s21+$0x0]  }
.LBB2_111:
0x289: {  	v8 =	vld [tilespmem:s18+$0x0]  }
0x28a: {  	v9 =	vld [tilespmem:s17+$0x0];
	_ =	swait.ge [sflag:s13], $0x4000;
	s17 =	simm.s32 $0x0  }
0x28b: {  	[sflag:s13] =	ssyncset.done $0x0;
	s18 =	sand.u32 $0x40, s17;
	s19 =	sand.u32 $0x3C00, s17  }
0x28c: {  	v7 =	vadd.f32 @p0 v6, v7;
	[sflag:s13] =	ssyncadd.s32 $0xFFFFC000;
	s20 =	sor.u32 s18, s19  }
0x28d: {  	v6 =	vld [tilespmem:s20+$0x4030]  }
0x28e: {  	v3 =	vpsel p0, v7, v3;
	v0 =	vadd.f32 v4, v0;
	v1 =	vadd.f32 v5, v1;
	v5 =	vld [tilespmem:s20+$0x4000]  }
0x28f: {  	s21 =	simm.s32 $0x40;
	s22 =	simm.s32 $0x0;
	v7 =	vld [tilespmem:s20+$0x4010];
	v2 =	vadd.f32 v8, v2;
	v3 =	vadd.f32 v9, v3  }
.LBB2_112:
0x290: {  	s23 =	sand.u32 $0x40, s21;
	v4 =	vld [tilespmem:s20+$0x4020];
	s22 =	sadd.s32 $0x200, s22;
	p0 =	sne.s32 s21, $0x7C0  }
.Ltmp60:
0x291: {  	s21 =	sadd.s32 $0x40, s21;
	s20 =	sand.u32 $0x3C00, s22;
	(pc) =	sbr.rel @p0 .LBB2_112-.Ltmp60, $4  }
0x292: {  	s20 =	sor.u32 s23, s20;
	v0 =	vadd.f32 v6, v0  }
0x293: {  	v6 =	vld [tilespmem:s20+$0x4030];
	v1 =	vadd.f32 v5, v1  }
0x294: {  	v5 =	vld [tilespmem:s20+$0x4000];
	v2 =	vadd.f32 v7, v2  }
0x295: {  	v7 =	vld [tilespmem:s20+$0x4010];
	v3 =	vadd.f32 v4, v3  }
0x296: {  	v8 =	vld [tilespmem:s20+$0x4020];
	_ =	sdelay $0x1  }
0x297: {  	s18 =	sor.u32 s18, s19  }
0x298: {  	v4 =	vld [tilespmem:s18+$0x40B0]  }
0x299: {  	v0 =	vadd.f32 v6, v0;
	v1 =	vadd.f32 v5, v1;
	v5 =	vld [tilespmem:s18+$0x4080]  }
0x29a: {  	s19 =	simm.s32 $0x40;
	v6 =	vld [tilespmem:s18+$0x4090];
	v2 =	vadd.f32 v7, v2;
	v3 =	vadd.f32 v8, v3  }
.LBB2_114:
0x29b: {  	s20 =	sand.u32 $0x40, s19;
	v7 =	vld [tilespmem:s18+$0x40A0];
	s17 =	sadd.s32 $0x200, s17;
	p0 =	sne.s32 s19, $0x7C0  }
.Ltmp61:
0x29c: {  	s19 =	sadd.s32 $0x40, s19;
	s18 =	sand.u32 $0x3C00, s17;
	(pc) =	sbr.rel @p0 .LBB2_114-.Ltmp61, $4  }
0x29d: {  	s18 =	sor.u32 s20, s18;
	v0 =	vadd.f32 v4, v0  }
0x29e: {  	v4 =	vld [tilespmem:s18+$0x40B0];
	v1 =	vadd.f32 v5, v1  }
0x29f: {  	v5 =	vld [tilespmem:s18+$0x4080];
	v2 =	vadd.f32 v6, v2  }
0x2a0: {  	v6 =	vld [tilespmem:s18+$0x4090];
	v3 =	vadd.f32 v7, v3  }
0x2a1: {  	v8 =	vld [tilespmem:s18+$0x40A0];
	s17 =	simm.s32 $0x0  }
0x2a2: {  	s18 =	sand.u32 $0x40, s17;
	s19 =	sand.u32 $0x3C00, s17  }
0x2a3: {  	s20 =	sor.u32 s18, s19  }
0x2a4: {  	v7 =	vld [tilespmem:s20+$0x4130]  }
0x2a5: {  	v0 =	vadd.f32 v4, v0;
	v1 =	vadd.f32 v5, v1;
	v5 =	vld [tilespmem:s20+$0x4100]  }
0x2a6: {  	s21 =	simm.s32 $0x40;
	s22 =	simm.s32 $0x0;
	v2 =	vadd.f32 v6, v2;
	v6 =	vadd.f32 v8, v3;
	v8 =	vld [tilespmem:s20+$0x4110]  }
.LBB2_116:
0x2a7: {  	s23 =	sand.u32 $0x40, s21;
	v3 =	vld [tilespmem:s20+$0x4120];
	s22 =	sadd.s32 $0x200, s22;
	p0 =	sne.s32 s21, $0x7C0  }
.Ltmp62:
0x2a8: {  	s21 =	sadd.s32 $0x40, s21;
	s20 =	sand.u32 $0x3C00, s22;
	(pc) =	sbr.rel @p0 .LBB2_116-.Ltmp62, $4  }
0x2a9: {  	s20 =	sor.u32 s23, s20;
	v0 =	vadd.f32 v7, v0  }
0x2aa: {  	v7 =	vld [tilespmem:s20+$0x4130];
	v1 =	vadd.f32 v5, v1  }
0x2ab: {  	v5 =	vld [tilespmem:s20+$0x4100];
	v2 =	vadd.f32 v8, v2  }
0x2ac: {  	v8 =	vld [tilespmem:s20+$0x4110];
	v6 =	vadd.f32 v3, v6  }
0x2ad: {  	v9 =	vld [tilespmem:s20+$0x4120];
	_ =	sdelay $0x1  }
0x2ae: {  	s18 =	sor.u32 s18, s19  }
0x2af: {  	v4 =	vld [tilespmem:s18+$0x41B0]  }
0x2b0: {  	v3 =	vadd.f32 v7, v0;
	v1 =	vadd.f32 v5, v1;
	v5 =	vld [tilespmem:s18+$0x4180]  }
0x2b1: {  	s19 =	simm.s32 $0x40;
	v2 =	vadd.f32 v8, v2;
	v0 =	vadd.f32 v9, v6;
	v6 =	vld [tilespmem:s18+$0x4190]  }
.LBB2_118:
0x2b2: {  	s20 =	sand.u32 $0x40, s19;
	v7 =	vld [tilespmem:s18+$0x41A0];
	s17 =	sadd.s32 $0x200, s17;
	p0 =	sne.s32 s19, $0x7C0  }
.Ltmp63:
0x2b3: {  	s19 =	sadd.s32 $0x40, s19;
	s18 =	sand.u32 $0x3C00, s17;
	(pc) =	sbr.rel @p0 .LBB2_118-.Ltmp63, $4  }
0x2b4: {  	s18 =	sor.u32 s20, s18;
	v3 =	vadd.f32 v4, v3  }
0x2b5: {  	v4 =	vld [tilespmem:s18+$0x41B0];
	v1 =	vadd.f32 v5, v1  }
0x2b6: {  	v5 =	vld [tilespmem:s18+$0x4180];
	v2 =	vadd.f32 v6, v2  }
0x2b7: {  	v6 =	vld [tilespmem:s18+$0x4190];
	v0 =	vadd.f32 v7, v0  }
0x2b8: {  	p0 =	por $0x0, $0x0;
	s17 =	simm.s32 $0x1  }
0x2b9: {  	s17 =	simm.s32 @!p0 $0x0  }
0x2ba: {  	s17 =	sshll.u32 s17, $0x6  }
0x2bb: {  	s17 =	sadd.s32 $0x0, s17  }
0x2bc: {  	v7 =	vld [tilespmem:s18+$0x41A0];
	s29 =	sor.u32 $0x230, s17  }
0x2bd: {  	s19 =	sor.u32 $0x200, s17;
	v8 =	vld [tilespmem:s29+$0x4000]  }
0x2be: {  	p0 =	por !p0, !p0;
	s30 =	sor.u32 $0x210, s17;
	v9 =	vld [tilespmem:s19+$0x4000];
	s19 =	simm.s32 $0x1  }
0x2bf: {  	v10 =	vld [tilespmem:s30+$0x4000];
	s19 =	simm.s32 @!p0 $0x0  }
0x2c0: {  	s31 =	sor.u32 $0x220, s17;
	s18 =	sshll.u32 s19, $0x6  }
0x2c1: {  	v3 =	vadd.f32 v4, v3;
	v4 =	vadd.f32 v5, v1;
	v1 =	vld [tilespmem:s31+$0x4000];
	s22 =	sadd.s32 $0x200, s18  }
0x2c2: {  	v11 =	vadd.f32 v6, v2;
	s21 =	sor.u32 $0x230, s22  }
0x2c3: {  	s20 =	simm.s32 $0x200;
	p1 =	por !p0, !p0;
	v0 =	vadd.f32 v7, v0;
	s23 =	sor.u32 $0x200, s22;
	v2 =	vadd.f32 v8, v3;
	v5 =	vld [tilespmem:s21+$0x4000]  }
0x2c4: {  	s19 =	simm.s32 $0x80;
	s21 =	sor.u32 $0x210, s22;
	s22 =	sor.u32 $0x220, s22;
	v3 =	vadd.f32 v9, v4;
	v6 =	vld [tilespmem:s23+$0x4000];
	v4 =	vadd.f32 v10, v11  }
.LBB2_120:
0x2c5: {  	s23 =	simm.s32 $0x1  }
0x2c6: {  	p2 =	sne.s32 s19, $0x7C0;
	s19 =	sadd.s32 $0x40, s19;
	v7 =	vld [tilespmem:s21+$0x4000];
	v0 =	vadd.f32 v1, v0;
	s23 =	simm.s32 @!p1 $0x0  }
.Ltmp64:
0x2c7: {  	s20 =	sadd.s32 $0x200, s20;
	s21 =	sshll.u32 s23, $0x6;
	v1 =	vld [tilespmem:s22+$0x4000];
	(pc) =	sbr.rel @p2 .LBB2_120-.Ltmp64, $4  }
0x2c8: {  	s22 =	sadd.s32 s21, s20  }
0x2c9: {  	v2 =	vadd.f32 v5, v2;
	s23 =	sor.u32 $0x200, s22;
	s21 =	sor.u32 $0x210, s22;
	s24 =	sor.u32 $0x230, s22  }
0x2ca: {  	s22 =	sor.u32 $0x220, s22;
	v3 =	vadd.f32 v6, v3;
	v5 =	vld [tilespmem:s24+$0x4000]  }
0x2cb: {  	p1 =	por !p1, !p1;
	v4 =	vadd.f32 v7, v4;
	v6 =	vld [tilespmem:s23+$0x4000]  }
0x2cc: {  	v7 =	vld [tilespmem:s21+$0x4000]  }
0x2cd: {  	v8 =	vld [tilespmem:s22+$0x4000];
	s19 =	sor.u32 $0x2B0, s17  }
0x2ce: {  	s20 =	sor.u32 $0x280, s17;
	v9 =	vld [tilespmem:s19+$0x4000]  }
0x2cf: {  	s26 =	sor.u32 $0x290, s17;
	v10 =	vld [tilespmem:s20+$0x4000]  }
0x2d0: {  	v11 =	vld [tilespmem:s26+$0x4000]  }
0x2d1: {  	s28 =	sor.u32 $0x2A0, s17  }
0x2d2: {  	v0 =	vadd.f32 v1, v0;
	s29 =	sadd.s32 $0x200, s18;
	v1 =	vld [tilespmem:s28+$0x4000];
	v2 =	vadd.f32 v5, v2  }
0x2d3: {  	s30 =	sor.u32 $0x2B0, s29;
	v3 =	vadd.f32 v6, v3;
	v7 =	vadd.f32 v7, v4  }
0x2d4: {  	s17 =	simm.s32 $0x80;
	s18 =	simm.s32 $0x200;
	s31 =	sor.u32 $0x280, s29;
	v5 =	vld [tilespmem:s30+$0x4000];
	v0 =	vadd.f32 v8, v0;
	v2 =	vadd.f32 v9, v2  }
0x2d5: {  	p0 =	por !p0, !p0;
	s20 =	sor.u32 $0x290, s29;
	s19 =	sor.u32 $0x2A0, s29;
	v6 =	vld [tilespmem:s31+$0x4000];
	v4 =	vadd.f32 v10, v3;
	v3 =	vadd.f32 v11, v7  }
.LBB2_122:
0x2d6: {  	s21 =	simm.s32 $0x1  }
0x2d7: {  	p1 =	sne.s32 s17, $0x7C0;
	s17 =	sadd.s32 $0x40, s17;
	v7 =	vld [tilespmem:s20+$0x4000];
	v0 =	vadd.f32 v1, v0;
	s21 =	simm.s32 @!p0 $0x0  }
.Ltmp65:
0x2d8: {  	s18 =	sadd.s32 $0x200, s18;
	s20 =	sshll.u32 s21, $0x6;
	v1 =	vld [tilespmem:s19+$0x4000];
	(pc) =	sbr.rel @p1 .LBB2_122-.Ltmp65, $4  }
0x2d9: {  	s19 =	sadd.s32 s20, s18  }
0x2da: {  	v2 =	vadd.f32 v5, v2;
	s21 =	sor.u32 $0x280, s19;
	s20 =	sor.u32 $0x290, s19;
	s22 =	sor.u32 $0x2B0, s19  }
0x2db: {  	s19 =	sor.u32 $0x2A0, s19;
	v4 =	vadd.f32 v6, v4;
	v5 =	vld [tilespmem:s22+$0x4000]  }
0x2dc: {  	p0 =	por !p0, !p0;
	v3 =	vadd.f32 v7, v3;
	v6 =	vld [tilespmem:s21+$0x4000]  }
0x2dd: {  	v7 =	vld [tilespmem:s20+$0x4000];
	p0 =	por $0x0, $0x0;
	s17 =	simm.s32 $0x1  }
0x2de: {  	v8 =	vld [tilespmem:s19+$0x4000];
	p2 =	por $0x1, $0x1;
	s17 =	simm.s32 @!p0 $0x0  }
.Ltmp66:
0x2df: {  	s17 =	sshll.u32 s17, $0x6;
	(pc) =	sbr.rel @!p2 .LBB2_124-.Ltmp66, $4  }
0x2e0: {  	s17 =	sadd.s32 $0x0, s17  }
0x2e1: {  	v9 =	vadd.f32 v1, v0;
	s18 =	sor.u32 $0x330, s17  }
0x2e2: {  	v0 =	vadd.f32 v5, v2;
	v1 =	vadd.f32 v6, v4;
	s31 =	sor.u32 $0x300, s17;
	v4 =	vld [tilespmem:s18+$0x4000]  }
0x2e3: {  	p1 =	por !p0, !p0;
	s19 =	sor.u32 $0x310, s17;
	v2 =	vadd.f32 v7, v3;
	v3 =	vadd.f32 v8, v9;
	s18 =	sor.u32 $0x320, s17;
	v5 =	vld [tilespmem:s31+$0x4000]  }
0x2e4: {  	s20 =	simm.s32 $0x1  }
0x2e5: {  	v7 =	vld [tilespmem:s19+$0x4000];
	p5 =	por $0x1, $0x1;
	s20 =	simm.s32 @!p1 $0x0  }
.Ltmp67:
0x2e6: {  	s30 =	sshll.u32 s20, $0x6;
	(pc) =	sbr.rel @!p5 .LBB2_126-.Ltmp67, $4  }
0x2e7: {  	v6 =	vld [tilespmem:s18+$0x4000];
	s22 =	sadd.s32 $0x200, s30  }
0x2e8: {  	s21 =	simm.s32 $0x200;
	s31 =	sor.u32 $0x330, s22  }
0x2e9: {  	p4 =	por !p1, !p1;
	p3 =	por $0x1, $0x1;
	v0 =	vadd.f32 v4, v0;
	s23 =	sor.u32 $0x300, s22;
	v4 =	vld [tilespmem:s31+$0x4000]  }
0x2ea: {  	s20 =	simm.s32 $0x80;
	s19 =	sor.u32 $0x310, s22;
	v1 =	vadd.f32 v5, v1;
	s18 =	sor.u32 $0x320, s22;
	v5 =	vld [tilespmem:s23+$0x4000];
	v2 =	vadd.f32 v7, v2;
	v7 =	vmov v3  }
.LBB2_127:
0x2eb: {  	s22 =	simm.s32 $0x1  }
0x2ec: {  	p5 =	sne.s32 s20, $0x7C0;
	s20 =	sadd.s32 $0x40, s20;
	v8 =	vld [tilespmem:s19+$0x4000];
	v7 =	vadd.f32 v6, v7;
	s22 =	simm.s32 @!p4 $0x0  }
.Ltmp68:
0x2ed: {  	s21 =	sadd.s32 $0x200, s21;
	s19 =	sshll.u32 s22, $0x6;
	v6 =	vld [tilespmem:s18+$0x4000];
	(pc) =	sbr.rel @p5 .LBB2_127-.Ltmp68, $4  }
0x2ee: {  	s18 =	sadd.s32 s19, s21  }
0x2ef: {  	v0 =	vadd.f32 v4, v0;
	s22 =	sor.u32 $0x300, s18;
	s19 =	sor.u32 $0x310, s18;
	s23 =	sor.u32 $0x330, s18  }
0x2f0: {  	s18 =	sor.u32 $0x320, s18;
	v1 =	vadd.f32 v5, v1;
	v4 =	vld [tilespmem:s23+$0x4000]  }
0x2f1: {  	p4 =	por !p4, !p4;
	v2 =	vadd.f32 v8, v2;
	v5 =	vld [tilespmem:s22+$0x4000]  }
.LBB2_128:
0x2f2: {  	v8 =	vld [tilespmem:s19+$0x4000]  }
0x2f3: {  	v9 =	vld [tilespmem:s18+$0x4000]  }
.Ltmp69:
0x2f4: {  	_ = 	snop;
	(pc) =	sbr.rel @!p2 .LBB2_129-.Ltmp69, $4  }
0x2f5: {  	v6 =	vadd.f32 @p3 v6, v7  }
0x2f6: {  	s30 =	sor.u32 $0x3B0, s17  }
0x2f7: {  	s31 =	sor.u32 $0x380, s17;
	v3 =	vpsel p3, v6, v3;
	v0 =	vadd.f32 v4, v0;
	v4 =	vld [tilespmem:s30+$0x4000];
	v1 =	vadd.f32 v5, v1  }
0x2f8: {  	s18 =	sor.u32 $0x390, s17;
	s17 =	sor.u32 $0x3A0, s17;
	v5 =	vld [tilespmem:s31+$0x4000];
	v2 =	vadd.f32 v8, v2;
	v3 =	vadd.f32 v9, v3  }
0x2f9: {  	s19 =	simm.s32 $0x1  }
0x2fa: {  	v7 =	vld [tilespmem:s18+$0x4000];
	p2 =	por $0x1, $0x1;
	s19 =	simm.s32 @!p1 $0x0  }
.Ltmp70:
0x2fb: {  	s30 =	sshll.u32 s19, $0x6;
	(pc) =	sbr.rel @!p2 .LBB2_131-.Ltmp70, $4  }
0x2fc: {  	v6 =	vld [tilespmem:s17+$0x4000];
	s21 =	sadd.s32 $0x200, s30  }
0x2fd: {  	s20 =	simm.s32 $0x200;
	s31 =	sor.u32 $0x3B0, s21  }
0x2fe: {  	p0 =	por $0x1, $0x1;
	p1 =	por !p1, !p1;
	v0 =	vadd.f32 v4, v0;
	s22 =	sor.u32 $0x380, s21;
	v4 =	vld [tilespmem:s31+$0x4000]  }
0x2ff: {  	s19 =	simm.s32 $0x80;
	s18 =	sor.u32 $0x390, s21;
	v1 =	vadd.f32 v5, v1;
	s17 =	sor.u32 $0x3A0, s21;
	v5 =	vld [tilespmem:s22+$0x4000];
	v2 =	vadd.f32 v7, v2;
	v7 =	vmov v3  }
.LBB2_132:
0x300: {  	s21 =	simm.s32 $0x1  }
0x301: {  	p2 =	sne.s32 s19, $0x7C0;
	s19 =	sadd.s32 $0x40, s19;
	v8 =	vld [tilespmem:s18+$0x4000];
	v7 =	vadd.f32 v6, v7;
	s21 =	simm.s32 @!p1 $0x0  }
.Ltmp71:
0x302: {  	s20 =	sadd.s32 $0x200, s20;
	s18 =	sshll.u32 s21, $0x6;
	v6 =	vld [tilespmem:s17+$0x4000];
	(pc) =	sbr.rel @p2 .LBB2_132-.Ltmp71, $4  }
0x303: {  	s17 =	sadd.s32 s18, s20  }
0x304: {  	v0 =	vadd.f32 v4, v0;
	s21 =	sor.u32 $0x380, s17;
	s18 =	sor.u32 $0x390, s17;
	s22 =	sor.u32 $0x3B0, s17  }
0x305: {  	s17 =	sor.u32 $0x3A0, s17;
	v1 =	vadd.f32 v5, v1;
	v4 =	vld [tilespmem:s22+$0x4000]  }
0x306: {  	p1 =	por !p1, !p1;
	v2 =	vadd.f32 v8, v2;
	v5 =	vld [tilespmem:s21+$0x4000]  }
.LBB2_133:
0x307: {  	v8 =	vld [tilespmem:s18+$0x4000]  }
0x308: {  	v9 =	vld [tilespmem:s17+$0x4000];
	_ =	sdelay $0x1  }
0x309: {  	v6 =	vadd.f32 @p0 v6, v7;
	_ =	sdelay $0x1  }
0x30a: {  	v3 =	vpsel p0, v6, v3;
	v0 =	vadd.f32 v4, v0;
	v1 =	vadd.f32 v5, v1  }
0x30b: {  	v2 =	vadd.f32 v8, v2;
	v3 =	vadd.f32 v9, v3;
	_ =	sdelay $0x1  }
0x30c: {  	v1 =	vadd.f32 v2, v1;
	v0 =	vadd.f32 v0, v3;
	_ =	sdelay $0x1  }
0x30d: {  	v0 =	vadd.f32 v0, v1  }
0x30e: {  	s16 =	sadd.s32 $0x1, s16  }
0x30f: {  	p0 =	sne.s32 s16, s10;
	[tilespmem:$0x8000] =	vst v0  }
0x310: {  	[hbm4b:s9+s2] =	stream.linear.scatter [tilespmem:s14], [sflag:$0x3], $0x80, $0x38;
	[tilespmem:$0x8080] =	vst v63  }
.Ltmp72:
0x311: {  	_ = 	snop;
	(pc) =	sbr.rel @p0 .LBB2_1-.Ltmp72, $4  }
.Ltmp73:
0x312: {  	_ = 	snop;
	(pc) =	sbr.rel @!p0 .LBB2_134-.Ltmp73, $4  }
0x313: {  	_ =	swait.ge [sflag:s15], $0x80  }
0x314: {  	[sflag:s15] =	ssyncset.done $0x0  }
0x315: {  	[sflag:s15] =	ssyncadd.s32 $0xFFFFFF80  }
0x316: {  	_ = 	snop  }
.LBB2_12:
.Ltmp74:
0x317: {  	(pc) =	sbr.rel .LBB2_16-.Ltmp74, $2  }
0x318: {  	_ =	sdelay $0x2  }
0x319: {  	v7 =	vmov v4  }
.LBB2_17:
.Ltmp75:
0x31a: {  	(pc) =	sbr.rel .LBB2_21-.Ltmp75, $2  }
0x31b: {  	_ =	sdelay $0x2  }
0x31c: {  	v7 =	vmov v2  }
.LBB2_36:
.Ltmp76:
0x31d: {  	(pc) =	sbr.rel .LBB2_40-.Ltmp76, $2  }
0x31e: {  	_ =	sdelay $0x2  }
0x31f: {  	p3 =	por $0x0, $0x0;
	v7 =	vmov v3  }
.LBB2_41:
.Ltmp77:
0x320: {  	(pc) =	sbr.rel .LBB2_45-.Ltmp77, $2  }
0x321: {  	_ =	sdelay $0x2  }
0x322: {  	v7 =	vmov v3  }
.LBB2_58:
.Ltmp78:
0x323: {  	(pc) =	sbr.rel .LBB2_62-.Ltmp78, $2  }
0x324: {  	_ =	sdelay $0x2  }
0x325: {  	p3 =	por $0x0, $0x0;
	v7 =	vmov v3  }
.LBB2_63:
.Ltmp79:
0x326: {  	(pc) =	sbr.rel .LBB2_67-.Ltmp79, $2  }
0x327: {  	_ =	sdelay $0x2  }
0x328: {  	v7 =	vmov v3  }
.LBB2_80:
.Ltmp80:
0x329: {  	(pc) =	sbr.rel .LBB2_84-.Ltmp80, $2  }
0x32a: {  	_ =	sdelay $0x2  }
0x32b: {  	p3 =	por $0x0, $0x0;
	v7 =	vmov v3  }
.LBB2_85:
.Ltmp81:
0x32c: {  	(pc) =	sbr.rel .LBB2_89-.Ltmp81, $2  }
0x32d: {  	_ =	sdelay $0x2  }
0x32e: {  	v7 =	vmov v3  }
.LBB2_102:
.Ltmp82:
0x32f: {  	(pc) =	sbr.rel .LBB2_106-.Ltmp82, $2  }
0x330: {  	_ =	sdelay $0x2  }
0x331: {  	p3 =	por $0x0, $0x0;
	v7 =	vmov v3  }
.LBB2_107:
.Ltmp83:
0x332: {  	(pc) =	sbr.rel .LBB2_111-.Ltmp83, $2  }
0x333: {  	_ =	sdelay $0x2  }
0x334: {  	v7 =	vmov v3  }
.LBB2_124:
.Ltmp84:
0x335: {  	(pc) =	sbr.rel .LBB2_128-.Ltmp84, $2  }
0x336: {  	_ =	sdelay $0x2  }
0x337: {  	p3 =	por $0x0, $0x0;
	v7 =	vmov v3  }
.LBB2_129:
.Ltmp85:
0x338: {  	(pc) =	sbr.rel .LBB2_133-.Ltmp85, $2  }
0x339: {  	_ =	sdelay $0x2  }
0x33a: {  	v7 =	vmov v3  }
.LBB2_14:
.Ltmp86:
0x33b: {  	(pc) =	sbr.rel .LBB2_16-.Ltmp86, $2  }
0x33c: {  	_ =	sdelay $0x2  }
0x33d: {  	v7 =	vmov v4  }
.LBB2_19:
.Ltmp87:
0x33e: {  	(pc) =	sbr.rel .LBB2_21-.Ltmp87, $2  }
0x33f: {  	_ =	sdelay $0x2  }
0x340: {  	v7 =	vmov v2  }
.LBB2_38:
.Ltmp88:
0x341: {  	(pc) =	sbr.rel .LBB2_40-.Ltmp88, $2  }
0x342: {  	_ =	sdelay $0x2  }
0x343: {  	v7 =	vmov v3  }
.LBB2_43:
.Ltmp89:
0x344: {  	(pc) =	sbr.rel .LBB2_45-.Ltmp89, $2  }
0x345: {  	_ =	sdelay $0x2  }
0x346: {  	v7 =	vmov v3  }
.LBB2_60:
.Ltmp90:
0x347: {  	(pc) =	sbr.rel .LBB2_62-.Ltmp90, $2  }
0x348: {  	_ =	sdelay $0x2  }
0x349: {  	v7 =	vmov v3  }
.LBB2_65:
.Ltmp91:
0x34a: {  	(pc) =	sbr.rel .LBB2_67-.Ltmp91, $2  }
0x34b: {  	_ =	sdelay $0x2  }
0x34c: {  	v7 =	vmov v3  }
.LBB2_82:
.Ltmp92:
0x34d: {  	(pc) =	sbr.rel .LBB2_84-.Ltmp92, $2  }
0x34e: {  	_ =	sdelay $0x2  }
0x34f: {  	v7 =	vmov v3  }
.LBB2_87:
.Ltmp93:
0x350: {  	(pc) =	sbr.rel .LBB2_89-.Ltmp93, $2  }
0x351: {  	_ =	sdelay $0x2  }
0x352: {  	v7 =	vmov v3  }
.LBB2_104:
.Ltmp94:
0x353: {  	(pc) =	sbr.rel .LBB2_106-.Ltmp94, $2  }
0x354: {  	_ =	sdelay $0x2  }
0x355: {  	v7 =	vmov v3  }
.LBB2_109:
.Ltmp95:
0x356: {  	(pc) =	sbr.rel .LBB2_111-.Ltmp95, $2  }
0x357: {  	_ =	sdelay $0x2  }
0x358: {  	v7 =	vmov v3  }
.LBB2_126:
.Ltmp96:
0x359: {  	(pc) =	sbr.rel .LBB2_128-.Ltmp96, $2  }
0x35a: {  	_ =	sdelay $0x2  }
0x35b: {  	v7 =	vmov v3  }
.LBB2_131:
.Ltmp97:
0x35c: {  	(pc) =	sbr.rel .LBB2_133-.Ltmp97, $2  }
0x35d: {  	_ =	sdelay $0x2  }
0x35e: {  	v7 =	vmov v3  }
.LBB2_134:
0x35f: {  	_ =	sfence.sel $0x180000  }
0x360: {  	[bflag:$0x0] =	sbarrier.arrive $0xFFFF  }
0x361: {  	p0 =	sne.s32 s0, $0x0;
	_ =	strace $0x90000047  }
0x362: {  	s0 =	sadd.s32 @!p0 $0x100000, s1;
	[bflag:$0x2] =	sbarrier.arrive $0xFFFF  }
0x363: {  	[sflag:s0] =	ssyncadd.tile.s32 @!p0 $0x1;
	_ =	shalt  }
.Lfunc_end2:
_tile_overlayer_lowered:
.L_overlay_start_2:
0x364: {  	(tag) =	ssettag $0x2  }
0x365: {  	s0 =	rddreg [dreg:$0x0];
	s2 =	stileid.u32  }
0x366: {  	s1 =	rddreg [dreg:$0x1];
	p0 =	sne.s32 s2, $0x0  }
0x367: {  	s3 =	rddreg [dreg:$0x2];
	[bflag:$0x3] =	sbarrier.arrive $0xFFFF;
	s2 =	simm.s32 @!p0 $0x1C03  }
0x368: {  	[timem:s3], [sflag:s2] =	dma.local @!p0 [hbm:s0], s1  }
0x369: {  	s0 =	simm.s32 @!p0 $0x3  }
0x36a: {  	_ =	swait.ge @!p0 [sflag:s0], s1  }
0x36b: {  	s1 =	ssub.s32 @!p0 $0x0, s1;
	[sflag:s0] =	ssyncset.done @!p0 $0x0  }
0x36c: {  	[sflag:s0] =	ssyncadd.s32 @!p0 s1  }
0x36d: {  	[bflag:$0x3] =	sbarrier.arrive $0xFFFF  }
0x36e: {  	_ =	shalt  }

</sc_bundles>
